<compile_context>
chip_gen: v7x
topology: tpu7x:2x2x1
jax: 0.10.2.dev20260603
libtpu: 0.0.44.dev20260713+nightly
codegen_flags: <defaults>
</compile_context>

<pallas_src>
import functools

import jax
import jax.numpy as jnp
from jax import lax
from jax.experimental import pallas as pl
from jax.experimental.pallas import tpu as pltpu
from jax.experimental.pallas import tpu_sc as plsc

_N = 10000
_D = 128
_H = 64
_W = 128
_E = 320000

_NC = 2
_NS = 16
_NW = _NC * _NS

_BPW = _E // _NW
_CB = 32
_NFULL = _BPW // _CB
_TAIL = _BPW - _NFULL * _CB


def _mm_body(x_ref, wt_ref, b_ref, o_ref):
    h = (
        jnp.dot(x_ref[...], wt_ref[...], preferred_element_type=jnp.float32)
        + b_ref[...]
    )
    o_ref[:, 0:_H] = h
    o_ref[:, _H:_W] = h


def _project_dup(features, W, b):
    wt = W.T
    return pl.pallas_call(
        _mm_body,
        grid=(10,),
        in_specs=[
            pl.BlockSpec((_N // 10, _D), lambda i: (i, 0)),
            pl.BlockSpec((_D, _H), lambda i: (0, 0)),
            pl.BlockSpec((1, _H), lambda i: (0, 0)),
        ],
        out_specs=pl.BlockSpec((_N // 10, _W), lambda i: (i, 0)),
        out_shape=jax.ShapeDtypeStruct((_N, _W), jnp.float32),
    )(features, wt, b.reshape(1, _H))


_mesh = plsc.VectorSubcoreMesh(core_axis_name="c", subcore_axis_name="s")


@functools.partial(
    pl.kernel,
    mesh=_mesh,
    out_type=jax.ShapeDtypeStruct((_E, _H), jnp.float32),
    scratch_types=[
        pltpu.VMEM((_BPW,), jnp.int32),
        pltpu.VMEM((_BPW,), jnp.int32),
        pltpu.VMEM((_CB, _W), jnp.float32),
        pltpu.VMEM((_CB, _W), jnp.float32),
        pltpu.VMEM((_CB, _W), jnp.float32),
        pltpu.VMEM((_CB, _W), jnp.float32),
        pltpu.VMEM((_CB, _H), jnp.float32),
        pltpu.VMEM((_CB, _H), jnp.float32),
        pltpu.VMEM_SHARED((_N, _W), jnp.float32),
        pltpu.SemaphoreType.DMA,
        pltpu.SemaphoreType.DMA,
        pltpu.SemaphoreType.DMA,
        pltpu.SemaphoreType.DMA,
    ],
)
def _edge_sc(h_hbm, s_hbm, d_hbm, f_hbm,
             idx_s, idx_d, rs0, rs1, rd0, rd1, ro0, ro1, h_sp,
             sg0, sg1, so0, so1):
    wid = lax.axis_index("s") * _NC + lax.axis_index("c")
    ebase = wid * _BPW

    sid = lax.axis_index("s")
    rows_per_tile = (_N // _NS) // 8 * 8
    tail_rows = _N - rows_per_tile * _NS
    pltpu.sync_copy(
        h_hbm.at[pl.ds(sid * rows_per_tile, rows_per_tile)],
        h_sp.at[pl.ds(sid * rows_per_tile, rows_per_tile)],
    )

    @pl.when(sid == 0)
    def _copy_tail():
        pltpu.sync_copy(
            h_hbm.at[pl.ds(rows_per_tile * _NS, tail_rows)],
            h_sp.at[pl.ds(rows_per_tile * _NS, tail_rows)],
        )

    plsc.subcore_barrier()

    rs = (rs0, rs1)
    rd = (rd0, rd1)
    ro = (ro0, ro1)
    sg = (sg0, sg1)
    so = (so0, so1)

    def do_rel(s_hbm, d_hbm, f_hbm):
        pltpu.sync_copy(s_hbm.at[pl.ds(ebase, _BPW)], idx_s)
        pltpu.sync_copy(d_hbm.at[pl.ds(ebase, _BPW)], idx_d)

        def issue_gather(k, buf):
            pltpu.async_copy(h_sp.at[idx_s.at[pl.ds(k * _CB, _CB)]], rs[buf], sg[buf])
            pltpu.async_copy(h_sp.at[idx_d.at[pl.ds(k * _CB, _CB)]], rd[buf], sg[buf])

        def drain_gather(buf):
            pltpu.make_async_copy(h_hbm.at[pl.ds(0, _CB)], rs[buf], sg[buf]).wait()
            pltpu.make_async_copy(h_hbm.at[pl.ds(0, _CB)], rd[buf], sg[buf]).wait()

        def compute(buf, nedge):
            unroll = 4

            def edge_body(it, _):
                for u in range(unroll):
                    e = it * unroll + u
                    for j in range(_H // 16):
                        a = rs[buf][e, pl.ds(j * 16, 16)]
                        bb = rd[buf][e, pl.ds(j * 16, 16)]
                        ro[buf][e, pl.ds(j * 16, 16)] = jnp.abs(a - bb)
                return 0

            lax.fori_loop(0, nedge // unroll, edge_body, 0)

        def issue_out(k, buf):
            pltpu.async_copy(ro[buf], f_hbm.at[pl.ds(ebase + k * _CB, _CB)], so[buf])

        def drain_out(buf):
            pltpu.make_async_copy(f_hbm.at[pl.ds(0, _CB)], ro[buf], so[buf]).wait()

        def half(i, k, buf):
            drain_gather(buf)

            @pl.when(i > 0)
            def _drain_prev_out():
                drain_out(buf)

            compute(buf, _CB)
            issue_out(k, buf)

            @pl.when(k + 2 < _NFULL)
            def _prefetch():
                issue_gather(k + 2, buf)

        issue_gather(0, 0)
        issue_gather(1, 1)

        def pair_body(i, _):
            half(i, 2 * i, 0)
            half(i, 2 * i + 1, 1)
            return 0

        lax.fori_loop(0, _NFULL // 2, pair_body, 0)

        toff = _NFULL * _CB
        pltpu.async_copy(
            h_sp.at[idx_s.at[pl.ds(toff, _TAIL)]], rs0.at[pl.ds(0, _TAIL)], sg0)
        pltpu.async_copy(
            h_sp.at[idx_d.at[pl.ds(toff, _TAIL)]], rd0.at[pl.ds(0, _TAIL)], sg0)
        pltpu.make_async_copy(
            h_hbm.at[pl.ds(0, _TAIL)], rs0.at[pl.ds(0, _TAIL)], sg0).wait()
        pltpu.make_async_copy(
            h_hbm.at[pl.ds(0, _TAIL)], rd0.at[pl.ds(0, _TAIL)], sg0).wait()
        drain_out(0)

        def tail_body(e, _):
            for j in range(_H // 16):
                a = rs0[e, pl.ds(j * 16, 16)]
                bb = rd0[e, pl.ds(j * 16, 16)]
                ro0[e, pl.ds(j * 16, 16)] = jnp.abs(a - bb)
            return 0

        lax.fori_loop(0, _TAIL, tail_body, 0)
        pltpu.async_copy(
            ro0.at[pl.ds(0, _TAIL)], f_hbm.at[pl.ds(ebase + toff, _TAIL)], so0)

        pltpu.make_async_copy(
            f_hbm.at[pl.ds(0, _TAIL)], ro0.at[pl.ds(0, _TAIL)], so0).wait()
        drain_out(1)

    do_rel(s_hbm, d_hbm, f_hbm)


def kernel(features, W, b, edge_index0, edge_index1, labels0, labels1):
    hdup = _project_dup(features, W, b)
    f0 = _edge_sc(hdup, edge_index0[0], edge_index0[1])
    f1 = _edge_sc(hdup, edge_index1[0], edge_index1[1])
    return (edge_index0, edge_index1, f0, f1, labels0, labels1)

# --- scband reference (transcript-rebuilt; emitter-appended) ---
"""Pipeline reference for scband-selector-eage-4733053960547 (READ-ONLY COPY).

The authoritative reference and input builder live on the scoring server;
editing this copy changes nothing except your own understanding.
"""

import jax, jax.numpy as jnp
import numpy as np

N = 10000
D = 128
H = 64
E = 320000

def setup_inputs(seed: int = 0) -> dict:
    key = jax.random.key(seed)
    k1, k2, k3, k4, k5, k6, k7 = jax.random.split(key, 7)
    features = jax.random.normal(k1, (N, D), dtype=jnp.float32)
    edge_index0 = jax.random.randint(k2, (2, E), 0, N, dtype=jnp.int32)
    edge_index1 = jax.random.randint(k3, (2, E), 0, N, dtype=jnp.int32)
    labels0 = jax.random.randint(k4, (E,), 0, 2, dtype=jnp.int32)
    labels1 = jax.random.randint(k5, (E,), 0, 2, dtype=jnp.int32)
    # nn.Linear(feature_dim, feature_dim // 2) parameters (the 'preception' layer)
    bound = 1.0 / np.sqrt(D)
    W = jax.random.uniform(k6, (H, D), minval=-bound, maxval=bound, dtype=jnp.float32)
    b = jax.random.uniform(k7, (H,), minval=-bound, maxval=bound, dtype=jnp.float32)
    return {"features": features, "W": W, "b": b,
            "edge_index0": edge_index0, "edge_index1": edge_index1,
            "labels0": labels0, "labels1": labels1}

def reference(features, W, b, edge_index0, edge_index1, labels0, labels1):
    # Project all (unique) batch node features through the perception linear layer.
    h = features @ W.T + b  # [N, H]
    # Relation 0 (follower): per-edge feature = |h[center] - h[neighbor]|
    f0 = jnp.abs(jnp.take(h, edge_index0[0], axis=0) - jnp.take(h, edge_index0[1], axis=0))  # [E, H]
    # Relation 1 (friend)
    f1 = jnp.abs(jnp.take(h, edge_index1[0], axis=0) - jnp.take(h, edge_index1[1], axis=0))  # [E, H]
    follower = edge_index0
    friend = edge_index1
    return (follower, friend, f0, f1, labels0, labels1)

if __name__ == "__main__":
    import jax
    _d = setup_inputs()
    print(jax.jit(kernel)(*tuple(_d.values())))

</pallas_src>

<mosaic_0001>
#map = affine_map<(d0, d1) -> (0, 0)>
#map1 = affine_map<(d0, d1) -> (0)>
module attributes {stable_mosaic.version = 14 : i64} {
  func.func @_edge_sc(%arg0: i32, %arg1: i32, %arg2: memref<10000x128xf32, #tpu.memory_space<hbm>>, %arg3: memref<320000xi32, #tpu.memory_space<hbm>>, %arg4: memref<320000xi32, #tpu.memory_space<hbm>>, %arg5: memref<320000x64xf32, #tpu.memory_space<hbm>>, %arg6: memref<10000xi32, #tpu.memory_space<vmem>>, %arg7: memref<10000xi32, #tpu.memory_space<vmem>>, %arg8: memref<32x128xf32, #tpu.memory_space<vmem>>, %arg9: memref<32x128xf32, #tpu.memory_space<vmem>>, %arg10: memref<32x128xf32, #tpu.memory_space<vmem>>, %arg11: memref<32x128xf32, #tpu.memory_space<vmem>>, %arg12: memref<32x64xf32, #tpu.memory_space<vmem>>, %arg13: memref<32x64xf32, #tpu.memory_space<vmem>>, %arg14: memref<10000x128xf32, #tpu.memory_space<vmem_shared>>, %arg15: memref<!tpu.dma_semaphore, #tpu.memory_space<semaphore_mem>>, %arg16: memref<!tpu.dma_semaphore, #tpu.memory_space<semaphore_mem>>, %arg17: memref<!tpu.dma_semaphore, #tpu.memory_space<semaphore_mem>>, %arg18: memref<!tpu.dma_semaphore, #tpu.memory_space<semaphore_mem>>) attributes {dimension_semantics = [#tpu.dimension_semantics<core_parallel>, #tpu.dimension_semantics<subcore_parallel>], iteration_bounds = array<i64: 2, 16>, scalar_prefetch = 0 : i64, scratch_operands = 13 : i64, tpu.core_type = #tpu.core_type<sc_vector_subcore>, window_params = [{transform_indices = #map}, {transform_indices = #map1}, {transform_indices = #map1}, {transform_indices = #map}]} {
    %mul3A = arith.constant 2 : i32
    %mul3A_0 = arith.muli %arg1, %mul3A : i32
    %add3A = arith.addi %mul3A_0, %arg0 : i32
    %mul3A_1 = arith.constant 10000 : i32
    %mul3A_2 = arith.muli %add3A, %mul3A_1 : i32
    %mul3A_3 = arith.constant 624 : i32
    %mul3A_4 = arith.muli %arg1, %mul3A_3 : i32
    %mul3A_5 = arith.constant 624 : i32
    %mul3A_6 = arith.muli %arg1, %mul3A_5 : i32
    "tpu.region"() ({
      %run_scoped3A = tpu.sem_alloc : memref<!tpu.dma_semaphore, #tpu.memory_space<semaphore_mem>>
      %dma_start3A_116 = arith.constant 0 : i32
      %dma_start3A_117 = tpu.memref_slice %arg14[%mul3A_6, %dma_start3A_116] : memref<10000x128xf32, #tpu.memory_space<vmem_shared>> -> memref<624x128xf32, #tpu.memory_space<vmem_shared>>
      %dma_start3A_118 = arith.constant 0 : i32
      %dma_start3A_119 = tpu.memref_slice %arg2[%mul3A_4, %dma_start3A_118] : memref<10000x128xf32, #tpu.memory_space<hbm>> -> memref<624x128xf32, #tpu.memory_space<hbm>>
      tpu.enqueue_dma source(%dma_start3A_119 : memref<624x128xf32, #tpu.memory_space<hbm>>) target(%dma_start3A_117 : memref<624x128xf32, #tpu.memory_space<vmem_shared>>) target_semaphore(%run_scoped3A : memref<!tpu.dma_semaphore, #tpu.memory_space<semaphore_mem>>)
      %dma_wait3A_120 = arith.constant 0 : i32
      %dma_wait3A_121 = tpu.memref_slice %arg14[%mul3A_6, %dma_wait3A_120] : memref<10000x128xf32, #tpu.memory_space<vmem_shared>> -> memref<624x128xf32, #tpu.memory_space<vmem_shared>>
      %dma_wait3A_122 = arith.constant 0 : i32
      %dma_wait3A_123 = tpu.memref_slice %arg2[%mul3A_4, %dma_wait3A_122] : memref<10000x128xf32, #tpu.memory_space<hbm>> -> memref<624x128xf32, #tpu.memory_space<hbm>>
      tpu.wait_dma2 semaphore(%run_scoped3A : memref<!tpu.dma_semaphore, #tpu.memory_space<semaphore_mem>>) src(%dma_wait3A_123 : memref<624x128xf32, #tpu.memory_space<hbm>>) dst(%dma_wait3A_121 : memref<624x128xf32, #tpu.memory_space<vmem_shared>>)
      tpu.yield
    }) : () -> ()
    %eq3A = arith.constant 0 : i32
    %eq3A_7 = arith.cmpi eq, %arg1, %eq3A : i32
    %convert_element_type3A = arith.extui %eq3A_7 : i1 to i32
    %cond3A = arith.constant 0 : i32
    %cond3A_8 = arith.cmpi ne, %convert_element_type3A, %cond3A : i32
    scf.if %cond3A_8 {
      "tpu.region"() ({
        %run_scoped3A = tpu.sem_alloc : memref<!tpu.dma_semaphore, #tpu.memory_space<semaphore_mem>>
        %dma_start3A_116 = arith.constant 9984 : i32
        %dma_start3A_117 = arith.constant 0 : i32
        %dma_start3A_118 = tpu.memref_slice %arg14[%dma_start3A_116, %dma_start3A_117] : memref<10000x128xf32, #tpu.memory_space<vmem_shared>> -> memref<16x128xf32, #tpu.memory_space<vmem_shared>>
        %dma_start3A_119 = arith.constant 9984 : i32
        %dma_start3A_120 = arith.constant 0 : i32
        %dma_start3A_121 = tpu.memref_slice %arg2[%dma_start3A_119, %dma_start3A_120] : memref<10000x128xf32, #tpu.memory_space<hbm>> -> memref<16x128xf32, #tpu.memory_space<hbm>>
        tpu.enqueue_dma source(%dma_start3A_121 : memref<16x128xf32, #tpu.memory_space<hbm>>) target(%dma_start3A_118 : memref<16x128xf32, #tpu.memory_space<vmem_shared>>) target_semaphore(%run_scoped3A : memref<!tpu.dma_semaphore, #tpu.memory_space<semaphore_mem>>)
        %dma_wait3A_122 = arith.constant 9984 : i32
        %dma_wait3A_123 = arith.constant 0 : i32
        %dma_wait3A_124 = tpu.memref_slice %arg14[%dma_wait3A_122, %dma_wait3A_123] : memref<10000x128xf32, #tpu.memory_space<vmem_shared>> -> memref<16x128xf32, #tpu.memory_space<vmem_shared>>
        %dma_wait3A_125 = arith.constant 9984 : i32
        %dma_wait3A_126 = arith.constant 0 : i32
        %dma_wait3A_127 = tpu.memref_slice %arg2[%dma_wait3A_125, %dma_wait3A_126] : memref<10000x128xf32, #tpu.memory_space<hbm>> -> memref<16x128xf32, #tpu.memory_space<hbm>>
        tpu.wait_dma2 semaphore(%run_scoped3A : memref<!tpu.dma_semaphore, #tpu.memory_space<semaphore_mem>>) src(%dma_wait3A_127 : memref<16x128xf32, #tpu.memory_space<hbm>>) dst(%dma_wait3A_124 : memref<16x128xf32, #tpu.memory_space<vmem_shared>>)
        tpu.yield
      }) : () -> ()
    } else {
    }
    %barrier3A = arith.constant 0 : index
    tpu.barrier barrier_id(%barrier3A)
    "tpu.region"() ({
      %run_scoped3A = tpu.sem_alloc : memref<!tpu.dma_semaphore, #tpu.memory_space<semaphore_mem>>
      %dma_start3A_116 = tpu.memref_slice %arg3[%mul3A_2] : memref<320000xi32, #tpu.memory_space<hbm>> -> memref<10000xi32, #tpu.memory_space<hbm>>
      %dma_start3A_117 = tpu.memref_slice %arg3[%mul3A_2] : memref<320000xi32, #tpu.memory_space<hbm>> -> memref<10000xi32, #tpu.memory_space<hbm>>
      tpu.enqueue_dma source(%dma_start3A_117 : memref<10000xi32, #tpu.memory_space<hbm>>) target(%arg6 : memref<10000xi32, #tpu.memory_space<vmem>>) target_semaphore(%run_scoped3A : memref<!tpu.dma_semaphore, #tpu.memory_space<semaphore_mem>>)
      %dma_wait3A_118 = tpu.memref_slice %arg3[%mul3A_2] : memref<320000xi32, #tpu.memory_space<hbm>> -> memref<10000xi32, #tpu.memory_space<hbm>>
      %dma_wait3A_119 = tpu.memref_slice %arg3[%mul3A_2] : memref<320000xi32, #tpu.memory_space<hbm>> -> memref<10000xi32, #tpu.memory_space<hbm>>
      tpu.wait_dma2 semaphore(%run_scoped3A : memref<!tpu.dma_semaphore, #tpu.memory_space<semaphore_mem>>) src(%dma_wait3A_119 : memref<10000xi32, #tpu.memory_space<hbm>>) dst(%arg6 : memref<10000xi32, #tpu.memory_space<vmem>>)
      tpu.yield
    }) : () -> ()
    "tpu.region"() ({
      %run_scoped3A = tpu.sem_alloc : memref<!tpu.dma_semaphore, #tpu.memory_space<semaphore_mem>>
      %dma_start3A_116 = tpu.memref_slice %arg4[%mul3A_2] : memref<320000xi32, #tpu.memory_space<hbm>> -> memref<10000xi32, #tpu.memory_space<hbm>>
      %dma_start3A_117 = tpu.memref_slice %arg4[%mul3A_2] : memref<320000xi32, #tpu.memory_space<hbm>> -> memref<10000xi32, #tpu.memory_space<hbm>>
      tpu.enqueue_dma source(%dma_start3A_117 : memref<10000xi32, #tpu.memory_space<hbm>>) target(%arg7 : memref<10000xi32, #tpu.memory_space<vmem>>) target_semaphore(%run_scoped3A : memref<!tpu.dma_semaphore, #tpu.memory_space<semaphore_mem>>)
      %dma_wait3A_118 = tpu.memref_slice %arg4[%mul3A_2] : memref<320000xi32, #tpu.memory_space<hbm>> -> memref<10000xi32, #tpu.memory_space<hbm>>
      %dma_wait3A_119 = tpu.memref_slice %arg4[%mul3A_2] : memref<320000xi32, #tpu.memory_space<hbm>> -> memref<10000xi32, #tpu.memory_space<hbm>>
      tpu.wait_dma2 semaphore(%run_scoped3A : memref<!tpu.dma_semaphore, #tpu.memory_space<semaphore_mem>>) src(%dma_wait3A_119 : memref<10000xi32, #tpu.memory_space<hbm>>) dst(%arg7 : memref<10000xi32, #tpu.memory_space<vmem>>)
      tpu.yield
    }) : () -> ()
    %dma_start3A = arith.constant 0 : i32
    %dma_start3A_9 = tpu.memref_slice %arg6[%dma_start3A] : memref<10000xi32, #tpu.memory_space<vmem>> -> memref<32xi32, #tpu.memory_space<vmem>>
    %dma_start3A_10 = arith.constant 0 : i32
    %dma_start3A_11 = arith.constant 0 : i32
    %dma_start3A_12 = tpu.memref_slice %arg14[%dma_start3A_10, %dma_start3A_11] : memref<10000x128xf32, #tpu.memory_space<vmem_shared>> -> memref<10000x128xf32, #tpu.memory_space<vmem_shared>>
    tpu.enqueue_indirect_dma source(%dma_start3A_12 : memref<10000x128xf32, #tpu.memory_space<vmem_shared>>) target(%arg8 : memref<32x128xf32, #tpu.memory_space<vmem>>) offsets(%dma_start3A_9 : memref<32xi32, #tpu.memory_space<vmem>>) semaphore(%arg15 : memref<!tpu.dma_semaphore, #tpu.memory_space<semaphore_mem>>)
    %dma_start3A_13 = arith.constant 0 : i32
    %dma_start3A_14 = tpu.memref_slice %arg7[%dma_start3A_13] : memref<10000xi32, #tpu.memory_space<vmem>> -> memref<32xi32, #tpu.memory_space<vmem>>
    %dma_start3A_15 = arith.constant 0 : i32
    %dma_start3A_16 = arith.constant 0 : i32
    %dma_start3A_17 = tpu.memref_slice %arg14[%dma_start3A_15, %dma_start3A_16] : memref<10000x128xf32, #tpu.memory_space<vmem_shared>> -> memref<10000x128xf32, #tpu.memory_space<vmem_shared>>
    tpu.enqueue_indirect_dma source(%dma_start3A_17 : memref<10000x128xf32, #tpu.memory_space<vmem_shared>>) target(%arg10 : memref<32x128xf32, #tpu.memory_space<vmem>>) offsets(%dma_start3A_14 : memref<32xi32, #tpu.memory_space<vmem>>) semaphore(%arg15 : memref<!tpu.dma_semaphore, #tpu.memory_space<semaphore_mem>>)
    %dma_start3A_18 = arith.constant 32 : i32
    %dma_start3A_19 = tpu.memref_slice %arg6[%dma_start3A_18] : memref<10000xi32, #tpu.memory_space<vmem>> -> memref<32xi32, #tpu.memory_space<vmem>>
    %dma_start3A_20 = arith.constant 0 : i32
    %dma_start3A_21 = arith.constant 0 : i32
    %dma_start3A_22 = tpu.memref_slice %arg14[%dma_start3A_20, %dma_start3A_21] : memref<10000x128xf32, #tpu.memory_space<vmem_shared>> -> memref<10000x128xf32, #tpu.memory_space<vmem_shared>>
    tpu.enqueue_indirect_dma source(%dma_start3A_22 : memref<10000x128xf32, #tpu.memory_space<vmem_shared>>) target(%arg9 : memref<32x128xf32, #tpu.memory_space<vmem>>) offsets(%dma_start3A_19 : memref<32xi32, #tpu.memory_space<vmem>>) semaphore(%arg16 : memref<!tpu.dma_semaphore, #tpu.memory_space<semaphore_mem>>)
    %dma_start3A_23 = arith.constant 32 : i32
    %dma_start3A_24 = tpu.memref_slice %arg7[%dma_start3A_23] : memref<10000xi32, #tpu.memory_space<vmem>> -> memref<32xi32, #tpu.memory_space<vmem>>
    %dma_start3A_25 = arith.constant 0 : i32
    %dma_start3A_26 = arith.constant 0 : i32
    %dma_start3A_27 = tpu.memref_slice %arg14[%dma_start3A_25, %dma_start3A_26] : memref<10000x128xf32, #tpu.memory_space<vmem_shared>> -> memref<10000x128xf32, #tpu.memory_space<vmem_shared>>
    tpu.enqueue_indirect_dma source(%dma_start3A_27 : memref<10000x128xf32, #tpu.memory_space<vmem_shared>>) target(%arg11 : memref<32x128xf32, #tpu.memory_space<vmem>>) offsets(%dma_start3A_24 : memref<32xi32, #tpu.memory_space<vmem>>) semaphore(%arg16 : memref<!tpu.dma_semaphore, #tpu.memory_space<semaphore_mem>>)
    %scan3A = arith.constant 0 : i32
    %scan3A_28 = arith.constant 0 : i32
    %scan3A_29 = arith.constant 156 : i32
    %scan3A_30 = arith.addi %scan3A_28, %scan3A_29 : i32
    %scan3A_31 = arith.constant 1 : i32
    %scan3A_32 = scf.for %scan3A_116 = %scan3A_28 to %scan3A_30 step %scan3A_31 iter_args(%scan3A_117 = %scan3A) -> (i32)  : i32 {
      %mul3A_118 = arith.constant 2 : i32
      %mul3A_119 = arith.muli %mul3A_118, %scan3A_116 : i32
      %dma_wait3A_120 = arith.constant 0 : i32
      %dma_wait3A_121 = arith.constant 0 : i32
      %dma_wait3A_122 = tpu.memref_slice %arg2[%dma_wait3A_120, %dma_wait3A_121] : memref<10000x128xf32, #tpu.memory_space<hbm>> -> memref<32x128xf32, #tpu.memory_space<hbm>>
      %dma_wait3A_123 = arith.constant 0 : i32
      %dma_wait3A_124 = arith.constant 0 : i32
      %dma_wait3A_125 = tpu.memref_slice %arg2[%dma_wait3A_123, %dma_wait3A_124] : memref<10000x128xf32, #tpu.memory_space<hbm>> -> memref<32x128xf32, #tpu.memory_space<hbm>>
      tpu.wait_dma2 semaphore(%arg15 : memref<!tpu.dma_semaphore, #tpu.memory_space<semaphore_mem>>) src(%dma_wait3A_125 : memref<32x128xf32, #tpu.memory_space<hbm>>) dst(%arg8 : memref<32x128xf32, #tpu.memory_space<vmem>>)
      %dma_wait3A_126 = arith.constant 0 : i32
      %dma_wait3A_127 = arith.constant 0 : i32
      %dma_wait3A_128 = tpu.memref_slice %arg2[%dma_wait3A_126, %dma_wait3A_127] : memref<10000x128xf32, #tpu.memory_space<hbm>> -> memref<32x128xf32, #tpu.memory_space<hbm>>
      %dma_wait3A_129 = arith.constant 0 : i32
      %dma_wait3A_130 = arith.constant 0 : i32
      %dma_wait3A_131 = tpu.memref_slice %arg2[%dma_wait3A_129, %dma_wait3A_130] : memref<10000x128xf32, #tpu.memory_space<hbm>> -> memref<32x128xf32, #tpu.memory_space<hbm>>
      tpu.wait_dma2 semaphore(%arg15 : memref<!tpu.dma_semaphore, #tpu.memory_space<semaphore_mem>>) src(%dma_wait3A_131 : memref<32x128xf32, #tpu.memory_space<hbm>>) dst(%arg10 : memref<32x128xf32, #tpu.memory_space<vmem>>)
      %gt3A = arith.constant 0 : i32
      %gt3A_132 = arith.cmpi sgt, %scan3A_116, %gt3A : i32
      %convert_element_type3A_133 = arith.extui %gt3A_132 : i1 to i32
      %cond3A_134 = arith.constant 0 : i32
      %cond3A_135 = arith.cmpi ne, %convert_element_type3A_133, %cond3A_134 : i32
      scf.if %cond3A_135 {
        %dma_wait3A_199 = arith.constant 0 : i32
        %dma_wait3A_200 = arith.constant 0 : i32
        %dma_wait3A_201 = tpu.memref_slice %arg5[%dma_wait3A_199, %dma_wait3A_200] : memref<320000x64xf32, #tpu.memory_space<hbm>> -> memref<32x64xf32, #tpu.memory_space<hbm>>
        %dma_wait3A_202 = arith.constant 0 : i32
        %dma_wait3A_203 = arith.constant 0 : i32
        %dma_wait3A_204 = tpu.memref_slice %arg5[%dma_wait3A_202, %dma_wait3A_203] : memref<320000x64xf32, #tpu.memory_space<hbm>> -> memref<32x64xf32, #tpu.memory_space<hbm>>
        tpu.wait_dma2 semaphore(%arg17 : memref<!tpu.dma_semaphore, #tpu.memory_space<semaphore_mem>>) src(%dma_wait3A_204 : memref<32x64xf32, #tpu.memory_space<hbm>>) dst(%arg12 : memref<32x64xf32, #tpu.memory_space<vmem>>)
      } else {
      }
      %scan3A_136 = arith.constant 0 : i32
      %scan3A_137 = arith.constant 0 : i32
      %scan3A_138 = arith.constant 8 : i32
      %scan3A_139 = arith.addi %scan3A_137, %scan3A_138 : i32
      %scan3A_140 = arith.constant 1 : i32
      %scan3A_141 = scf.for %scan3A_199 = %scan3A_137 to %scan3A_139 step %scan3A_140 iter_args(%scan3A_200 = %scan3A_136) -> (i32)  : i32 {
        %mul3A_201 = arith.constant 4 : i32
        %mul3A_202 = arith.muli %scan3A_199, %mul3A_201 : i32
        %add3A_203 = arith.constant 0 : i32
        %add3A_204 = arith.addi %mul3A_202, %add3A_203 : i32
        %get3A = arith.index_cast %add3A_204 : i32 to index
        %get3A_205 = arith.constant 0 : index
        %get3A_206 = tpu.vector_load %arg8[%get3A, %get3A_205] {strides = array<i32>} : memref<32x128xf32, #tpu.memory_space<vmem>>, vector<1x16xf32>,
        %get3A_207 = vector.shape_cast %get3A_206 : vector<1x16xf32> to vector<16xf32>
        %get3A_208 = arith.index_cast %add3A_204 : i32 to index
        %get3A_209 = arith.constant 0 : index
        %get3A_210 = tpu.vector_load %arg10[%get3A_208, %get3A_209] {strides = array<i32>} : memref<32x128xf32, #tpu.memory_space<vmem>>, vector<1x16xf32>,
        %get3A_211 = vector.shape_cast %get3A_210 : vector<1x16xf32> to vector<16xf32>
        %sub3A = arith.subf %get3A_207, %get3A_211 : vector<16xf32>
        %abs3A = math.absf %sub3A : vector<16xf32>
        %swap3A = arith.index_cast %add3A_204 : i32 to index
        %swap3A_212 = arith.constant 0 : index
        %swap3A_213 = tpu.vector_load %arg12[%swap3A, %swap3A_212] {strides = array<i32>} : memref<32x64xf32, #tpu.memory_space<vmem>>, vector<1x16xf32>,
        %swap3A_214 = vector.shape_cast %swap3A_213 : vector<1x16xf32> to vector<16xf32>
        %swap3A_215 = vector.shape_cast %abs3A : vector<16xf32> to vector<1x16xf32>
        tpu.vector_store %arg12[%swap3A, %swap3A_212], %swap3A_215 {strides = array<i32>} : memref<32x64xf32, #tpu.memory_space<vmem>>, vector<1x16xf32>,
        %get3A_216 = arith.index_cast %add3A_204 : i32 to index
        %get3A_217 = arith.constant 16 : index
        %get3A_218 = tpu.vector_load %arg8[%get3A_216, %get3A_217] {strides = array<i32>} : memref<32x128xf32, #tpu.memory_space<vmem>>, vector<1x16xf32>,
        %get3A_219 = vector.shape_cast %get3A_218 : vector<1x16xf32> to vector<16xf32>
        %get3A_220 = arith.index_cast %add3A_204 : i32 to index
        %get3A_221 = arith.constant 16 : index
        %get3A_222 = tpu.vector_load %arg10[%get3A_220, %get3A_221] {strides = array<i32>} : memref<32x128xf32, #tpu.memory_space<vmem>>, vector<1x16xf32>,
        %get3A_223 = vector.shape_cast %get3A_222 : vector<1x16xf32> to vector<16xf32>
        %sub3A_224 = arith.subf %get3A_219, %get3A_223 : vector<16xf32>
        %abs3A_225 = math.absf %sub3A_224 : vector<16xf32>
        %swap3A_226 = arith.index_cast %add3A_204 : i32 to index
        %swap3A_227 = arith.constant 16 : index
        %swap3A_228 = tpu.vector_load %arg12[%swap3A_226, %swap3A_227] {strides = array<i32>} : memref<32x64xf32, #tpu.memory_space<vmem>>, vector<1x16xf32>,
        %swap3A_229 = vector.shape_cast %swap3A_228 : vector<1x16xf32> to vector<16xf32>
        %swap3A_230 = vector.shape_cast %abs3A_225 : vector<16xf32> to vector<1x16xf32>
        tpu.vector_store %arg12[%swap3A_226, %swap3A_227], %swap3A_230 {strides = array<i32>} : memref<32x64xf32, #tpu.memory_space<vmem>>, vector<1x16xf32>,
        %get3A_231 = arith.index_cast %add3A_204 : i32 to index
        %get3A_232 = arith.constant 32 : index
        %get3A_233 = tpu.vector_load %arg8[%get3A_231, %get3A_232] {strides = array<i32>} : memref<32x128xf32, #tpu.memory_space<vmem>>, vector<1x16xf32>,
        %get3A_234 = vector.shape_cast %get3A_233 : vector<1x16xf32> to vector<16xf32>
        %get3A_235 = arith.index_cast %add3A_204 : i32 to index
        %get3A_236 = arith.constant 32 : index
        %get3A_237 = tpu.vector_load %arg10[%get3A_235, %get3A_236] {strides = array<i32>} : memref<32x128xf32, #tpu.memory_space<vmem>>, vector<1x16xf32>,
        %get3A_238 = vector.shape_cast %get3A_237 : vector<1x16xf32> to vector<16xf32>
        %sub3A_239 = arith.subf %get3A_234, %get3A_238 : vector<16xf32>
        %abs3A_240 = math.absf %sub3A_239 : vector<16xf32>
        %swap3A_241 = arith.index_cast %add3A_204 : i32 to index
        %swap3A_242 = arith.constant 32 : index
        %swap3A_243 = tpu.vector_load %arg12[%swap3A_241, %swap3A_242] {strides = array<i32>} : memref<32x64xf32, #tpu.memory_space<vmem>>, vector<1x16xf32>,
        %swap3A_244 = vector.shape_cast %swap3A_243 : vector<1x16xf32> to vector<16xf32>
        %swap3A_245 = vector.shape_cast %abs3A_240 : vector<16xf32> to vector<1x16xf32>
        tpu.vector_store %arg12[%swap3A_241, %swap3A_242], %swap3A_245 {strides = array<i32>} : memref<32x64xf32, #tpu.memory_space<vmem>>, vector<1x16xf32>,
        %get3A_246 = arith.index_cast %add3A_204 : i32 to index
        %get3A_247 = arith.constant 48 : index
        %get3A_248 = tpu.vector_load %arg8[%get3A_246, %get3A_247] {strides = array<i32>} : memref<32x128xf32, #tpu.memory_space<vmem>>, vector<1x16xf32>,
        %get3A_249 = vector.shape_cast %get3A_248 : vector<1x16xf32> to vector<16xf32>
        %get3A_250 = arith.index_cast %add3A_204 : i32 to index
        %get3A_251 = arith.constant 48 : index
        %get3A_252 = tpu.vector_load %arg10[%get3A_250, %get3A_251] {strides = array<i32>} : memref<32x128xf32, #tpu.memory_space<vmem>>, vector<1x16xf32>,
        %get3A_253 = vector.shape_cast %get3A_252 : vector<1x16xf32> to vector<16xf32>
        %sub3A_254 = arith.subf %get3A_249, %get3A_253 : vector<16xf32>
        %abs3A_255 = math.absf %sub3A_254 : vector<16xf32>
        %swap3A_256 = arith.index_cast %add3A_204 : i32 to index
        %swap3A_257 = arith.constant 48 : index
        %swap3A_258 = tpu.vector_load %arg12[%swap3A_256, %swap3A_257] {strides = array<i32>} : memref<32x64xf32, #tpu.memory_space<vmem>>, vector<1x16xf32>,
        %swap3A_259 = vector.shape_cast %swap3A_258 : vector<1x16xf32> to vector<16xf32>
        %swap3A_260 = vector.shape_cast %abs3A_255 : vector<16xf32> to vector<1x16xf32>
        tpu.vector_store %arg12[%swap3A_256, %swap3A_257], %swap3A_260 {strides = array<i32>} : memref<32x64xf32, #tpu.memory_space<vmem>>, vector<1x16xf32>,
        %mul3A_261 = arith.constant 4 : i32
        %mul3A_262 = arith.muli %scan3A_199, %mul3A_261 : i32
        %add3A_263 = arith.constant 1 : i32
        %add3A_264 = arith.addi %mul3A_262, %add3A_263 : i32
        %get3A_265 = arith.index_cast %add3A_264 : i32 to index
        %get3A_266 = arith.constant 0 : index
        %get3A_267 = tpu.vector_load %arg8[%get3A_265, %get3A_266] {strides = array<i32>} : memref<32x128xf32, #tpu.memory_space<vmem>>, vector<1x16xf32>,
        %get3A_268 = vector.shape_cast %get3A_267 : vector<1x16xf32> to vector<16xf32>
        %get3A_269 = arith.index_cast %add3A_264 : i32 to index
        %get3A_270 = arith.constant 0 : index
        %get3A_271 = tpu.vector_load %arg10[%get3A_269, %get3A_270] {strides = array<i32>} : memref<32x128xf32, #tpu.memory_space<vmem>>, vector<1x16xf32>,
        %get3A_272 = vector.shape_cast %get3A_271 : vector<1x16xf32> to vector<16xf32>
        %sub3A_273 = arith.subf %get3A_268, %get3A_272 : vector<16xf32>
        %abs3A_274 = math.absf %sub3A_273 : vector<16xf32>
        %swap3A_275 = arith.index_cast %add3A_264 : i32 to index
        %swap3A_276 = arith.constant 0 : index
        %swap3A_277 = tpu.vector_load %arg12[%swap3A_275, %swap3A_276] {strides = array<i32>} : memref<32x64xf32, #tpu.memory_space<vmem>>, vector<1x16xf32>,
        %swap3A_278 = vector.shape_cast %swap3A_277 : vector<1x16xf32> to vector<16xf32>
        %swap3A_279 = vector.shape_cast %abs3A_274 : vector<16xf32> to vector<1x16xf32>
        tpu.vector_store %arg12[%swap3A_275, %swap3A_276], %swap3A_279 {strides = array<i32>} : memref<32x64xf32, #tpu.memory_space<vmem>>, vector<1x16xf32>,
        %get3A_280 = arith.index_cast %add3A_264 : i32 to index
        %get3A_281 = arith.constant 16 : index
        %get3A_282 = tpu.vector_load %arg8[%get3A_280, %get3A_281] {strides = array<i32>} : memref<32x128xf32, #tpu.memory_space<vmem>>, vector<1x16xf32>,
        %get3A_283 = vector.shape_cast %get3A_282 : vector<1x16xf32> to vector<16xf32>
        %get3A_284 = arith.index_cast %add3A_264 : i32 to index
        %get3A_285 = arith.constant 16 : index
        %get3A_286 = tpu.vector_load %arg10[%get3A_284, %get3A_285] {strides = array<i32>} : memref<32x128xf32, #tpu.memory_space<vmem>>, vector<1x16xf32>,
        %get3A_287 = vector.shape_cast %get3A_286 : vector<1x16xf32> to vector<16xf32>
        %sub3A_288 = arith.subf %get3A_283, %get3A_287 : vector<16xf32>
        %abs3A_289 = math.absf %sub3A_288 : vector<16xf32>
        %swap3A_290 = arith.index_cast %add3A_264 : i32 to index
        %swap3A_291 = arith.constant 16 : index
        %swap3A_292 = tpu.vector_load %arg12[%swap3A_290, %swap3A_291] {strides = array<i32>} : memref<32x64xf32, #tpu.memory_space<vmem>>, vector<1x16xf32>,
        %swap3A_293 = vector.shape_cast %swap3A_292 : vector<1x16xf32> to vector<16xf32>
        %swap3A_294 = vector.shape_cast %abs3A_289 : vector<16xf32> to vector<1x16xf32>
        tpu.vector_store %arg12[%swap3A_290, %swap3A_291], %swap3A_294 {strides = array<i32>} : memref<32x64xf32, #tpu.memory_space<vmem>>, vector<1x16xf32>,
        %get3A_295 = arith.index_cast %add3A_264 : i32 to index
        %get3A_296 = arith.constant 32 : index
        %get3A_297 = tpu.vector_load %arg8[%get3A_295, %get3A_296] {strides = array<i32>} : memref<32x128xf32, #tpu.memory_space<vmem>>, vector<1x16xf32>,
        %get3A_298 = vector.shape_cast %get3A_297 : vector<1x16xf32> to vector<16xf32>
        %get3A_299 = arith.index_cast %add3A_264 : i32 to index
        %get3A_300 = arith.constant 32 : index
        %get3A_301 = tpu.vector_load %arg10[%get3A_299, %get3A_300] {strides = array<i32>} : memref<32x128xf32, #tpu.memory_space<vmem>>, vector<1x16xf32>,
        %get3A_302 = vector.shape_cast %get3A_301 : vector<1x16xf32> to vector<16xf32>
        %sub3A_303 = arith.subf %get3A_298, %get3A_302 : vector<16xf32>
        %abs3A_304 = math.absf %sub3A_303 : vector<16xf32>
        %swap3A_305 = arith.index_cast %add3A_264 : i32 to index
        %swap3A_306 = arith.constant 32 : index
        %swap3A_307 = tpu.vector_load %arg12[%swap3A_305, %swap3A_306] {strides = array<i32>} : memref<32x64xf32, #tpu.memory_space<vmem>>, vector<1x16xf32>,
        %swap3A_308 = vector.shape_cast %swap3A_307 : vector<1x16xf32> to vector<16xf32>
        %swap3A_309 = vector.shape_cast %abs3A_304 : vector<16xf32> to vector<1x16xf32>
        tpu.vector_store %arg12[%swap3A_305, %swap3A_306], %swap3A_309 {strides = array<i32>} : memref<32x64xf32, #tpu.memory_space<vmem>>, vector<1x16xf32>,
        %get3A_310 = arith.index_cast %add3A_264 : i32 to index
        %get3A_311 = arith.constant 48 : index
        %get3A_312 = tpu.vector_load %arg8[%get3A_310, %get3A_311] {strides = array<i32>} : memref<32x128xf32, #tpu.memory_space<vmem>>, vector<1x16xf32>,
        %get3A_313 = vector.shape_cast %get3A_312 : vector<1x16xf32> to vector<16xf32>
        %get3A_314 = arith.index_cast %add3A_264 : i32 to index
        %get3A_315 = arith.constant 48 : index
        %get3A_316 = tpu.vector_load %arg10[%get3A_314, %get3A_315] {strides = array<i32>} : memref<32x128xf32, #tpu.memory_space<vmem>>, vector<1x16xf32>,
        %get3A_317 = vector.shape_cast %get3A_316 : vector<1x16xf32> to vector<16xf32>
        %sub3A_318 = arith.subf %get3A_313, %get3A_317 : vector<16xf32>
        %abs3A_319 = math.absf %sub3A_318 : vector<16xf32>
        %swap3A_320 = arith.index_cast %add3A_264 : i32 to index
        %swap3A_321 = arith.constant 48 : index
        %swap3A_322 = tpu.vector_load %arg12[%swap3A_320, %swap3A_321] {strides = array<i32>} : memref<32x64xf32, #tpu.memory_space<vmem>>, vector<1x16xf32>,
        %swap3A_323 = vector.shape_cast %swap3A_322 : vector<1x16xf32> to vector<16xf32>
        %swap3A_324 = vector.shape_cast %abs3A_319 : vector<16xf32> to vector<1x16xf32>
        tpu.vector_store %arg12[%swap3A_320, %swap3A_321], %swap3A_324 {strides = array<i32>} : memref<32x64xf32, #tpu.memory_space<vmem>>, vector<1x16xf32>,
        %mul3A_325 = arith.constant 4 : i32
        %mul3A_326 = arith.muli %scan3A_199, %mul3A_325 : i32
        %add3A_327 = arith.constant 2 : i32
        %add3A_328 = arith.addi %mul3A_326, %add3A_327 : i32
        %get3A_329 = arith.index_cast %add3A_328 : i32 to index
        %get3A_330 = arith.constant 0 : index
        %get3A_331 = tpu.vector_load %arg8[%get3A_329, %get3A_330] {strides = array<i32>} : memref<32x128xf32, #tpu.memory_space<vmem>>, vector<1x16xf32>,
        %get3A_332 = vector.shape_cast %get3A_331 : vector<1x16xf32> to vector<16xf32>
        %get3A_333 = arith.index_cast %add3A_328 : i32 to index
        %get3A_334 = arith.constant 0 : index
        %get3A_335 = tpu.vector_load %arg10[%get3A_333, %get3A_334] {strides = array<i32>} : memref<32x128xf32, #tpu.memory_space<vmem>>, vector<1x16xf32>,
        %get3A_336 = vector.shape_cast %get3A_335 : vector<1x16xf32> to vector<16xf32>
        %sub3A_337 = arith.subf %get3A_332, %get3A_336 : vector<16xf32>
        %abs3A_338 = math.absf %sub3A_337 : vector<16xf32>
        %swap3A_339 = arith.index_cast %add3A_328 : i32 to index
        %swap3A_340 = arith.constant 0 : index
        %swap3A_341 = tpu.vector_load %arg12[%swap3A_339, %swap3A_340] {strides = array<i32>} : memref<32x64xf32, #tpu.memory_space<vmem>>, vector<1x16xf32>,
        %swap3A_342 = vector.shape_cast %swap3A_341 : vector<1x16xf32> to vector<16xf32>
        %swap3A_343 = vector.shape_cast %abs3A_338 : vector<16xf32> to vector<1x16xf32>
        tpu.vector_store %arg12[%swap3A_339, %swap3A_340], %swap3A_343 {strides = array<i32>} : memref<32x64xf32, #tpu.memory_space<vmem>>, vector<1x16xf32>,
        %get3A_344 = arith.index_cast %add3A_328 : i32 to index
        %get3A_345 = arith.constant 16 : index
        %get3A_346 = tpu.vector_load %arg8[%get3A_344, %get3A_345] {strides = array<i32>} : memref<32x128xf32, #tpu.memory_space<vmem>>, vector<1x16xf32>,
        %get3A_347 = vector.shape_cast %get3A_346 : vector<1x16xf32> to vector<16xf32>
        %get3A_348 = arith.index_cast %add3A_328 : i32 to index
        %get3A_349 = arith.constant 16 : index
        %get3A_350 = tpu.vector_load %arg10[%get3A_348, %get3A_349] {strides = array<i32>} : memref<32x128xf32, #tpu.memory_space<vmem>>, vector<1x16xf32>,
        %get3A_351 = vector.shape_cast %get3A_350 : vector<1x16xf32> to vector<16xf32>
        %sub3A_352 = arith.subf %get3A_347, %get3A_351 : vector<16xf32>
        %abs3A_353 = math.absf %sub3A_352 : vector<16xf32>
        %swap3A_354 = arith.index_cast %add3A_328 : i32 to index
        %swap3A_355 = arith.constant 16 : index
        %swap3A_356 = tpu.vector_load %arg12[%swap3A_354, %swap3A_355] {strides = array<i32>} : memref<32x64xf32, #tpu.memory_space<vmem>>, vector<1x16xf32>,
        %swap3A_357 = vector.shape_cast %swap3A_356 : vector<1x16xf32> to vector<16xf32>
        %swap3A_358 = vector.shape_cast %abs3A_353 : vector<16xf32> to vector<1x16xf32>
        tpu.vector_store %arg12[%swap3A_354, %swap3A_355], %swap3A_358 {strides = array<i32>} : memref<32x64xf32, #tpu.memory_space<vmem>>, vector<1x16xf32>,
        %get3A_359 = arith.index_cast %add3A_328 : i32 to index
        %get3A_360 = arith.constant 32 : index
        %get3A_361 = tpu.vector_load %arg8[%get3A_359, %get3A_360] {strides = array<i32>} : memref<32x128xf32, #tpu.memory_space<vmem>>, vector<1x16xf32>,
        %get3A_362 = vector.shape_cast %get3A_361 : vector<1x16xf32> to vector<16xf32>
        %get3A_363 = arith.index_cast %add3A_328 : i32 to index
        %get3A_364 = arith.constant 32 : index
        %get3A_365 = tpu.vector_load %arg10[%get3A_363, %get3A_364] {strides = array<i32>} : memref<32x128xf32, #tpu.memory_space<vmem>>, vector<1x16xf32>,
        %get3A_366 = vector.shape_cast %get3A_365 : vector<1x16xf32> to vector<16xf32>
        %sub3A_367 = arith.subf %get3A_362, %get3A_366 : vector<16xf32>
        %abs3A_368 = math.absf %sub3A_367 : vector<16xf32>
        %swap3A_369 = arith.index_cast %add3A_328 : i32 to index
        %swap3A_370 = arith.constant 32 : index
        %swap3A_371 = tpu.vector_load %arg12[%swap3A_369, %swap3A_370] {strides = array<i32>} : memref<32x64xf32, #tpu.memory_space<vmem>>, vector<1x16xf32>,
        %swap3A_372 = vector.shape_cast %swap3A_371 : vector<1x16xf32> to vector<16xf32>
        %swap3A_373 = vector.shape_cast %abs3A_368 : vector<16xf32> to vector<1x16xf32>
        tpu.vector_store %arg12[%swap3A_369, %swap3A_370], %swap3A_373 {strides = array<i32>} : memref<32x64xf32, #tpu.memory_space<vmem>>, vector<1x16xf32>,
        %get3A_374 = arith.index_cast %add3A_328 : i32 to index
        %get3A_375 = arith.constant 48 : index
        %get3A_376 = tpu.vector_load %arg8[%get3A_374, %get3A_375] {strides = array<i32>} : memref<32x128xf32, #tpu.memory_space<vmem>>, vector<1x16xf32>,
        %get3A_377 = vector.shape_cast %get3A_376 : vector<1x16xf32> to vector<16xf32>
        %get3A_378 = arith.index_cast %add3A_328 : i32 to index
        %get3A_379 = arith.constant 48 : index
        %get3A_380 = tpu.vector_load %arg10[%get3A_378, %get3A_379] {strides = array<i32>} : memref<32x128xf32, #tpu.memory_space<vmem>>, vector<1x16xf32>,
        %get3A_381 = vector.shape_cast %get3A_380 : vector<1x16xf32> to vector<16xf32>
        %sub3A_382 = arith.subf %get3A_377, %get3A_381 : vector<16xf32>
        %abs3A_383 = math.absf %sub3A_382 : vector<16xf32>
        %swap3A_384 = arith.index_cast %add3A_328 : i32 to index
        %swap3A_385 = arith.constant 48 : index
        %swap3A_386 = tpu.vector_load %arg12[%swap3A_384, %swap3A_385] {strides = array<i32>} : memref<32x64xf32, #tpu.memory_space<vmem>>, vector<1x16xf32>,
        %swap3A_387 = vector.shape_cast %swap3A_386 : vector<1x16xf32> to vector<16xf32>
        %swap3A_388 = vector.shape_cast %abs3A_383 : vector<16xf32> to vector<1x16xf32>
        tpu.vector_store %arg12[%swap3A_384, %swap3A_385], %swap3A_388 {strides = array<i32>} : memref<32x64xf32, #tpu.memory_space<vmem>>, vector<1x16xf32>,
        %mul3A_389 = arith.constant 4 : i32
        %mul3A_390 = arith.muli %scan3A_199, %mul3A_389 : i32
        %add3A_391 = arith.constant 3 : i32
        %add3A_392 = arith.addi %mul3A_390, %add3A_391 : i32
        %get3A_393 = arith.index_cast %add3A_392 : i32 to index
        %get3A_394 = arith.constant 0 : index
        %get3A_395 = tpu.vector_load %arg8[%get3A_393, %get3A_394] {strides = array<i32>} : memref<32x128xf32, #tpu.memory_space<vmem>>, vector<1x16xf32>,
        %get3A_396 = vector.shape_cast %get3A_395 : vector<1x16xf32> to vector<16xf32>
        %get3A_397 = arith.index_cast %add3A_392 : i32 to index
        %get3A_398 = arith.constant 0 : index
        %get3A_399 = tpu.vector_load %arg10[%get3A_397, %get3A_398] {strides = array<i32>} : memref<32x128xf32, #tpu.memory_space<vmem>>, vector<1x16xf32>,
        %get3A_400 = vector.shape_cast %get3A_399 : vector<1x16xf32> to vector<16xf32>
        %sub3A_401 = arith.subf %get3A_396, %get3A_400 : vector<16xf32>
        %abs3A_402 = math.absf %sub3A_401 : vector<16xf32>
        %swap3A_403 = arith.index_cast %add3A_392 : i32 to index
        %swap3A_404 = arith.constant 0 : index
        %swap3A_405 = tpu.vector_load %arg12[%swap3A_403, %swap3A_404] {strides = array<i32>} : memref<32x64xf32, #tpu.memory_space<vmem>>, vector<1x16xf32>,
        %swap3A_406 = vector.shape_cast %swap3A_405 : vector<1x16xf32> to vector<16xf32>
        %swap3A_407 = vector.shape_cast %abs3A_402 : vector<16xf32> to vector<1x16xf32>
        tpu.vector_store %arg12[%swap3A_403, %swap3A_404], %swap3A_407 {strides = array<i32>} : memref<32x64xf32, #tpu.memory_space<vmem>>, vector<1x16xf32>,
        %get3A_408 = arith.index_cast %add3A_392 : i32 to index
        %get3A_409 = arith.constant 16 : index
        %get3A_410 = tpu.vector_load %arg8[%get3A_408, %get3A_409] {strides = array<i32>} : memref<32x128xf32, #tpu.memory_space<vmem>>, vector<1x16xf32>,
        %get3A_411 = vector.shape_cast %get3A_410 : vector<1x16xf32> to vector<16xf32>
        %get3A_412 = arith.index_cast %add3A_392 : i32 to index
        %get3A_413 = arith.constant 16 : index
        %get3A_414 = tpu.vector_load %arg10[%get3A_412, %get3A_413] {strides = array<i32>} : memref<32x128xf32, #tpu.memory_space<vmem>>, vector<1x16xf32>,
        %get3A_415 = vector.shape_cast %get3A_414 : vector<1x16xf32> to vector<16xf32>
        %sub3A_416 = arith.subf %get3A_411, %get3A_415 : vector<16xf32>
        %abs3A_417 = math.absf %sub3A_416 : vector<16xf32>
        %swap3A_418 = arith.index_cast %add3A_392 : i32 to index
        %swap3A_419 = arith.constant 16 : index
        %swap3A_420 = tpu.vector_load %arg12[%swap3A_418, %swap3A_419] {strides = array<i32>} : memref<32x64xf32, #tpu.memory_space<vmem>>, vector<1x16xf32>,
        %swap3A_421 = vector.shape_cast %swap3A_420 : vector<1x16xf32> to vector<16xf32>
        %swap3A_422 = vector.shape_cast %abs3A_417 : vector<16xf32> to vector<1x16xf32>
        tpu.vector_store %arg12[%swap3A_418, %swap3A_419], %swap3A_422 {strides = array<i32>} : memref<32x64xf32, #tpu.memory_space<vmem>>, vector<1x16xf32>,
        %get3A_423 = arith.index_cast %add3A_392 : i32 to index
        %get3A_424 = arith.constant 32 : index
        %get3A_425 = tpu.vector_load %arg8[%get3A_423, %get3A_424] {strides = array<i32>} : memref<32x128xf32, #tpu.memory_space<vmem>>, vector<1x16xf32>,
        %get3A_426 = vector.shape_cast %get3A_425 : vector<1x16xf32> to vector<16xf32>
        %get3A_427 = arith.index_cast %add3A_392 : i32 to index
        %get3A_428 = arith.constant 32 : index
        %get3A_429 = tpu.vector_load %arg10[%get3A_427, %get3A_428] {strides = array<i32>} : memref<32x128xf32, #tpu.memory_space<vmem>>, vector<1x16xf32>,
        %get3A_430 = vector.shape_cast %get3A_429 : vector<1x16xf32> to vector<16xf32>
        %sub3A_431 = arith.subf %get3A_426, %get3A_430 : vector<16xf32>
        %abs3A_432 = math.absf %sub3A_431 : vector<16xf32>
        %swap3A_433 = arith.index_cast %add3A_392 : i32 to index
        %swap3A_434 = arith.constant 32 : index
        %swap3A_435 = tpu.vector_load %arg12[%swap3A_433, %swap3A_434] {strides = array<i32>} : memref<32x64xf32, #tpu.memory_space<vmem>>, vector<1x16xf32>,
        %swap3A_436 = vector.shape_cast %swap3A_435 : vector<1x16xf32> to vector<16xf32>
        %swap3A_437 = vector.shape_cast %abs3A_432 : vector<16xf32> to vector<1x16xf32>
        tpu.vector_store %arg12[%swap3A_433, %swap3A_434], %swap3A_437 {strides = array<i32>} : memref<32x64xf32, #tpu.memory_space<vmem>>, vector<1x16xf32>,
        %get3A_438 = arith.index_cast %add3A_392 : i32 to index
        %get3A_439 = arith.constant 48 : index
        %get3A_440 = tpu.vector_load %arg8[%get3A_438, %get3A_439] {strides = array<i32>} : memref<32x128xf32, #tpu.memory_space<vmem>>, vector<1x16xf32>,
        %get3A_441 = vector.shape_cast %get3A_440 : vector<1x16xf32> to vector<16xf32>
        %get3A_442 = arith.index_cast %add3A_392 : i32 to index
        %get3A_443 = arith.constant 48 : index
        %get3A_444 = tpu.vector_load %arg10[%get3A_442, %get3A_443] {strides = array<i32>} : memref<32x128xf32, #tpu.memory_space<vmem>>, vector<1x16xf32>,
        %get3A_445 = vector.shape_cast %get3A_444 : vector<1x16xf32> to vector<16xf32>
        %sub3A_446 = arith.subf %get3A_441, %get3A_445 : vector<16xf32>
        %abs3A_447 = math.absf %sub3A_446 : vector<16xf32>
        %swap3A_448 = arith.index_cast %add3A_392 : i32 to index
        %swap3A_449 = arith.constant 48 : index
        %swap3A_450 = tpu.vector_load %arg12[%swap3A_448, %swap3A_449] {strides = array<i32>} : memref<32x64xf32, #tpu.memory_space<vmem>>, vector<1x16xf32>,
        %swap3A_451 = vector.shape_cast %swap3A_450 : vector<1x16xf32> to vector<16xf32>
        %swap3A_452 = vector.shape_cast %abs3A_447 : vector<16xf32> to vector<1x16xf32>
        tpu.vector_store %arg12[%swap3A_448, %swap3A_449], %swap3A_452 {strides = array<i32>} : memref<32x64xf32, #tpu.memory_space<vmem>>, vector<1x16xf32>,
        %scan3A_453 = arith.constant 0 : i32
        scf.yield %scan3A_453 : i32
      }
      %scan3A_142 = arith.constant 8 : i32
      %mul3A_143 = arith.constant 32 : i32
      %mul3A_144 = arith.muli %mul3A_119, %mul3A_143 : i32
      %add3A_145 = arith.addi %mul3A_2, %mul3A_144 : i32
      %dma_start3A_146 = arith.constant 0 : i32
      %dma_start3A_147 = tpu.memref_slice %arg5[%add3A_145, %dma_start3A_146] : memref<320000x64xf32, #tpu.memory_space<hbm>> -> memref<32x64xf32, #tpu.memory_space<hbm>>
      %dma_start3A_148 = arith.constant 0 : i32
      %dma_start3A_149 = tpu.memref_slice %arg5[%add3A_145, %dma_start3A_148] : memref<320000x64xf32, #tpu.memory_space<hbm>> -> memref<32x64xf32, #tpu.memory_space<hbm>>
      tpu.enqueue_dma source(%arg12 : memref<32x64xf32, #tpu.memory_space<vmem>>) target(%dma_start3A_149 : memref<32x64xf32, #tpu.memory_space<hbm>>) target_semaphore(%arg17 : memref<!tpu.dma_semaphore, #tpu.memory_space<semaphore_mem>>)
      %add3A_150 = arith.constant 2 : i32
      %add3A_151 = arith.addi %mul3A_119, %add3A_150 : i32
      %lt3A = arith.constant 312 : i32
      %lt3A_152 = arith.cmpi slt, %add3A_151, %lt3A : i32
      %convert_element_type3A_153 = arith.extui %lt3A_152 : i1 to i32
      %cond3A_154 = arith.constant 0 : i32
      %cond3A_155 = arith.cmpi ne, %convert_element_type3A_153, %cond3A_154 : i32
      scf.if %cond3A_155 {
        %add3A_199 = arith.constant 2 : i32
        %add3A_200 = arith.addi %mul3A_119, %add3A_199 : i32
        %mul3A_201 = arith.constant 32 : i32
        %mul3A_202 = arith.muli %add3A_200, %mul3A_201 : i32
        %dma_start3A_203 = tpu.memref_slice %arg6[%mul3A_202] : memref<10000xi32, #tpu.memory_space<vmem>> -> memref<32xi32, #tpu.memory_space<vmem>>
        %dma_start3A_204 = arith.constant 0 : i32
        %dma_start3A_205 = arith.constant 0 : i32
        %dma_start3A_206 = tpu.memref_slice %arg14[%dma_start3A_204, %dma_start3A_205] : memref<10000x128xf32, #tpu.memory_space<vmem_shared>> -> memref<10000x128xf32, #tpu.memory_space<vmem_shared>>
        tpu.enqueue_indirect_dma source(%dma_start3A_206 : memref<10000x128xf32, #tpu.memory_space<vmem_shared>>) target(%arg8 : memref<32x128xf32, #tpu.memory_space<vmem>>) offsets(%dma_start3A_203 : memref<32xi32, #tpu.memory_space<vmem>>) semaphore(%arg15 : memref<!tpu.dma_semaphore, #tpu.memory_space<semaphore_mem>>)
        %mul3A_207 = arith.constant 32 : i32
        %mul3A_208 = arith.muli %add3A_200, %mul3A_207 : i32
        %dma_start3A_209 = tpu.memref_slice %arg7[%mul3A_208] : memref<10000xi32, #tpu.memory_space<vmem>> -> memref<32xi32, #tpu.memory_space<vmem>>
        %dma_start3A_210 = arith.constant 0 : i32
        %dma_start3A_211 = arith.constant 0 : i32
        %dma_start3A_212 = tpu.memref_slice %arg14[%dma_start3A_210, %dma_start3A_211] : memref<10000x128xf32, #tpu.memory_space<vmem_shared>> -> memref<10000x128xf32, #tpu.memory_space<vmem_shared>>
        tpu.enqueue_indirect_dma source(%dma_start3A_212 : memref<10000x128xf32, #tpu.memory_space<vmem_shared>>) target(%arg10 : memref<32x128xf32, #tpu.memory_space<vmem>>) offsets(%dma_start3A_209 : memref<32xi32, #tpu.memory_space<vmem>>) semaphore(%arg15 : memref<!tpu.dma_semaphore, #tpu.memory_space<semaphore_mem>>)
      } else {
      }
      %mul3A_156 = arith.constant 2 : i32
      %mul3A_157 = arith.muli %mul3A_156, %scan3A_116 : i32
      %add3A_158 = arith.constant 1 : i32
      %add3A_159 = arith.addi %mul3A_157, %add3A_158 : i32
      %dma_wait3A_160 = arith.constant 0 : i32
      %dma_wait3A_161 = arith.constant 0 : i32
      %dma_wait3A_162 = tpu.memref_slice %arg2[%dma_wait3A_160, %dma_wait3A_161] : memref<10000x128xf32, #tpu.memory_space<hbm>> -> memref<32x128xf32, #tpu.memory_space<hbm>>
      %dma_wait3A_163 = arith.constant 0 : i32
      %dma_wait3A_164 = arith.constant 0 : i32
      %dma_wait3A_165 = tpu.memref_slice %arg2[%dma_wait3A_163, %dma_wait3A_164] : memref<10000x128xf32, #tpu.memory_space<hbm>> -> memref<32x128xf32, #tpu.memory_space<hbm>>
      tpu.wait_dma2 semaphore(%arg16 : memref<!tpu.dma_semaphore, #tpu.memory_space<semaphore_mem>>) src(%dma_wait3A_165 : memref<32x128xf32, #tpu.memory_space<hbm>>) dst(%arg9 : memref<32x128xf32, #tpu.memory_space<vmem>>)
      %dma_wait3A_166 = arith.constant 0 : i32
      %dma_wait3A_167 = arith.constant 0 : i32
      %dma_wait3A_168 = tpu.memref_slice %arg2[%dma_wait3A_166, %dma_wait3A_167] : memref<10000x128xf32, #tpu.memory_space<hbm>> -> memref<32x128xf32, #tpu.memory_space<hbm>>
      %dma_wait3A_169 = arith.constant 0 : i32
      %dma_wait3A_170 = arith.constant 0 : i32
      %dma_wait3A_171 = tpu.memref_slice %arg2[%dma_wait3A_169, %dma_wait3A_170] : memref<10000x128xf32, #tpu.memory_space<hbm>> -> memref<32x128xf32, #tpu.memory_space<hbm>>
      tpu.wait_dma2 semaphore(%arg16 : memref<!tpu.dma_semaphore, #tpu.memory_space<semaphore_mem>>) src(%dma_wait3A_171 : memref<32x128xf32, #tpu.memory_space<hbm>>) dst(%arg11 : memref<32x128xf32, #tpu.memory_space<vmem>>)
      %gt3A_172 = arith.constant 0 : i32
      %gt3A_173 = arith.cmpi sgt, %scan3A_116, %gt3A_172 : i32
      %convert_element_type3A_174 = arith.extui %gt3A_173 : i1 to i32
      %cond3A_175 = arith.constant 0 : i32
      %cond3A_176 = arith.cmpi ne, %convert_element_type3A_174, %cond3A_175 : i32
      scf.if %cond3A_176 {
        %dma_wait3A_199 = arith.constant 0 : i32
        %dma_wait3A_200 = arith.constant 0 : i32
        %dma_wait3A_201 = tpu.memref_slice %arg5[%dma_wait3A_199, %dma_wait3A_200] : memref<320000x64xf32, #tpu.memory_space<hbm>> -> memref<32x64xf32, #tpu.memory_space<hbm>>
        %dma_wait3A_202 = arith.constant 0 : i32
        %dma_wait3A_203 = arith.constant 0 : i32
        %dma_wait3A_204 = tpu.memref_slice %arg5[%dma_wait3A_202, %dma_wait3A_203] : memref<320000x64xf32, #tpu.memory_space<hbm>> -> memref<32x64xf32, #tpu.memory_space<hbm>>
        tpu.wait_dma2 semaphore(%arg18 : memref<!tpu.dma_semaphore, #tpu.memory_space<semaphore_mem>>) src(%dma_wait3A_204 : memref<32x64xf32, #tpu.memory_space<hbm>>) dst(%arg13 : memref<32x64xf32, #tpu.memory_space<vmem>>)
      } else {
      }
      %scan3A_177 = arith.constant 0 : i32
      %scan3A_178 = arith.constant 0 : i32
      %scan3A_179 = arith.constant 8 : i32
      %scan3A_180 = arith.addi %scan3A_178, %scan3A_179 : i32
      %scan3A_181 = arith.constant 1 : i32
      %scan3A_182 = scf.for %scan3A_199 = %scan3A_178 to %scan3A_180 step %scan3A_181 iter_args(%scan3A_200 = %scan3A_177) -> (i32)  : i32 {
        %mul3A_201 = arith.constant 4 : i32
        %mul3A_202 = arith.muli %scan3A_199, %mul3A_201 : i32
        %add3A_203 = arith.constant 0 : i32
        %add3A_204 = arith.addi %mul3A_202, %add3A_203 : i32
        %get3A = arith.index_cast %add3A_204 : i32 to index
        %get3A_205 = arith.constant 0 : index
        %get3A_206 = tpu.vector_load %arg9[%get3A, %get3A_205] {strides = array<i32>} : memref<32x128xf32, #tpu.memory_space<vmem>>, vector<1x16xf32>,
        %get3A_207 = vector.shape_cast %get3A_206 : vector<1x16xf32> to vector<16xf32>
        %get3A_208 = arith.index_cast %add3A_204 : i32 to index
        %get3A_209 = arith.constant 0 : index
        %get3A_210 = tpu.vector_load %arg11[%get3A_208, %get3A_209] {strides = array<i32>} : memref<32x128xf32, #tpu.memory_space<vmem>>, vector<1x16xf32>,
        %get3A_211 = vector.shape_cast %get3A_210 : vector<1x16xf32> to vector<16xf32>
        %sub3A = arith.subf %get3A_207, %get3A_211 : vector<16xf32>
        %abs3A = math.absf %sub3A : vector<16xf32>
        %swap3A = arith.index_cast %add3A_204 : i32 to index
        %swap3A_212 = arith.constant 0 : index
        %swap3A_213 = tpu.vector_load %arg13[%swap3A, %swap3A_212] {strides = array<i32>} : memref<32x64xf32, #tpu.memory_space<vmem>>, vector<1x16xf32>,
        %swap3A_214 = vector.shape_cast %swap3A_213 : vector<1x16xf32> to vector<16xf32>
        %swap3A_215 = vector.shape_cast %abs3A : vector<16xf32> to vector<1x16xf32>
        tpu.vector_store %arg13[%swap3A, %swap3A_212], %swap3A_215 {strides = array<i32>} : memref<32x64xf32, #tpu.memory_space<vmem>>, vector<1x16xf32>,
        %get3A_216 = arith.index_cast %add3A_204 : i32 to index
        %get3A_217 = arith.constant 16 : index
        %get3A_218 = tpu.vector_load %arg9[%get3A_216, %get3A_217] {strides = array<i32>} : memref<32x128xf32, #tpu.memory_space<vmem>>, vector<1x16xf32>,
        %get3A_219 = vector.shape_cast %get3A_218 : vector<1x16xf32> to vector<16xf32>
        %get3A_220 = arith.index_cast %add3A_204 : i32 to index
        %get3A_221 = arith.constant 16 : index
        %get3A_222 = tpu.vector_load %arg11[%get3A_220, %get3A_221] {strides = array<i32>} : memref<32x128xf32, #tpu.memory_space<vmem>>, vector<1x16xf32>,
        %get3A_223 = vector.shape_cast %get3A_222 : vector<1x16xf32> to vector<16xf32>
        %sub3A_224 = arith.subf %get3A_219, %get3A_223 : vector<16xf32>
        %abs3A_225 = math.absf %sub3A_224 : vector<16xf32>
        %swap3A_226 = arith.index_cast %add3A_204 : i32 to index
        %swap3A_227 = arith.constant 16 : index
        %swap3A_228 = tpu.vector_load %arg13[%swap3A_226, %swap3A_227] {strides = array<i32>} : memref<32x64xf32, #tpu.memory_space<vmem>>, vector<1x16xf32>,
        %swap3A_229 = vector.shape_cast %swap3A_228 : vector<1x16xf32> to vector<16xf32>
        %swap3A_230 = vector.shape_cast %abs3A_225 : vector<16xf32> to vector<1x16xf32>
        tpu.vector_store %arg13[%swap3A_226, %swap3A_227], %swap3A_230 {strides = array<i32>} : memref<32x64xf32, #tpu.memory_space<vmem>>, vector<1x16xf32>,
        %get3A_231 = arith.index_cast %add3A_204 : i32 to index
        %get3A_232 = arith.constant 32 : index
        %get3A_233 = tpu.vector_load %arg9[%get3A_231, %get3A_232] {strides = array<i32>} : memref<32x128xf32, #tpu.memory_space<vmem>>, vector<1x16xf32>,
        %get3A_234 = vector.shape_cast %get3A_233 : vector<1x16xf32> to vector<16xf32>
        %get3A_235 = arith.index_cast %add3A_204 : i32 to index
        %get3A_236 = arith.constant 32 : index
        %get3A_237 = tpu.vector_load %arg11[%get3A_235, %get3A_236] {strides = array<i32>} : memref<32x128xf32, #tpu.memory_space<vmem>>, vector<1x16xf32>,
        %get3A_238 = vector.shape_cast %get3A_237 : vector<1x16xf32> to vector<16xf32>
        %sub3A_239 = arith.subf %get3A_234, %get3A_238 : vector<16xf32>
        %abs3A_240 = math.absf %sub3A_239 : vector<16xf32>
        %swap3A_241 = arith.index_cast %add3A_204 : i32 to index
        %swap3A_242 = arith.constant 32 : index
        %swap3A_243 = tpu.vector_load %arg13[%swap3A_241, %swap3A_242] {strides = array<i32>} : memref<32x64xf32, #tpu.memory_space<vmem>>, vector<1x16xf32>,
        %swap3A_244 = vector.shape_cast %swap3A_243 : vector<1x16xf32> to vector<16xf32>
        %swap3A_245 = vector.shape_cast %abs3A_240 : vector<16xf32> to vector<1x16xf32>
        tpu.vector_store %arg13[%swap3A_241, %swap3A_242], %swap3A_245 {strides = array<i32>} : memref<32x64xf32, #tpu.memory_space<vmem>>, vector<1x16xf32>,
        %get3A_246 = arith.index_cast %add3A_204 : i32 to index
        %get3A_247 = arith.constant 48 : index
        %get3A_248 = tpu.vector_load %arg9[%get3A_246, %get3A_247] {strides = array<i32>} : memref<32x128xf32, #tpu.memory_space<vmem>>, vector<1x16xf32>,
        %get3A_249 = vector.shape_cast %get3A_248 : vector<1x16xf32> to vector<16xf32>
        %get3A_250 = arith.index_cast %add3A_204 : i32 to index
        %get3A_251 = arith.constant 48 : index
        %get3A_252 = tpu.vector_load %arg11[%get3A_250, %get3A_251] {strides = array<i32>} : memref<32x128xf32, #tpu.memory_space<vmem>>, vector<1x16xf32>,
        %get3A_253 = vector.shape_cast %get3A_252 : vector<1x16xf32> to vector<16xf32>
        %sub3A_254 = arith.subf %get3A_249, %get3A_253 : vector<16xf32>
        %abs3A_255 = math.absf %sub3A_254 : vector<16xf32>
        %swap3A_256 = arith.index_cast %add3A_204 : i32 to index
        %swap3A_257 = arith.constant 48 : index
        %swap3A_258 = tpu.vector_load %arg13[%swap3A_256, %swap3A_257] {strides = array<i32>} : memref<32x64xf32, #tpu.memory_space<vmem>>, vector<1x16xf32>,
        %swap3A_259 = vector.shape_cast %swap3A_258 : vector<1x16xf32> to vector<16xf32>
        %swap3A_260 = vector.shape_cast %abs3A_255 : vector<16xf32> to vector<1x16xf32>
        tpu.vector_store %arg13[%swap3A_256, %swap3A_257], %swap3A_260 {strides = array<i32>} : memref<32x64xf32, #tpu.memory_space<vmem>>, vector<1x16xf32>,
        %mul3A_261 = arith.constant 4 : i32
        %mul3A_262 = arith.muli %scan3A_199, %mul3A_261 : i32
        %add3A_263 = arith.constant 1 : i32
        %add3A_264 = arith.addi %mul3A_262, %add3A_263 : i32
        %get3A_265 = arith.index_cast %add3A_264 : i32 to index
        %get3A_266 = arith.constant 0 : index
        %get3A_267 = tpu.vector_load %arg9[%get3A_265, %get3A_266] {strides = array<i32>} : memref<32x128xf32, #tpu.memory_space<vmem>>, vector<1x16xf32>,
        %get3A_268 = vector.shape_cast %get3A_267 : vector<1x16xf32> to vector<16xf32>
        %get3A_269 = arith.index_cast %add3A_264 : i32 to index
        %get3A_270 = arith.constant 0 : index
        %get3A_271 = tpu.vector_load %arg11[%get3A_269, %get3A_270] {strides = array<i32>} : memref<32x128xf32, #tpu.memory_space<vmem>>, vector<1x16xf32>,
        %get3A_272 = vector.shape_cast %get3A_271 : vector<1x16xf32> to vector<16xf32>
        %sub3A_273 = arith.subf %get3A_268, %get3A_272 : vector<16xf32>
        %abs3A_274 = math.absf %sub3A_273 : vector<16xf32>
        %swap3A_275 = arith.index_cast %add3A_264 : i32 to index
        %swap3A_276 = arith.constant 0 : index
        %swap3A_277 = tpu.vector_load %arg13[%swap3A_275, %swap3A_276] {strides = array<i32>} : memref<32x64xf32, #tpu.memory_space<vmem>>, vector<1x16xf32>,
        %swap3A_278 = vector.shape_cast %swap3A_277 : vector<1x16xf32> to vector<16xf32>
        %swap3A_279 = vector.shape_cast %abs3A_274 : vector<16xf32> to vector<1x16xf32>
        tpu.vector_store %arg13[%swap3A_275, %swap3A_276], %swap3A_279 {strides = array<i32>} : memref<32x64xf32, #tpu.memory_space<vmem>>, vector<1x16xf32>,
        %get3A_280 = arith.index_cast %add3A_264 : i32 to index
        %get3A_281 = arith.constant 16 : index
        %get3A_282 = tpu.vector_load %arg9[%get3A_280, %get3A_281] {strides = array<i32>} : memref<32x128xf32, #tpu.memory_space<vmem>>, vector<1x16xf32>,
        %get3A_283 = vector.shape_cast %get3A_282 : vector<1x16xf32> to vector<16xf32>
        %get3A_284 = arith.index_cast %add3A_264 : i32 to index
        %get3A_285 = arith.constant 16 : index
        %get3A_286 = tpu.vector_load %arg11[%get3A_284, %get3A_285] {strides = array<i32>} : memref<32x128xf32, #tpu.memory_space<vmem>>, vector<1x16xf32>,
        %get3A_287 = vector.shape_cast %get3A_286 : vector<1x16xf32> to vector<16xf32>
        %sub3A_288 = arith.subf %get3A_283, %get3A_287 : vector<16xf32>
        %abs3A_289 = math.absf %sub3A_288 : vector<16xf32>
        %swap3A_290 = arith.index_cast %add3A_264 : i32 to index
        %swap3A_291 = arith.constant 16 : index
        %swap3A_292 = tpu.vector_load %arg13[%swap3A_290, %swap3A_291] {strides = array<i32>} : memref<32x64xf32, #tpu.memory_space<vmem>>, vector<1x16xf32>,
        %swap3A_293 = vector.shape_cast %swap3A_292 : vector<1x16xf32> to vector<16xf32>
        %swap3A_294 = vector.shape_cast %abs3A_289 : vector<16xf32> to vector<1x16xf32>
        tpu.vector_store %arg13[%swap3A_290, %swap3A_291], %swap3A_294 {strides = array<i32>} : memref<32x64xf32, #tpu.memory_space<vmem>>, vector<1x16xf32>,
        %get3A_295 = arith.index_cast %add3A_264 : i32 to index
        %get3A_296 = arith.constant 32 : index
        %get3A_297 = tpu.vector_load %arg9[%get3A_295, %get3A_296] {strides = array<i32>} : memref<32x128xf32, #tpu.memory_space<vmem>>, vector<1x16xf32>,
        %get3A_298 = vector.shape_cast %get3A_297 : vector<1x16xf32> to vector<16xf32>
        %get3A_299 = arith.index_cast %add3A_264 : i32 to index
        %get3A_300 = arith.constant 32 : index
        %get3A_301 = tpu.vector_load %arg11[%get3A_299, %get3A_300] {strides = array<i32>} : memref<32x128xf32, #tpu.memory_space<vmem>>, vector<1x16xf32>,
        %get3A_302 = vector.shape_cast %get3A_301 : vector<1x16xf32> to vector<16xf32>
        %sub3A_303 = arith.subf %get3A_298, %get3A_302 : vector<16xf32>
        %abs3A_304 = math.absf %sub3A_303 : vector<16xf32>
        %swap3A_305 = arith.index_cast %add3A_264 : i32 to index
        %swap3A_306 = arith.constant 32 : index
        %swap3A_307 = tpu.vector_load %arg13[%swap3A_305, %swap3A_306] {strides = array<i32>} : memref<32x64xf32, #tpu.memory_space<vmem>>, vector<1x16xf32>,
        %swap3A_308 = vector.shape_cast %swap3A_307 : vector<1x16xf32> to vector<16xf32>
        %swap3A_309 = vector.shape_cast %abs3A_304 : vector<16xf32> to vector<1x16xf32>
        tpu.vector_store %arg13[%swap3A_305, %swap3A_306], %swap3A_309 {strides = array<i32>} : memref<32x64xf32, #tpu.memory_space<vmem>>, vector<1x16xf32>,
        %get3A_310 = arith.index_cast %add3A_264 : i32 to index
        %get3A_311 = arith.constant 48 : index
        %get3A_312 = tpu.vector_load %arg9[%get3A_310, %get3A_311] {strides = array<i32>} : memref<32x128xf32, #tpu.memory_space<vmem>>, vector<1x16xf32>,
        %get3A_313 = vector.shape_cast %get3A_312 : vector<1x16xf32> to vector<16xf32>
        %get3A_314 = arith.index_cast %add3A_264 : i32 to index
        %get3A_315 = arith.constant 48 : index
        %get3A_316 = tpu.vector_load %arg11[%get3A_314, %get3A_315] {strides = array<i32>} : memref<32x128xf32, #tpu.memory_space<vmem>>, vector<1x16xf32>,
        %get3A_317 = vector.shape_cast %get3A_316 : vector<1x16xf32> to vector<16xf32>
        %sub3A_318 = arith.subf %get3A_313, %get3A_317 : vector<16xf32>
        %abs3A_319 = math.absf %sub3A_318 : vector<16xf32>
        %swap3A_320 = arith.index_cast %add3A_264 : i32 to index
        %swap3A_321 = arith.constant 48 : index
        %swap3A_322 = tpu.vector_load %arg13[%swap3A_320, %swap3A_321] {strides = array<i32>} : memref<32x64xf32, #tpu.memory_space<vmem>>, vector<1x16xf32>,
        %swap3A_323 = vector.shape_cast %swap3A_322 : vector<1x16xf32> to vector<16xf32>
        %swap3A_324 = vector.shape_cast %abs3A_319 : vector<16xf32> to vector<1x16xf32>
        tpu.vector_store %arg13[%swap3A_320, %swap3A_321], %swap3A_324 {strides = array<i32>} : memref<32x64xf32, #tpu.memory_space<vmem>>, vector<1x16xf32>,
        %mul3A_325 = arith.constant 4 : i32
        %mul3A_326 = arith.muli %scan3A_199, %mul3A_325 : i32
        %add3A_327 = arith.constant 2 : i32
        %add3A_328 = arith.addi %mul3A_326, %add3A_327 : i32
        %get3A_329 = arith.index_cast %add3A_328 : i32 to index
        %get3A_330 = arith.constant 0 : index
        %get3A_331 = tpu.vector_load %arg9[%get3A_329, %get3A_330] {strides = array<i32>} : memref<32x128xf32, #tpu.memory_space<vmem>>, vector<1x16xf32>,
        %get3A_332 = vector.shape_cast %get3A_331 : vector<1x16xf32> to vector<16xf32>
        %get3A_333 = arith.index_cast %add3A_328 : i32 to index
        %get3A_334 = arith.constant 0 : index
        %get3A_335 = tpu.vector_load %arg11[%get3A_333, %get3A_334] {strides = array<i32>} : memref<32x128xf32, #tpu.memory_space<vmem>>, vector<1x16xf32>,
        %get3A_336 = vector.shape_cast %get3A_335 : vector<1x16xf32> to vector<16xf32>
        %sub3A_337 = arith.subf %get3A_332, %get3A_336 : vector<16xf32>
        %abs3A_338 = math.absf %sub3A_337 : vector<16xf32>
        %swap3A_339 = arith.index_cast %add3A_328 : i32 to index
        %swap3A_340 = arith.constant 0 : index
        %swap3A_341 = tpu.vector_load %arg13[%swap3A_339, %swap3A_340] {strides = array<i32>} : memref<32x64xf32, #tpu.memory_space<vmem>>, vector<1x16xf32>,
        %swap3A_342 = vector.shape_cast %swap3A_341 : vector<1x16xf32> to vector<16xf32>
        %swap3A_343 = vector.shape_cast %abs3A_338 : vector<16xf32> to vector<1x16xf32>
        tpu.vector_store %arg13[%swap3A_339, %swap3A_340], %swap3A_343 {strides = array<i32>} : memref<32x64xf32, #tpu.memory_space<vmem>>, vector<1x16xf32>,
        %get3A_344 = arith.index_cast %add3A_328 : i32 to index
        %get3A_345 = arith.constant 16 : index
        %get3A_346 = tpu.vector_load %arg9[%get3A_344, %get3A_345] {strides = array<i32>} : memref<32x128xf32, #tpu.memory_space<vmem>>, vector<1x16xf32>,
        %get3A_347 = vector.shape_cast %get3A_346 : vector<1x16xf32> to vector<16xf32>
        %get3A_348 = arith.index_cast %add3A_328 : i32 to index
        %get3A_349 = arith.constant 16 : index
        %get3A_350 = tpu.vector_load %arg11[%get3A_348, %get3A_349] {strides = array<i32>} : memref<32x128xf32, #tpu.memory_space<vmem>>, vector<1x16xf32>,
        %get3A_351 = vector.shape_cast %get3A_350 : vector<1x16xf32> to vector<16xf32>
        %sub3A_352 = arith.subf %get3A_347, %get3A_351 : vector<16xf32>
        %abs3A_353 = math.absf %sub3A_352 : vector<16xf32>
        %swap3A_354 = arith.index_cast %add3A_328 : i32 to index
        %swap3A_355 = arith.constant 16 : index
        %swap3A_356 = tpu.vector_load %arg13[%swap3A_354, %swap3A_355] {strides = array<i32>} : memref<32x64xf32, #tpu.memory_space<vmem>>, vector<1x16xf32>,
        %swap3A_357 = vector.shape_cast %swap3A_356 : vector<1x16xf32> to vector<16xf32>
        %swap3A_358 = vector.shape_cast %abs3A_353 : vector<16xf32> to vector<1x16xf32>
        tpu.vector_store %arg13[%swap3A_354, %swap3A_355], %swap3A_358 {strides = array<i32>} : memref<32x64xf32, #tpu.memory_space<vmem>>, vector<1x16xf32>,
        %get3A_359 = arith.index_cast %add3A_328 : i32 to index
        %get3A_360 = arith.constant 32 : index
        %get3A_361 = tpu.vector_load %arg9[%get3A_359, %get3A_360] {strides = array<i32>} : memref<32x128xf32, #tpu.memory_space<vmem>>, vector<1x16xf32>,
        %get3A_362 = vector.shape_cast %get3A_361 : vector<1x16xf32> to vector<16xf32>
        %get3A_363 = arith.index_cast %add3A_328 : i32 to index
        %get3A_364 = arith.constant 32 : index
        %get3A_365 = tpu.vector_load %arg11[%get3A_363, %get3A_364] {strides = array<i32>} : memref<32x128xf32, #tpu.memory_space<vmem>>, vector<1x16xf32>,
        %get3A_366 = vector.shape_cast %get3A_365 : vector<1x16xf32> to vector<16xf32>
        %sub3A_367 = arith.subf %get3A_362, %get3A_366 : vector<16xf32>
        %abs3A_368 = math.absf %sub3A_367 : vector<16xf32>
        %swap3A_369 = arith.index_cast %add3A_328 : i32 to index
        %swap3A_370 = arith.constant 32 : index
        %swap3A_371 = tpu.vector_load %arg13[%swap3A_369, %swap3A_370] {strides = array<i32>} : memref<32x64xf32, #tpu.memory_space<vmem>>, vector<1x16xf32>,
        %swap3A_372 = vector.shape_cast %swap3A_371 : vector<1x16xf32> to vector<16xf32>
        %swap3A_373 = vector.shape_cast %abs3A_368 : vector<16xf32> to vector<1x16xf32>
        tpu.vector_store %arg13[%swap3A_369, %swap3A_370], %swap3A_373 {strides = array<i32>} : memref<32x64xf32, #tpu.memory_space<vmem>>, vector<1x16xf32>,
        %get3A_374 = arith.index_cast %add3A_328 : i32 to index
        %get3A_375 = arith.constant 48 : index
        %get3A_376 = tpu.vector_load %arg9[%get3A_374, %get3A_375] {strides = array<i32>} : memref<32x128xf32, #tpu.memory_space<vmem>>, vector<1x16xf32>,
        %get3A_377 = vector.shape_cast %get3A_376 : vector<1x16xf32> to vector<16xf32>
        %get3A_378 = arith.index_cast %add3A_328 : i32 to index
        %get3A_379 = arith.constant 48 : index
        %get3A_380 = tpu.vector_load %arg11[%get3A_378, %get3A_379] {strides = array<i32>} : memref<32x128xf32, #tpu.memory_space<vmem>>, vector<1x16xf32>,
        %get3A_381 = vector.shape_cast %get3A_380 : vector<1x16xf32> to vector<16xf32>
        %sub3A_382 = arith.subf %get3A_377, %get3A_381 : vector<16xf32>
        %abs3A_383 = math.absf %sub3A_382 : vector<16xf32>
        %swap3A_384 = arith.index_cast %add3A_328 : i32 to index
        %swap3A_385 = arith.constant 48 : index
        %swap3A_386 = tpu.vector_load %arg13[%swap3A_384, %swap3A_385] {strides = array<i32>} : memref<32x64xf32, #tpu.memory_space<vmem>>, vector<1x16xf32>,
        %swap3A_387 = vector.shape_cast %swap3A_386 : vector<1x16xf32> to vector<16xf32>
        %swap3A_388 = vector.shape_cast %abs3A_383 : vector<16xf32> to vector<1x16xf32>
        tpu.vector_store %arg13[%swap3A_384, %swap3A_385], %swap3A_388 {strides = array<i32>} : memref<32x64xf32, #tpu.memory_space<vmem>>, vector<1x16xf32>,
        %mul3A_389 = arith.constant 4 : i32
        %mul3A_390 = arith.muli %scan3A_199, %mul3A_389 : i32
        %add3A_391 = arith.constant 3 : i32
        %add3A_392 = arith.addi %mul3A_390, %add3A_391 : i32
        %get3A_393 = arith.index_cast %add3A_392 : i32 to index
        %get3A_394 = arith.constant 0 : index
        %get3A_395 = tpu.vector_load %arg9[%get3A_393, %get3A_394] {strides = array<i32>} : memref<32x128xf32, #tpu.memory_space<vmem>>, vector<1x16xf32>,
        %get3A_396 = vector.shape_cast %get3A_395 : vector<1x16xf32> to vector<16xf32>
        %get3A_397 = arith.index_cast %add3A_392 : i32 to index
        %get3A_398 = arith.constant 0 : index
        %get3A_399 = tpu.vector_load %arg11[%get3A_397, %get3A_398] {strides = array<i32>} : memref<32x128xf32, #tpu.memory_space<vmem>>, vector<1x16xf32>,
        %get3A_400 = vector.shape_cast %get3A_399 : vector<1x16xf32> to vector<16xf32>
        %sub3A_401 = arith.subf %get3A_396, %get3A_400 : vector<16xf32>
        %abs3A_402 = math.absf %sub3A_401 : vector<16xf32>
        %swap3A_403 = arith.index_cast %add3A_392 : i32 to index
        %swap3A_404 = arith.constant 0 : index
        %swap3A_405 = tpu.vector_load %arg13[%swap3A_403, %swap3A_404] {strides = array<i32>} : memref<32x64xf32, #tpu.memory_space<vmem>>, vector<1x16xf32>,
        %swap3A_406 = vector.shape_cast %swap3A_405 : vector<1x16xf32> to vector<16xf32>
        %swap3A_407 = vector.shape_cast %abs3A_402 : vector<16xf32> to vector<1x16xf32>
        tpu.vector_store %arg13[%swap3A_403, %swap3A_404], %swap3A_407 {strides = array<i32>} : memref<32x64xf32, #tpu.memory_space<vmem>>, vector<1x16xf32>,
        %get3A_408 = arith.index_cast %add3A_392 : i32 to index
        %get3A_409 = arith.constant 16 : index
        %get3A_410 = tpu.vector_load %arg9[%get3A_408, %get3A_409] {strides = array<i32>} : memref<32x128xf32, #tpu.memory_space<vmem>>, vector<1x16xf32>,
        %get3A_411 = vector.shape_cast %get3A_410 : vector<1x16xf32> to vector<16xf32>
        %get3A_412 = arith.index_cast %add3A_392 : i32 to index
        %get3A_413 = arith.constant 16 : index
        %get3A_414 = tpu.vector_load %arg11[%get3A_412, %get3A_413] {strides = array<i32>} : memref<32x128xf32, #tpu.memory_space<vmem>>, vector<1x16xf32>,
        %get3A_415 = vector.shape_cast %get3A_414 : vector<1x16xf32> to vector<16xf32>
        %sub3A_416 = arith.subf %get3A_411, %get3A_415 : vector<16xf32>
        %abs3A_417 = math.absf %sub3A_416 : vector<16xf32>
        %swap3A_418 = arith.index_cast %add3A_392 : i32 to index
        %swap3A_419 = arith.constant 16 : index
        %swap3A_420 = tpu.vector_load %arg13[%swap3A_418, %swap3A_419] {strides = array<i32>} : memref<32x64xf32, #tpu.memory_space<vmem>>, vector<1x16xf32>,
        %swap3A_421 = vector.shape_cast %swap3A_420 : vector<1x16xf32> to vector<16xf32>
        %swap3A_422 = vector.shape_cast %abs3A_417 : vector<16xf32> to vector<1x16xf32>
        tpu.vector_store %arg13[%swap3A_418, %swap3A_419], %swap3A_422 {strides = array<i32>} : memref<32x64xf32, #tpu.memory_space<vmem>>, vector<1x16xf32>,
        %get3A_423 = arith.index_cast %add3A_392 : i32 to index
        %get3A_424 = arith.constant 32 : index
        %get3A_425 = tpu.vector_load %arg9[%get3A_423, %get3A_424] {strides = array<i32>} : memref<32x128xf32, #tpu.memory_space<vmem>>, vector<1x16xf32>,
        %get3A_426 = vector.shape_cast %get3A_425 : vector<1x16xf32> to vector<16xf32>
        %get3A_427 = arith.index_cast %add3A_392 : i32 to index
        %get3A_428 = arith.constant 32 : index
        %get3A_429 = tpu.vector_load %arg11[%get3A_427, %get3A_428] {strides = array<i32>} : memref<32x128xf32, #tpu.memory_space<vmem>>, vector<1x16xf32>,
        %get3A_430 = vector.shape_cast %get3A_429 : vector<1x16xf32> to vector<16xf32>
        %sub3A_431 = arith.subf %get3A_426, %get3A_430 : vector<16xf32>
        %abs3A_432 = math.absf %sub3A_431 : vector<16xf32>
        %swap3A_433 = arith.index_cast %add3A_392 : i32 to index
        %swap3A_434 = arith.constant 32 : index
        %swap3A_435 = tpu.vector_load %arg13[%swap3A_433, %swap3A_434] {strides = array<i32>} : memref<32x64xf32, #tpu.memory_space<vmem>>, vector<1x16xf32>,
        %swap3A_436 = vector.shape_cast %swap3A_435 : vector<1x16xf32> to vector<16xf32>
        %swap3A_437 = vector.shape_cast %abs3A_432 : vector<16xf32> to vector<1x16xf32>
        tpu.vector_store %arg13[%swap3A_433, %swap3A_434], %swap3A_437 {strides = array<i32>} : memref<32x64xf32, #tpu.memory_space<vmem>>, vector<1x16xf32>,
        %get3A_438 = arith.index_cast %add3A_392 : i32 to index
        %get3A_439 = arith.constant 48 : index
        %get3A_440 = tpu.vector_load %arg9[%get3A_438, %get3A_439] {strides = array<i32>} : memref<32x128xf32, #tpu.memory_space<vmem>>, vector<1x16xf32>,
        %get3A_441 = vector.shape_cast %get3A_440 : vector<1x16xf32> to vector<16xf32>
        %get3A_442 = arith.index_cast %add3A_392 : i32 to index
        %get3A_443 = arith.constant 48 : index
        %get3A_444 = tpu.vector_load %arg11[%get3A_442, %get3A_443] {strides = array<i32>} : memref<32x128xf32, #tpu.memory_space<vmem>>, vector<1x16xf32>,
        %get3A_445 = vector.shape_cast %get3A_444 : vector<1x16xf32> to vector<16xf32>
        %sub3A_446 = arith.subf %get3A_441, %get3A_445 : vector<16xf32>
        %abs3A_447 = math.absf %sub3A_446 : vector<16xf32>
        %swap3A_448 = arith.index_cast %add3A_392 : i32 to index
        %swap3A_449 = arith.constant 48 : index
        %swap3A_450 = tpu.vector_load %arg13[%swap3A_448, %swap3A_449] {strides = array<i32>} : memref<32x64xf32, #tpu.memory_space<vmem>>, vector<1x16xf32>,
        %swap3A_451 = vector.shape_cast %swap3A_450 : vector<1x16xf32> to vector<16xf32>
        %swap3A_452 = vector.shape_cast %abs3A_447 : vector<16xf32> to vector<1x16xf32>
        tpu.vector_store %arg13[%swap3A_448, %swap3A_449], %swap3A_452 {strides = array<i32>} : memref<32x64xf32, #tpu.memory_space<vmem>>, vector<1x16xf32>,
        %scan3A_453 = arith.constant 0 : i32
        scf.yield %scan3A_453 : i32
      }
      %scan3A_183 = arith.constant 8 : i32
      %mul3A_184 = arith.constant 32 : i32
      %mul3A_185 = arith.muli %add3A_159, %mul3A_184 : i32
      %add3A_186 = arith.addi %mul3A_2, %mul3A_185 : i32
      %dma_start3A_187 = arith.constant 0 : i32
      %dma_start3A_188 = tpu.memref_slice %arg5[%add3A_186, %dma_start3A_187] : memref<320000x64xf32, #tpu.memory_space<hbm>> -> memref<32x64xf32, #tpu.memory_space<hbm>>
      %dma_start3A_189 = arith.constant 0 : i32
      %dma_start3A_190 = tpu.memref_slice %arg5[%add3A_186, %dma_start3A_189] : memref<320000x64xf32, #tpu.memory_space<hbm>> -> memref<32x64xf32, #tpu.memory_space<hbm>>
      tpu.enqueue_dma source(%arg13 : memref<32x64xf32, #tpu.memory_space<vmem>>) target(%dma_start3A_190 : memref<32x64xf32, #tpu.memory_space<hbm>>) target_semaphore(%arg18 : memref<!tpu.dma_semaphore, #tpu.memory_space<semaphore_mem>>)
      %add3A_191 = arith.constant 2 : i32
      %add3A_192 = arith.addi %add3A_159, %add3A_191 : i32
      %lt3A_193 = arith.constant 312 : i32
      %lt3A_194 = arith.cmpi slt, %add3A_192, %lt3A_193 : i32
      %convert_element_type3A_195 = arith.extui %lt3A_194 : i1 to i32
      %cond3A_196 = arith.constant 0 : i32
      %cond3A_197 = arith.cmpi ne, %convert_element_type3A_195, %cond3A_196 : i32
      scf.if %cond3A_197 {
        %add3A_199 = arith.constant 2 : i32
        %add3A_200 = arith.addi %add3A_159, %add3A_199 : i32
        %mul3A_201 = arith.constant 32 : i32
        %mul3A_202 = arith.muli %add3A_200, %mul3A_201 : i32
        %dma_start3A_203 = tpu.memref_slice %arg6[%mul3A_202] : memref<10000xi32, #tpu.memory_space<vmem>> -> memref<32xi32, #tpu.memory_space<vmem>>
        %dma_start3A_204 = arith.constant 0 : i32
        %dma_start3A_205 = arith.constant 0 : i32
        %dma_start3A_206 = tpu.memref_slice %arg14[%dma_start3A_204, %dma_start3A_205] : memref<10000x128xf32, #tpu.memory_space<vmem_shared>> -> memref<10000x128xf32, #tpu.memory_space<vmem_shared>>
        tpu.enqueue_indirect_dma source(%dma_start3A_206 : memref<10000x128xf32, #tpu.memory_space<vmem_shared>>) target(%arg9 : memref<32x128xf32, #tpu.memory_space<vmem>>) offsets(%dma_start3A_203 : memref<32xi32, #tpu.memory_space<vmem>>) semaphore(%arg16 : memref<!tpu.dma_semaphore, #tpu.memory_space<semaphore_mem>>)
        %mul3A_207 = arith.constant 32 : i32
        %mul3A_208 = arith.muli %add3A_200, %mul3A_207 : i32
        %dma_start3A_209 = tpu.memref_slice %arg7[%mul3A_208] : memref<10000xi32, #tpu.memory_space<vmem>> -> memref<32xi32, #tpu.memory_space<vmem>>
        %dma_start3A_210 = arith.constant 0 : i32
        %dma_start3A_211 = arith.constant 0 : i32
        %dma_start3A_212 = tpu.memref_slice %arg14[%dma_start3A_210, %dma_start3A_211] : memref<10000x128xf32, #tpu.memory_space<vmem_shared>> -> memref<10000x128xf32, #tpu.memory_space<vmem_shared>>
        tpu.enqueue_indirect_dma source(%dma_start3A_212 : memref<10000x128xf32, #tpu.memory_space<vmem_shared>>) target(%arg11 : memref<32x128xf32, #tpu.memory_space<vmem>>) offsets(%dma_start3A_209 : memref<32xi32, #tpu.memory_space<vmem>>) semaphore(%arg16 : memref<!tpu.dma_semaphore, #tpu.memory_space<semaphore_mem>>)
      } else {
      }
      %scan3A_198 = arith.constant 0 : i32
      scf.yield %scan3A_198 : i32
    }
    %scan3A_33 = arith.constant 156 : i32
    %dma_start3A_34 = arith.constant 0 : i32
    %dma_start3A_35 = arith.constant 0 : i32
    %dma_start3A_36 = tpu.memref_slice %arg8[%dma_start3A_34, %dma_start3A_35] : memref<32x128xf32, #tpu.memory_space<vmem>> -> memref<16x128xf32, #tpu.memory_space<vmem>>
    %dma_start3A_37 = arith.constant 9984 : i32
    %dma_start3A_38 = tpu.memref_slice %arg6[%dma_start3A_37] : memref<10000xi32, #tpu.memory_space<vmem>> -> memref<16xi32, #tpu.memory_space<vmem>>
    %dma_start3A_39 = arith.constant 0 : i32
    %dma_start3A_40 = arith.constant 0 : i32
    %dma_start3A_41 = tpu.memref_slice %arg14[%dma_start3A_39, %dma_start3A_40] : memref<10000x128xf32, #tpu.memory_space<vmem_shared>> -> memref<10000x128xf32, #tpu.memory_space<vmem_shared>>
    tpu.enqueue_indirect_dma source(%dma_start3A_41 : memref<10000x128xf32, #tpu.memory_space<vmem_shared>>) target(%dma_start3A_36 : memref<16x128xf32, #tpu.memory_space<vmem>>) offsets(%dma_start3A_38 : memref<16xi32, #tpu.memory_space<vmem>>) semaphore(%arg15 : memref<!tpu.dma_semaphore, #tpu.memory_space<semaphore_mem>>)
    %dma_start3A_42 = arith.constant 0 : i32
    %dma_start3A_43 = arith.constant 0 : i32
    %dma_start3A_44 = tpu.memref_slice %arg10[%dma_start3A_42, %dma_start3A_43] : memref<32x128xf32, #tpu.memory_space<vmem>> -> memref<16x128xf32, #tpu.memory_space<vmem>>
    %dma_start3A_45 = arith.constant 9984 : i32
    %dma_start3A_46 = tpu.memref_slice %arg7[%dma_start3A_45] : memref<10000xi32, #tpu.memory_space<vmem>> -> memref<16xi32, #tpu.memory_space<vmem>>
    %dma_start3A_47 = arith.constant 0 : i32
    %dma_start3A_48 = arith.constant 0 : i32
    %dma_start3A_49 = tpu.memref_slice %arg14[%dma_start3A_47, %dma_start3A_48] : memref<10000x128xf32, #tpu.memory_space<vmem_shared>> -> memref<10000x128xf32, #tpu.memory_space<vmem_shared>>
    tpu.enqueue_indirect_dma source(%dma_start3A_49 : memref<10000x128xf32, #tpu.memory_space<vmem_shared>>) target(%dma_start3A_44 : memref<16x128xf32, #tpu.memory_space<vmem>>) offsets(%dma_start3A_46 : memref<16xi32, #tpu.memory_space<vmem>>) semaphore(%arg15 : memref<!tpu.dma_semaphore, #tpu.memory_space<semaphore_mem>>)
    %dma_wait3A = arith.constant 0 : i32
    %dma_wait3A_50 = arith.constant 0 : i32
    %dma_wait3A_51 = tpu.memref_slice %arg8[%dma_wait3A, %dma_wait3A_50] : memref<32x128xf32, #tpu.memory_space<vmem>> -> memref<16x128xf32, #tpu.memory_space<vmem>>
    %dma_wait3A_52 = arith.constant 0 : i32
    %dma_wait3A_53 = arith.constant 0 : i32
    %dma_wait3A_54 = tpu.memref_slice %arg2[%dma_wait3A_52, %dma_wait3A_53] : memref<10000x128xf32, #tpu.memory_space<hbm>> -> memref<16x128xf32, #tpu.memory_space<hbm>>
    %dma_wait3A_55 = arith.constant 0 : i32
    %dma_wait3A_56 = arith.constant 0 : i32
    %dma_wait3A_57 = tpu.memref_slice %arg8[%dma_wait3A_55, %dma_wait3A_56] : memref<32x128xf32, #tpu.memory_space<vmem>> -> memref<16x128xf32, #tpu.memory_space<vmem>>
    %dma_wait3A_58 = arith.constant 0 : i32
    %dma_wait3A_59 = arith.constant 0 : i32
    %dma_wait3A_60 = tpu.memref_slice %arg2[%dma_wait3A_58, %dma_wait3A_59] : memref<10000x128xf32, #tpu.memory_space<hbm>> -> memref<16x128xf32, #tpu.memory_space<hbm>>
    tpu.wait_dma2 semaphore(%arg15 : memref<!tpu.dma_semaphore, #tpu.memory_space<semaphore_mem>>) src(%dma_wait3A_60 : memref<16x128xf32, #tpu.memory_space<hbm>>) dst(%dma_wait3A_57 : memref<16x128xf32, #tpu.memory_space<vmem>>)
    %dma_wait3A_61 = arith.constant 0 : i32
    %dma_wait3A_62 = arith.constant 0 : i32
    %dma_wait3A_63 = tpu.memref_slice %arg10[%dma_wait3A_61, %dma_wait3A_62] : memref<32x128xf32, #tpu.memory_space<vmem>> -> memref<16x128xf32, #tpu.memory_space<vmem>>
    %dma_wait3A_64 = arith.constant 0 : i32
    %dma_wait3A_65 = arith.constant 0 : i32
    %dma_wait3A_66 = tpu.memref_slice %arg2[%dma_wait3A_64, %dma_wait3A_65] : memref<10000x128xf32, #tpu.memory_space<hbm>> -> memref<16x128xf32, #tpu.memory_space<hbm>>
    %dma_wait3A_67 = arith.constant 0 : i32
    %dma_wait3A_68 = arith.constant 0 : i32
    %dma_wait3A_69 = tpu.memref_slice %arg10[%dma_wait3A_67, %dma_wait3A_68] : memref<32x128xf32, #tpu.memory_space<vmem>> -> memref<16x128xf32, #tpu.memory_space<vmem>>
    %dma_wait3A_70 = arith.constant 0 : i32
    %dma_wait3A_71 = arith.constant 0 : i32
    %dma_wait3A_72 = tpu.memref_slice %arg2[%dma_wait3A_70, %dma_wait3A_71] : memref<10000x128xf32, #tpu.memory_space<hbm>> -> memref<16x128xf32, #tpu.memory_space<hbm>>
    tpu.wait_dma2 semaphore(%arg15 : memref<!tpu.dma_semaphore, #tpu.memory_space<semaphore_mem>>) src(%dma_wait3A_72 : memref<16x128xf32, #tpu.memory_space<hbm>>) dst(%dma_wait3A_69 : memref<16x128xf32, #tpu.memory_space<vmem>>)
    %dma_wait3A_73 = arith.constant 0 : i32
    %dma_wait3A_74 = arith.constant 0 : i32
    %dma_wait3A_75 = tpu.memref_slice %arg5[%dma_wait3A_73, %dma_wait3A_74] : memref<320000x64xf32, #tpu.memory_space<hbm>> -> memref<32x64xf32, #tpu.memory_space<hbm>>
    %dma_wait3A_76 = arith.constant 0 : i32
    %dma_wait3A_77 = arith.constant 0 : i32
    %dma_wait3A_78 = tpu.memref_slice %arg5[%dma_wait3A_76, %dma_wait3A_77] : memref<320000x64xf32, #tpu.memory_space<hbm>> -> memref<32x64xf32, #tpu.memory_space<hbm>>
    tpu.wait_dma2 semaphore(%arg17 : memref<!tpu.dma_semaphore, #tpu.memory_space<semaphore_mem>>) src(%dma_wait3A_78 : memref<32x64xf32, #tpu.memory_space<hbm>>) dst(%arg12 : memref<32x64xf32, #tpu.memory_space<vmem>>)
    %scan3A_79 = arith.constant 0 : i32
    %scan3A_80 = arith.constant 0 : i32
    %scan3A_81 = arith.constant 16 : i32
    %scan3A_82 = arith.addi %scan3A_80, %scan3A_81 : i32
    %scan3A_83 = arith.constant 1 : i32
    %scan3A_84 = scf.for %scan3A_116 = %scan3A_80 to %scan3A_82 step %scan3A_83 iter_args(%scan3A_117 = %scan3A_79) -> (i32)  : i32 {
      %get3A = arith.index_cast %scan3A_116 : i32 to index
      %get3A_118 = arith.constant 0 : index
      %get3A_119 = tpu.vector_load %arg8[%get3A, %get3A_118] {strides = array<i32>} : memref<32x128xf32, #tpu.memory_space<vmem>>, vector<1x16xf32>,
      %get3A_120 = vector.shape_cast %get3A_119 : vector<1x16xf32> to vector<16xf32>
      %get3A_121 = arith.index_cast %scan3A_116 : i32 to index
      %get3A_122 = arith.constant 0 : index
      %get3A_123 = tpu.vector_load %arg10[%get3A_121, %get3A_122] {strides = array<i32>} : memref<32x128xf32, #tpu.memory_space<vmem>>, vector<1x16xf32>,
      %get3A_124 = vector.shape_cast %get3A_123 : vector<1x16xf32> to vector<16xf32>
      %sub3A = arith.subf %get3A_120, %get3A_124 : vector<16xf32>
      %abs3A = math.absf %sub3A : vector<16xf32>
      %swap3A = arith.index_cast %scan3A_116 : i32 to index
      %swap3A_125 = arith.constant 0 : index
      %swap3A_126 = tpu.vector_load %arg12[%swap3A, %swap3A_125] {strides = array<i32>} : memref<32x64xf32, #tpu.memory_space<vmem>>, vector<1x16xf32>,
      %swap3A_127 = vector.shape_cast %swap3A_126 : vector<1x16xf32> to vector<16xf32>
      %swap3A_128 = vector.shape_cast %abs3A : vector<16xf32> to vector<1x16xf32>
      tpu.vector_store %arg12[%swap3A, %swap3A_125], %swap3A_128 {strides = array<i32>} : memref<32x64xf32, #tpu.memory_space<vmem>>, vector<1x16xf32>,
      %get3A_129 = arith.index_cast %scan3A_116 : i32 to index
      %get3A_130 = arith.constant 16 : index
      %get3A_131 = tpu.vector_load %arg8[%get3A_129, %get3A_130] {strides = array<i32>} : memref<32x128xf32, #tpu.memory_space<vmem>>, vector<1x16xf32>,
      %get3A_132 = vector.shape_cast %get3A_131 : vector<1x16xf32> to vector<16xf32>
      %get3A_133 = arith.index_cast %scan3A_116 : i32 to index
      %get3A_134 = arith.constant 16 : index
      %get3A_135 = tpu.vector_load %arg10[%get3A_133, %get3A_134] {strides = array<i32>} : memref<32x128xf32, #tpu.memory_space<vmem>>, vector<1x16xf32>,
      %get3A_136 = vector.shape_cast %get3A_135 : vector<1x16xf32> to vector<16xf32>
      %sub3A_137 = arith.subf %get3A_132, %get3A_136 : vector<16xf32>
      %abs3A_138 = math.absf %sub3A_137 : vector<16xf32>
      %swap3A_139 = arith.index_cast %scan3A_116 : i32 to index
      %swap3A_140 = arith.constant 16 : index
      %swap3A_141 = tpu.vector_load %arg12[%swap3A_139, %swap3A_140] {strides = array<i32>} : memref<32x64xf32, #tpu.memory_space<vmem>>, vector<1x16xf32>,
      %swap3A_142 = vector.shape_cast %swap3A_141 : vector<1x16xf32> to vector<16xf32>
      %swap3A_143 = vector.shape_cast %abs3A_138 : vector<16xf32> to vector<1x16xf32>
      tpu.vector_store %arg12[%swap3A_139, %swap3A_140], %swap3A_143 {strides = array<i32>} : memref<32x64xf32, #tpu.memory_space<vmem>>, vector<1x16xf32>,
      %get3A_144 = arith.index_cast %scan3A_116 : i32 to index
      %get3A_145 = arith.constant 32 : index
      %get3A_146 = tpu.vector_load %arg8[%get3A_144, %get3A_145] {strides = array<i32>} : memref<32x128xf32, #tpu.memory_space<vmem>>, vector<1x16xf32>,
      %get3A_147 = vector.shape_cast %get3A_146 : vector<1x16xf32> to vector<16xf32>
      %get3A_148 = arith.index_cast %scan3A_116 : i32 to index
      %get3A_149 = arith.constant 32 : index
      %get3A_150 = tpu.vector_load %arg10[%get3A_148, %get3A_149] {strides = array<i32>} : memref<32x128xf32, #tpu.memory_space<vmem>>, vector<1x16xf32>,
      %get3A_151 = vector.shape_cast %get3A_150 : vector<1x16xf32> to vector<16xf32>
      %sub3A_152 = arith.subf %get3A_147, %get3A_151 : vector<16xf32>
      %abs3A_153 = math.absf %sub3A_152 : vector<16xf32>
      %swap3A_154 = arith.index_cast %scan3A_116 : i32 to index
      %swap3A_155 = arith.constant 32 : index
      %swap3A_156 = tpu.vector_load %arg12[%swap3A_154, %swap3A_155] {strides = array<i32>} : memref<32x64xf32, #tpu.memory_space<vmem>>, vector<1x16xf32>,
      %swap3A_157 = vector.shape_cast %swap3A_156 : vector<1x16xf32> to vector<16xf32>
      %swap3A_158 = vector.shape_cast %abs3A_153 : vector<16xf32> to vector<1x16xf32>
      tpu.vector_store %arg12[%swap3A_154, %swap3A_155], %swap3A_158 {strides = array<i32>} : memref<32x64xf32, #tpu.memory_space<vmem>>, vector<1x16xf32>,
      %get3A_159 = arith.index_cast %scan3A_116 : i32 to index
      %get3A_160 = arith.constant 48 : index
      %get3A_161 = tpu.vector_load %arg8[%get3A_159, %get3A_160] {strides = array<i32>} : memref<32x128xf32, #tpu.memory_space<vmem>>, vector<1x16xf32>,
      %get3A_162 = vector.shape_cast %get3A_161 : vector<1x16xf32> to vector<16xf32>
      %get3A_163 = arith.index_cast %scan3A_116 : i32 to index
      %get3A_164 = arith.constant 48 : index
      %get3A_165 = tpu.vector_load %arg10[%get3A_163, %get3A_164] {strides = array<i32>} : memref<32x128xf32, #tpu.memory_space<vmem>>, vector<1x16xf32>,
      %get3A_166 = vector.shape_cast %get3A_165 : vector<1x16xf32> to vector<16xf32>
      %sub3A_167 = arith.subf %get3A_162, %get3A_166 : vector<16xf32>
      %abs3A_168 = math.absf %sub3A_167 : vector<16xf32>
      %swap3A_169 = arith.index_cast %scan3A_116 : i32 to index
      %swap3A_170 = arith.constant 48 : index
      %swap3A_171 = tpu.vector_load %arg12[%swap3A_169, %swap3A_170] {strides = array<i32>} : memref<32x64xf32, #tpu.memory_space<vmem>>, vector<1x16xf32>,
      %swap3A_172 = vector.shape_cast %swap3A_171 : vector<1x16xf32> to vector<16xf32>
      %swap3A_173 = vector.shape_cast %abs3A_168 : vector<16xf32> to vector<1x16xf32>
      tpu.vector_store %arg12[%swap3A_169, %swap3A_170], %swap3A_173 {strides = array<i32>} : memref<32x64xf32, #tpu.memory_space<vmem>>, vector<1x16xf32>,
      %scan3A_174 = arith.constant 0 : i32
      scf.yield %scan3A_174 : i32
    }
    %scan3A_85 = arith.constant 16 : i32
    %add3A_86 = arith.constant 9984 : i32
    %add3A_87 = arith.addi %mul3A_2, %add3A_86 : i32
    %dma_start3A_88 = arith.constant 0 : i32
    %dma_start3A_89 = arith.constant 0 : i32
    %dma_start3A_90 = tpu.memref_slice %arg12[%dma_start3A_88, %dma_start3A_89] : memref<32x64xf32, #tpu.memory_space<vmem>> -> memref<16x64xf32, #tpu.memory_space<vmem>>
    %dma_start3A_91 = arith.constant 0 : i32
    %dma_start3A_92 = tpu.memref_slice %arg5[%add3A_87, %dma_start3A_91] : memref<320000x64xf32, #tpu.memory_space<hbm>> -> memref<16x64xf32, #tpu.memory_space<hbm>>
    %dma_start3A_93 = arith.constant 0 : i32
    %dma_start3A_94 = tpu.memref_slice %arg5[%add3A_87, %dma_start3A_93] : memref<320000x64xf32, #tpu.memory_space<hbm>> -> memref<16x64xf32, #tpu.memory_space<hbm>>
    %dma_start3A_95 = arith.constant 0 : i32
    %dma_start3A_96 = arith.constant 0 : i32
    %dma_start3A_97 = tpu.memref_slice %arg12[%dma_start3A_95, %dma_start3A_96] : memref<32x64xf32, #tpu.memory_space<vmem>> -> memref<16x64xf32, #tpu.memory_space<vmem>>
    tpu.enqueue_dma source(%dma_start3A_97 : memref<16x64xf32, #tpu.memory_space<vmem>>) target(%dma_start3A_94 : memref<16x64xf32, #tpu.memory_space<hbm>>) target_semaphore(%arg17 : memref<!tpu.dma_semaphore, #tpu.memory_space<semaphore_mem>>)
    %dma_wait3A_98 = arith.constant 0 : i32
    %dma_wait3A_99 = arith.constant 0 : i32
    %dma_wait3A_100 = tpu.memref_slice %arg12[%dma_wait3A_98, %dma_wait3A_99] : memref<32x64xf32, #tpu.memory_space<vmem>> -> memref<16x64xf32, #tpu.memory_space<vmem>>
    %dma_wait3A_101 = arith.constant 0 : i32
    %dma_wait3A_102 = arith.constant 0 : i32
    %dma_wait3A_103 = tpu.memref_slice %arg5[%dma_wait3A_101, %dma_wait3A_102] : memref<320000x64xf32, #tpu.memory_space<hbm>> -> memref<16x64xf32, #tpu.memory_space<hbm>>
    %dma_wait3A_104 = arith.constant 0 : i32
    %dma_wait3A_105 = arith.constant 0 : i32
    %dma_wait3A_106 = tpu.memref_slice %arg12[%dma_wait3A_104, %dma_wait3A_105] : memref<32x64xf32, #tpu.memory_space<vmem>> -> memref<16x64xf32, #tpu.memory_space<vmem>>
    %dma_wait3A_107 = arith.constant 0 : i32
    %dma_wait3A_108 = arith.constant 0 : i32
    %dma_wait3A_109 = tpu.memref_slice %arg5[%dma_wait3A_107, %dma_wait3A_108] : memref<320000x64xf32, #tpu.memory_space<hbm>> -> memref<16x64xf32, #tpu.memory_space<hbm>>
    tpu.wait_dma2 semaphore(%arg17 : memref<!tpu.dma_semaphore, #tpu.memory_space<semaphore_mem>>) src(%dma_wait3A_109 : memref<16x64xf32, #tpu.memory_space<hbm>>) dst(%dma_wait3A_106 : memref<16x64xf32, #tpu.memory_space<vmem>>)
    %dma_wait3A_110 = arith.constant 0 : i32
    %dma_wait3A_111 = arith.constant 0 : i32
    %dma_wait3A_112 = tpu.memref_slice %arg5[%dma_wait3A_110, %dma_wait3A_111] : memref<320000x64xf32, #tpu.memory_space<hbm>> -> memref<32x64xf32, #tpu.memory_space<hbm>>
    %dma_wait3A_113 = arith.constant 0 : i32
    %dma_wait3A_114 = arith.constant 0 : i32
    %dma_wait3A_115 = tpu.memref_slice %arg5[%dma_wait3A_113, %dma_wait3A_114] : memref<320000x64xf32, #tpu.memory_space<hbm>> -> memref<32x64xf32, #tpu.memory_space<hbm>>
    tpu.wait_dma2 semaphore(%arg18 : memref<!tpu.dma_semaphore, #tpu.memory_space<semaphore_mem>>) src(%dma_wait3A_115 : memref<32x64xf32, #tpu.memory_space<hbm>>) dst(%arg13 : memref<32x64xf32, #tpu.memory_space<vmem>>)
    return
  }
}

#map = affine_map<(d0, d1) -> (0, 0)>
#map1 = affine_map<(d0, d1) -> (0)>
module attributes {stable_mosaic.version = 14 : i64} {
  func.func @_edge_sc(%arg0: i32, %arg1: i32, %arg2: memref<10000x128xf32, #tpu.memory_space<hbm>>, %arg3: memref<320000xi32, #tpu.memory_space<hbm>>, %arg4: memref<320000xi32, #tpu.memory_space<hbm>>, %arg5: memref<320000x64xf32, #tpu.memory_space<hbm>>, %arg6: memref<10000xi32, #tpu.memory_space<vmem>>, %arg7: memref<10000xi32, #tpu.memory_space<vmem>>, %arg8: memref<32x128xf32, #tpu.memory_space<vmem>>, %arg9: memref<32x128xf32, #tpu.memory_space<vmem>>, %arg10: memref<32x128xf32, #tpu.memory_space<vmem>>, %arg11: memref<32x128xf32, #tpu.memory_space<vmem>>, %arg12: memref<32x64xf32, #tpu.memory_space<vmem>>, %arg13: memref<32x64xf32, #tpu.memory_space<vmem>>, %arg14: memref<10000x128xf32, #tpu.memory_space<vmem_shared>>, %arg15: memref<!tpu.dma_semaphore, #tpu.memory_space<semaphore_mem>>, %arg16: memref<!tpu.dma_semaphore, #tpu.memory_space<semaphore_mem>>, %arg17: memref<!tpu.dma_semaphore, #tpu.memory_space<semaphore_mem>>, %arg18: memref<!tpu.dma_semaphore, #tpu.memory_space<semaphore_mem>>) attributes {dimension_semantics = [#tpu.dimension_semantics<core_parallel>, #tpu.dimension_semantics<subcore_parallel>], iteration_bounds = array<i64: 2, 16>, scalar_prefetch = 0 : i64, scratch_operands = 13 : i64, tpu.core_type = #tpu.core_type<sc_vector_subcore>, window_params = [{transform_indices = #map}, {transform_indices = #map1}, {transform_indices = #map1}, {transform_indices = #map}]} {
    %mul3A = arith.constant 2 : i32
    %mul3A_0 = arith.muli %arg1, %mul3A : i32
    %add3A = arith.addi %mul3A_0, %arg0 : i32
    %mul3A_1 = arith.constant 10000 : i32
    %mul3A_2 = arith.muli %add3A, %mul3A_1 : i32
    %mul3A_3 = arith.constant 624 : i32
    %mul3A_4 = arith.muli %arg1, %mul3A_3 : i32
    %mul3A_5 = arith.constant 624 : i32
    %mul3A_6 = arith.muli %arg1, %mul3A_5 : i32
    "tpu.region"() ({
      %run_scoped3A = tpu.sem_alloc : memref<!tpu.dma_semaphore, #tpu.memory_space<semaphore_mem>>
      %dma_start3A_116 = arith.constant 0 : i32
      %dma_start3A_117 = tpu.memref_slice %arg14[%mul3A_6, %dma_start3A_116] : memref<10000x128xf32, #tpu.memory_space<vmem_shared>> -> memref<624x128xf32, #tpu.memory_space<vmem_shared>>
      %dma_start3A_118 = arith.constant 0 : i32
      %dma_start3A_119 = tpu.memref_slice %arg2[%mul3A_4, %dma_start3A_118] : memref<10000x128xf32, #tpu.memory_space<hbm>> -> memref<624x128xf32, #tpu.memory_space<hbm>>
      tpu.enqueue_dma source(%dma_start3A_119 : memref<624x128xf32, #tpu.memory_space<hbm>>) target(%dma_start3A_117 : memref<624x128xf32, #tpu.memory_space<vmem_shared>>) target_semaphore(%run_scoped3A : memref<!tpu.dma_semaphore, #tpu.memory_space<semaphore_mem>>)
      %dma_wait3A_120 = arith.constant 0 : i32
      %dma_wait3A_121 = tpu.memref_slice %arg14[%mul3A_6, %dma_wait3A_120] : memref<10000x128xf32, #tpu.memory_space<vmem_shared>> -> memref<624x128xf32, #tpu.memory_space<vmem_shared>>
      %dma_wait3A_122 = arith.constant 0 : i32
      %dma_wait3A_123 = tpu.memref_slice %arg2[%mul3A_4, %dma_wait3A_122] : memref<10000x128xf32, #tpu.memory_space<hbm>> -> memref<624x128xf32, #tpu.memory_space<hbm>>
      tpu.wait_dma2 semaphore(%run_scoped3A : memref<!tpu.dma_semaphore, #tpu.memory_space<semaphore_mem>>) src(%dma_wait3A_123 : memref<624x128xf32, #tpu.memory_space<hbm>>) dst(%dma_wait3A_121 : memref<624x128xf32, #tpu.memory_space<vmem_shared>>)
      tpu.yield
    }) : () -> ()
    %eq3A = arith.constant 0 : i32
    %eq3A_7 = arith.cmpi eq, %arg1, %eq3A : i32
    %convert_element_type3A = arith.extui %eq3A_7 : i1 to i32
    %cond3A = arith.constant 0 : i32
    %cond3A_8 = arith.cmpi ne, %convert_element_type3A, %cond3A : i32
    scf.if %cond3A_8 {
      "tpu.region"() ({
        %run_scoped3A = tpu.sem_alloc : memref<!tpu.dma_semaphore, #tpu.memory_space<semaphore_mem>>
        %dma_start3A_116 = arith.constant 9984 : i32
        %dma_start3A_117 = arith.constant 0 : i32
        %dma_start3A_118 = tpu.memref_slice %arg14[%dma_start3A_116, %dma_start3A_117] : memref<10000x128xf32, #tpu.memory_space<vmem_shared>> -> memref<16x128xf32, #tpu.memory_space<vmem_shared>>
        %dma_start3A_119 = arith.constant 9984 : i32
        %dma_start3A_120 = arith.constant 0 : i32
        %dma_start3A_121 = tpu.memref_slice %arg2[%dma_start3A_119, %dma_start3A_120] : memref<10000x128xf32, #tpu.memory_space<hbm>> -> memref<16x128xf32, #tpu.memory_space<hbm>>
        tpu.enqueue_dma source(%dma_start3A_121 : memref<16x128xf32, #tpu.memory_space<hbm>>) target(%dma_start3A_118 : memref<16x128xf32, #tpu.memory_space<vmem_shared>>) target_semaphore(%run_scoped3A : memref<!tpu.dma_semaphore, #tpu.memory_space<semaphore_mem>>)
        %dma_wait3A_122 = arith.constant 9984 : i32
        %dma_wait3A_123 = arith.constant 0 : i32
        %dma_wait3A_124 = tpu.memref_slice %arg14[%dma_wait3A_122, %dma_wait3A_123] : memref<10000x128xf32, #tpu.memory_space<vmem_shared>> -> memref<16x128xf32, #tpu.memory_space<vmem_shared>>
        %dma_wait3A_125 = arith.constant 9984 : i32
        %dma_wait3A_126 = arith.constant 0 : i32
        %dma_wait3A_127 = tpu.memref_slice %arg2[%dma_wait3A_125, %dma_wait3A_126] : memref<10000x128xf32, #tpu.memory_space<hbm>> -> memref<16x128xf32, #tpu.memory_space<hbm>>
        tpu.wait_dma2 semaphore(%run_scoped3A : memref<!tpu.dma_semaphore, #tpu.memory_space<semaphore_mem>>) src(%dma_wait3A_127 : memref<16x128xf32, #tpu.memory_space<hbm>>) dst(%dma_wait3A_124 : memref<16x128xf32, #tpu.memory_space<vmem_shared>>)
        tpu.yield
      }) : () -> ()
    } else {
    }
    %barrier3A = arith.constant 0 : index
    tpu.barrier barrier_id(%barrier3A)
    "tpu.region"() ({
      %run_scoped3A = tpu.sem_alloc : memref<!tpu.dma_semaphore, #tpu.memory_space<semaphore_mem>>
      %dma_start3A_116 = tpu.memref_slice %arg3[%mul3A_2] : memref<320000xi32, #tpu.memory_space<hbm>> -> memref<10000xi32, #tpu.memory_space<hbm>>
      %dma_start3A_117 = tpu.memref_slice %arg3[%mul3A_2] : memref<320000xi32, #tpu.memory_space<hbm>> -> memref<10000xi32, #tpu.memory_space<hbm>>
      tpu.enqueue_dma source(%dma_start3A_117 : memref<10000xi32, #tpu.memory_space<hbm>>) target(%arg6 : memref<10000xi32, #tpu.memory_space<vmem>>) target_semaphore(%run_scoped3A : memref<!tpu.dma_semaphore, #tpu.memory_space<semaphore_mem>>)
      %dma_wait3A_118 = tpu.memref_slice %arg3[%mul3A_2] : memref<320000xi32, #tpu.memory_space<hbm>> -> memref<10000xi32, #tpu.memory_space<hbm>>
      %dma_wait3A_119 = tpu.memref_slice %arg3[%mul3A_2] : memref<320000xi32, #tpu.memory_space<hbm>> -> memref<10000xi32, #tpu.memory_space<hbm>>
      tpu.wait_dma2 semaphore(%run_scoped3A : memref<!tpu.dma_semaphore, #tpu.memory_space<semaphore_mem>>) src(%dma_wait3A_119 : memref<10000xi32, #tpu.memory_space<hbm>>) dst(%arg6 : memref<10000xi32, #tpu.memory_space<vmem>>)
      tpu.yield
    }) : () -> ()
    "tpu.region"() ({
      %run_scoped3A = tpu.sem_alloc : memref<!tpu.dma_semaphore, #tpu.memory_space<semaphore_mem>>
      %dma_start3A_116 = tpu.memref_slice %arg4[%mul3A_2] : memref<320000xi32, #tpu.memory_space<hbm>> -> memref<10000xi32, #tpu.memory_space<hbm>>
      %dma_start3A_117 = tpu.memref_slice %arg4[%mul3A_2] : memref<320000xi32, #tpu.memory_space<hbm>> -> memref<10000xi32, #tpu.memory_space<hbm>>
      tpu.enqueue_dma source(%dma_start3A_117 : memref<10000xi32, #tpu.memory_space<hbm>>) target(%arg7 : memref<10000xi32, #tpu.memory_space<vmem>>) target_semaphore(%run_scoped3A : memref<!tpu.dma_semaphore, #tpu.memory_space<semaphore_mem>>)
      %dma_wait3A_118 = tpu.memref_slice %arg4[%mul3A_2] : memref<320000xi32, #tpu.memory_space<hbm>> -> memref<10000xi32, #tpu.memory_space<hbm>>
      %dma_wait3A_119 = tpu.memref_slice %arg4[%mul3A_2] : memref<320000xi32, #tpu.memory_space<hbm>> -> memref<10000xi32, #tpu.memory_space<hbm>>
      tpu.wait_dma2 semaphore(%run_scoped3A : memref<!tpu.dma_semaphore, #tpu.memory_space<semaphore_mem>>) src(%dma_wait3A_119 : memref<10000xi32, #tpu.memory_space<hbm>>) dst(%arg7 : memref<10000xi32, #tpu.memory_space<vmem>>)
      tpu.yield
    }) : () -> ()
    %dma_start3A = arith.constant 0 : i32
    %dma_start3A_9 = tpu.memref_slice %arg6[%dma_start3A] : memref<10000xi32, #tpu.memory_space<vmem>> -> memref<32xi32, #tpu.memory_space<vmem>>
    %dma_start3A_10 = arith.constant 0 : i32
    %dma_start3A_11 = arith.constant 0 : i32
    %dma_start3A_12 = tpu.memref_slice %arg14[%dma_start3A_10, %dma_start3A_11] : memref<10000x128xf32, #tpu.memory_space<vmem_shared>> -> memref<10000x128xf32, #tpu.memory_space<vmem_shared>>
    tpu.enqueue_indirect_dma source(%dma_start3A_12 : memref<10000x128xf32, #tpu.memory_space<vmem_shared>>) target(%arg8 : memref<32x128xf32, #tpu.memory_space<vmem>>) offsets(%dma_start3A_9 : memref<32xi32, #tpu.memory_space<vmem>>) semaphore(%arg15 : memref<!tpu.dma_semaphore, #tpu.memory_space<semaphore_mem>>)
    %dma_start3A_13 = arith.constant 0 : i32
    %dma_start3A_14 = tpu.memref_slice %arg7[%dma_start3A_13] : memref<10000xi32, #tpu.memory_space<vmem>> -> memref<32xi32, #tpu.memory_space<vmem>>
    %dma_start3A_15 = arith.constant 0 : i32
    %dma_start3A_16 = arith.constant 0 : i32
    %dma_start3A_17 = tpu.memref_slice %arg14[%dma_start3A_15, %dma_start3A_16] : memref<10000x128xf32, #tpu.memory_space<vmem_shared>> -> memref<10000x128xf32, #tpu.memory_space<vmem_shared>>
    tpu.enqueue_indirect_dma source(%dma_start3A_17 : memref<10000x128xf32, #tpu.memory_space<vmem_shared>>) target(%arg10 : memref<32x128xf32, #tpu.memory_space<vmem>>) offsets(%dma_start3A_14 : memref<32xi32, #tpu.memory_space<vmem>>) semaphore(%arg15 : memref<!tpu.dma_semaphore, #tpu.memory_space<semaphore_mem>>)
    %dma_start3A_18 = arith.constant 32 : i32
    %dma_start3A_19 = tpu.memref_slice %arg6[%dma_start3A_18] : memref<10000xi32, #tpu.memory_space<vmem>> -> memref<32xi32, #tpu.memory_space<vmem>>
    %dma_start3A_20 = arith.constant 0 : i32
    %dma_start3A_21 = arith.constant 0 : i32
    %dma_start3A_22 = tpu.memref_slice %arg14[%dma_start3A_20, %dma_start3A_21] : memref<10000x128xf32, #tpu.memory_space<vmem_shared>> -> memref<10000x128xf32, #tpu.memory_space<vmem_shared>>
    tpu.enqueue_indirect_dma source(%dma_start3A_22 : memref<10000x128xf32, #tpu.memory_space<vmem_shared>>) target(%arg9 : memref<32x128xf32, #tpu.memory_space<vmem>>) offsets(%dma_start3A_19 : memref<32xi32, #tpu.memory_space<vmem>>) semaphore(%arg16 : memref<!tpu.dma_semaphore, #tpu.memory_space<semaphore_mem>>)
    %dma_start3A_23 = arith.constant 32 : i32
    %dma_start3A_24 = tpu.memref_slice %arg7[%dma_start3A_23] : memref<10000xi32, #tpu.memory_space<vmem>> -> memref<32xi32, #tpu.memory_space<vmem>>
    %dma_start3A_25 = arith.constant 0 : i32
    %dma_start3A_26 = arith.constant 0 : i32
    %dma_start3A_27 = tpu.memref_slice %arg14[%dma_start3A_25, %dma_start3A_26] : memref<10000x128xf32, #tpu.memory_space<vmem_shared>> -> memref<10000x128xf32, #tpu.memory_space<vmem_shared>>
    tpu.enqueue_indirect_dma source(%dma_start3A_27 : memref<10000x128xf32, #tpu.memory_space<vmem_shared>>) target(%arg11 : memref<32x128xf32, #tpu.memory_space<vmem>>) offsets(%dma_start3A_24 : memref<32xi32, #tpu.memory_space<vmem>>) semaphore(%arg16 : memref<!tpu.dma_semaphore, #tpu.memory_space<semaphore_mem>>)
    %scan3A = arith.constant 0 : i32
    %scan3A_28 = arith.constant 0 : i32
    %scan3A_29 = arith.constant 156 : i32
    %scan3A_30 = arith.addi %scan3A_28, %scan3A_29 : i32
    %scan3A_31 = arith.constant 1 : i32
    %scan3A_32 = scf.for %scan3A_116 = %scan3A_28 to %scan3A_30 step %scan3A_31 iter_args(%scan3A_117 = %scan3A) -> (i32)  : i32 {
      %mul3A_118 = arith.constant 2 : i32
      %mul3A_119 = arith.muli %mul3A_118, %scan3A_116 : i32
      %dma_wait3A_120 = arith.constant 0 : i32
      %dma_wait3A_121 = arith.constant 0 : i32
      %dma_wait3A_122 = tpu.memref_slice %arg2[%dma_wait3A_120, %dma_wait3A_121] : memref<10000x128xf32, #tpu.memory_space<hbm>> -> memref<32x128xf32, #tpu.memory_space<hbm>>
      %dma_wait3A_123 = arith.constant 0 : i32
      %dma_wait3A_124 = arith.constant 0 : i32
      %dma_wait3A_125 = tpu.memref_slice %arg2[%dma_wait3A_123, %dma_wait3A_124] : memref<10000x128xf32, #tpu.memory_space<hbm>> -> memref<32x128xf32, #tpu.memory_space<hbm>>
      tpu.wait_dma2 semaphore(%arg15 : memref<!tpu.dma_semaphore, #tpu.memory_space<semaphore_mem>>) src(%dma_wait3A_125 : memref<32x128xf32, #tpu.memory_space<hbm>>) dst(%arg8 : memref<32x128xf32, #tpu.memory_space<vmem>>)
      %dma_wait3A_126 = arith.constant 0 : i32
      %dma_wait3A_127 = arith.constant 0 : i32
      %dma_wait3A_128 = tpu.memref_slice %arg2[%dma_wait3A_126, %dma_wait3A_127] : memref<10000x128xf32, #tpu.memory_space<hbm>> -> memref<32x128xf32, #tpu.memory_space<hbm>>
      %dma_wait3A_129 = arith.constant 0 : i32
      %dma_wait3A_130 = arith.constant 0 : i32
      %dma_wait3A_131 = tpu.memref_slice %arg2[%dma_wait3A_129, %dma_wait3A_130] : memref<10000x128xf32, #tpu.memory_space<hbm>> -> memref<32x128xf32, #tpu.memory_space<hbm>>
      tpu.wait_dma2 semaphore(%arg15 : memref<!tpu.dma_semaphore, #tpu.memory_space<semaphore_mem>>) src(%dma_wait3A_131 : memref<32x128xf32, #tpu.memory_space<hbm>>) dst(%arg10 : memref<32x128xf32, #tpu.memory_space<vmem>>)
      %gt3A = arith.constant 0 : i32
      %gt3A_132 = arith.cmpi sgt, %scan3A_116, %gt3A : i32
      %convert_element_type3A_133 = arith.extui %gt3A_132 : i1 to i32
      %cond3A_134 = arith.constant 0 : i32
      %cond3A_135 = arith.cmpi ne, %convert_element_type3A_133, %cond3A_134 : i32
      scf.if %cond3A_135 {
        %dma_wait3A_199 = arith.constant 0 : i32
        %dma_wait3A_200 = arith.constant 0 : i32
        %dma_wait3A_201 = tpu.memref_slice %arg5[%dma_wait3A_199, %dma_wait3A_200] : memref<320000x64xf32, #tpu.memory_space<hbm>> -> memref<32x64xf32, #tpu.memory_space<hbm>>
        %dma_wait3A_202 = arith.constant 0 : i32
        %dma_wait3A_203 = arith.constant 0 : i32
        %dma_wait3A_204 = tpu.memref_slice %arg5[%dma_wait3A_202, %dma_wait3A_203] : memref<320000x64xf32, #tpu.memory_space<hbm>> -> memref<32x64xf32, #tpu.memory_space<hbm>>
        tpu.wait_dma2 semaphore(%arg17 : memref<!tpu.dma_semaphore, #tpu.memory_space<semaphore_mem>>) src(%dma_wait3A_204 : memref<32x64xf32, #tpu.memory_space<hbm>>) dst(%arg12 : memref<32x64xf32, #tpu.memory_space<vmem>>)
      } else {
      }
      %scan3A_136 = arith.constant 0 : i32
      %scan3A_137 = arith.constant 0 : i32
      %scan3A_138 = arith.constant 8 : i32
      %scan3A_139 = arith.addi %scan3A_137, %scan3A_138 : i32
      %scan3A_140 = arith.constant 1 : i32
      %scan3A_141 = scf.for %scan3A_199 = %scan3A_137 to %scan3A_139 step %scan3A_140 iter_args(%scan3A_200 = %scan3A_136) -> (i32)  : i32 {
        %mul3A_201 = arith.constant 4 : i32
        %mul3A_202 = arith.muli %scan3A_199, %mul3A_201 : i32
        %add3A_203 = arith.constant 0 : i32
        %add3A_204 = arith.addi %mul3A_202, %add3A_203 : i32
        %get3A = arith.index_cast %add3A_204 : i32 to index
        %get3A_205 = arith.constant 0 : index
        %get3A_206 = tpu.vector_load %arg8[%get3A, %get3A_205] {strides = array<i32>} : memref<32x128xf32, #tpu.memory_space<vmem>>, vector<1x16xf32>,
        %get3A_207 = vector.shape_cast %get3A_206 : vector<1x16xf32> to vector<16xf32>
        %get3A_208 = arith.index_cast %add3A_204 : i32 to index
        %get3A_209 = arith.constant 0 : index
        %get3A_210 = tpu.vector_load %arg10[%get3A_208, %get3A_209] {strides = array<i32>} : memref<32x128xf32, #tpu.memory_space<vmem>>, vector<1x16xf32>,
        %get3A_211 = vector.shape_cast %get3A_210 : vector<1x16xf32> to vector<16xf32>
        %sub3A = arith.subf %get3A_207, %get3A_211 : vector<16xf32>
        %abs3A = math.absf %sub3A : vector<16xf32>
        %swap3A = arith.index_cast %add3A_204 : i32 to index
        %swap3A_212 = arith.constant 0 : index
        %swap3A_213 = tpu.vector_load %arg12[%swap3A, %swap3A_212] {strides = array<i32>} : memref<32x64xf32, #tpu.memory_space<vmem>>, vector<1x16xf32>,
        %swap3A_214 = vector.shape_cast %swap3A_213 : vector<1x16xf32> to vector<16xf32>
        %swap3A_215 = vector.shape_cast %abs3A : vector<16xf32> to vector<1x16xf32>
        tpu.vector_store %arg12[%swap3A, %swap3A_212], %swap3A_215 {strides = array<i32>} : memref<32x64xf32, #tpu.memory_space<vmem>>, vector<1x16xf32>,
        %get3A_216 = arith.index_cast %add3A_204 : i32 to index
        %get3A_217 = arith.constant 16 : index
        %get3A_218 = tpu.vector_load %arg8[%get3A_216, %get3A_217] {strides = array<i32>} : memref<32x128xf32, #tpu.memory_space<vmem>>, vector<1x16xf32>,
        %get3A_219 = vector.shape_cast %get3A_218 : vector<1x16xf32> to vector<16xf32>
        %get3A_220 = arith.index_cast %add3A_204 : i32 to index
        %get3A_221 = arith.constant 16 : index
        %get3A_222 = tpu.vector_load %arg10[%get3A_220, %get3A_221] {strides = array<i32>} : memref<32x128xf32, #tpu.memory_space<vmem>>, vector<1x16xf32>,
        %get3A_223 = vector.shape_cast %get3A_222 : vector<1x16xf32> to vector<16xf32>
        %sub3A_224 = arith.subf %get3A_219, %get3A_223 : vector<16xf32>
        %abs3A_225 = math.absf %sub3A_224 : vector<16xf32>
        %swap3A_226 = arith.index_cast %add3A_204 : i32 to index
        %swap3A_227 = arith.constant 16 : index
        %swap3A_228 = tpu.vector_load %arg12[%swap3A_226, %swap3A_227] {strides = array<i32>} : memref<32x64xf32, #tpu.memory_space<vmem>>, vector<1x16xf32>,
        %swap3A_229 = vector.shape_cast %swap3A_228 : vector<1x16xf32> to vector<16xf32>
        %swap3A_230 = vector.shape_cast %abs3A_225 : vector<16xf32> to vector<1x16xf32>
        tpu.vector_store %arg12[%swap3A_226, %swap3A_227], %swap3A_230 {strides = array<i32>} : memref<32x64xf32, #tpu.memory_space<vmem>>, vector<1x16xf32>,
        %get3A_231 = arith.index_cast %add3A_204 : i32 to index
        %get3A_232 = arith.constant 32 : index
        %get3A_233 = tpu.vector_load %arg8[%get3A_231, %get3A_232] {strides = array<i32>} : memref<32x128xf32, #tpu.memory_space<vmem>>, vector<1x16xf32>,
        %get3A_234 = vector.shape_cast %get3A_233 : vector<1x16xf32> to vector<16xf32>
        %get3A_235 = arith.index_cast %add3A_204 : i32 to index
        %get3A_236 = arith.constant 32 : index
        %get3A_237 = tpu.vector_load %arg10[%get3A_235, %get3A_236] {strides = array<i32>} : memref<32x128xf32, #tpu.memory_space<vmem>>, vector<1x16xf32>,
        %get3A_238 = vector.shape_cast %get3A_237 : vector<1x16xf32> to vector<16xf32>
        %sub3A_239 = arith.subf %get3A_234, %get3A_238 : vector<16xf32>
        %abs3A_240 = math.absf %sub3A_239 : vector<16xf32>
        %swap3A_241 = arith.index_cast %add3A_204 : i32 to index
        %swap3A_242 = arith.constant 32 : index
        %swap3A_243 = tpu.vector_load %arg12[%swap3A_241, %swap3A_242] {strides = array<i32>} : memref<32x64xf32, #tpu.memory_space<vmem>>, vector<1x16xf32>,
        %swap3A_244 = vector.shape_cast %swap3A_243 : vector<1x16xf32> to vector<16xf32>
        %swap3A_245 = vector.shape_cast %abs3A_240 : vector<16xf32> to vector<1x16xf32>
        tpu.vector_store %arg12[%swap3A_241, %swap3A_242], %swap3A_245 {strides = array<i32>} : memref<32x64xf32, #tpu.memory_space<vmem>>, vector<1x16xf32>,
        %get3A_246 = arith.index_cast %add3A_204 : i32 to index
        %get3A_247 = arith.constant 48 : index
        %get3A_248 = tpu.vector_load %arg8[%get3A_246, %get3A_247] {strides = array<i32>} : memref<32x128xf32, #tpu.memory_space<vmem>>, vector<1x16xf32>,
        %get3A_249 = vector.shape_cast %get3A_248 : vector<1x16xf32> to vector<16xf32>
        %get3A_250 = arith.index_cast %add3A_204 : i32 to index
        %get3A_251 = arith.constant 48 : index
        %get3A_252 = tpu.vector_load %arg10[%get3A_250, %get3A_251] {strides = array<i32>} : memref<32x128xf32, #tpu.memory_space<vmem>>, vector<1x16xf32>,
        %get3A_253 = vector.shape_cast %get3A_252 : vector<1x16xf32> to vector<16xf32>
        %sub3A_254 = arith.subf %get3A_249, %get3A_253 : vector<16xf32>
        %abs3A_255 = math.absf %sub3A_254 : vector<16xf32>
        %swap3A_256 = arith.index_cast %add3A_204 : i32 to index
        %swap3A_257 = arith.constant 48 : index
        %swap3A_258 = tpu.vector_load %arg12[%swap3A_256, %swap3A_257] {strides = array<i32>} : memref<32x64xf32, #tpu.memory_space<vmem>>, vector<1x16xf32>,
        %swap3A_259 = vector.shape_cast %swap3A_258 : vector<1x16xf32> to vector<16xf32>
        %swap3A_260 = vector.shape_cast %abs3A_255 : vector<16xf32> to vector<1x16xf32>
        tpu.vector_store %arg12[%swap3A_256, %swap3A_257], %swap3A_260 {strides = array<i32>} : memref<32x64xf32, #tpu.memory_space<vmem>>, vector<1x16xf32>,
        %mul3A_261 = arith.constant 4 : i32
        %mul3A_262 = arith.muli %scan3A_199, %mul3A_261 : i32
        %add3A_263 = arith.constant 1 : i32
        %add3A_264 = arith.addi %mul3A_262, %add3A_263 : i32
        %get3A_265 = arith.index_cast %add3A_264 : i32 to index
        %get3A_266 = arith.constant 0 : index
        %get3A_267 = tpu.vector_load %arg8[%get3A_265, %get3A_266] {strides = array<i32>} : memref<32x128xf32, #tpu.memory_space<vmem>>, vector<1x16xf32>,
        %get3A_268 = vector.shape_cast %get3A_267 : vector<1x16xf32> to vector<16xf32>
        %get3A_269 = arith.index_cast %add3A_264 : i32 to index
        %get3A_270 = arith.constant 0 : index
        %get3A_271 = tpu.vector_load %arg10[%get3A_269, %get3A_270] {strides = array<i32>} : memref<32x128xf32, #tpu.memory_space<vmem>>, vector<1x16xf32>,
        %get3A_272 = vector.shape_cast %get3A_271 : vector<1x16xf32> to vector<16xf32>
        %sub3A_273 = arith.subf %get3A_268, %get3A_272 : vector<16xf32>
        %abs3A_274 = math.absf %sub3A_273 : vector<16xf32>
        %swap3A_275 = arith.index_cast %add3A_264 : i32 to index
        %swap3A_276 = arith.constant 0 : index
        %swap3A_277 = tpu.vector_load %arg12[%swap3A_275, %swap3A_276] {strides = array<i32>} : memref<32x64xf32, #tpu.memory_space<vmem>>, vector<1x16xf32>,
        %swap3A_278 = vector.shape_cast %swap3A_277 : vector<1x16xf32> to vector<16xf32>
        %swap3A_279 = vector.shape_cast %abs3A_274 : vector<16xf32> to vector<1x16xf32>
        tpu.vector_store %arg12[%swap3A_275, %swap3A_276], %swap3A_279 {strides = array<i32>} : memref<32x64xf32, #tpu.memory_space<vmem>>, vector<1x16xf32>,
        %get3A_280 = arith.index_cast %add3A_264 : i32 to index
        %get3A_281 = arith.constant 16 : index
        %get3A_282 = tpu.vector_load %arg8[%get3A_280, %get3A_281] {strides = array<i32>} : memref<32x128xf32, #tpu.memory_space<vmem>>, vector<1x16xf32>,
        %get3A_283 = vector.shape_cast %get3A_282 : vector<1x16xf32> to vector<16xf32>
        %get3A_284 = arith.index_cast %add3A_264 : i32 to index
        %get3A_285 = arith.constant 16 : index
        %get3A_286 = tpu.vector_load %arg10[%get3A_284, %get3A_285] {strides = array<i32>} : memref<32x128xf32, #tpu.memory_space<vmem>>, vector<1x16xf32>,
        %get3A_287 = vector.shape_cast %get3A_286 : vector<1x16xf32> to vector<16xf32>
        %sub3A_288 = arith.subf %get3A_283, %get3A_287 : vector<16xf32>
        %abs3A_289 = math.absf %sub3A_288 : vector<16xf32>
        %swap3A_290 = arith.index_cast %add3A_264 : i32 to index
        %swap3A_291 = arith.constant 16 : index
        %swap3A_292 = tpu.vector_load %arg12[%swap3A_290, %swap3A_291] {strides = array<i32>} : memref<32x64xf32, #tpu.memory_space<vmem>>, vector<1x16xf32>,
        %swap3A_293 = vector.shape_cast %swap3A_292 : vector<1x16xf32> to vector<16xf32>
        %swap3A_294 = vector.shape_cast %abs3A_289 : vector<16xf32> to vector<1x16xf32>
        tpu.vector_store %arg12[%swap3A_290, %swap3A_291], %swap3A_294 {strides = array<i32>} : memref<32x64xf32, #tpu.memory_space<vmem>>, vector<1x16xf32>,
        %get3A_295 = arith.index_cast %add3A_264 : i32 to index
        %get3A_296 = arith.constant 32 : index
        %get3A_297 = tpu.vector_load %arg8[%get3A_295, %get3A_296] {strides = array<i32>} : memref<32x128xf32, #tpu.memory_space<vmem>>, vector<1x16xf32>,
        %get3A_298 = vector.shape_cast %get3A_297 : vector<1x16xf32> to vector<16xf32>
        %get3A_299 = arith.index_cast %add3A_264 : i32 to index
        %get3A_300 = arith.constant 32 : index
        %get3A_301 = tpu.vector_load %arg10[%get3A_299, %get3A_300] {strides = array<i32>} : memref<32x128xf32, #tpu.memory_space<vmem>>, vector<1x16xf32>,
        %get3A_302 = vector.shape_cast %get3A_301 : vector<1x16xf32> to vector<16xf32>
        %sub3A_303 = arith.subf %get3A_298, %get3A_302 : vector<16xf32>
        %abs3A_304 = math.absf %sub3A_303 : vector<16xf32>
        %swap3A_305 = arith.index_cast %add3A_264 : i32 to index
        %swap3A_306 = arith.constant 32 : index
        %swap3A_307 = tpu.vector_load %arg12[%swap3A_305, %swap3A_306] {strides = array<i32>} : memref<32x64xf32, #tpu.memory_space<vmem>>, vector<1x16xf32>,
        %swap3A_308 = vector.shape_cast %swap3A_307 : vector<1x16xf32> to vector<16xf32>
        %swap3A_309 = vector.shape_cast %abs3A_304 : vector<16xf32> to vector<1x16xf32>
        tpu.vector_store %arg12[%swap3A_305, %swap3A_306], %swap3A_309 {strides = array<i32>} : memref<32x64xf32, #tpu.memory_space<vmem>>, vector<1x16xf32>,
        %get3A_310 = arith.index_cast %add3A_264 : i32 to index
        %get3A_311 = arith.constant 48 : index
        %get3A_312 = tpu.vector_load %arg8[%get3A_310, %get3A_311] {strides = array<i32>} : memref<32x128xf32, #tpu.memory_space<vmem>>, vector<1x16xf32>,
        %get3A_313 = vector.shape_cast %get3A_312 : vector<1x16xf32> to vector<16xf32>
        %get3A_314 = arith.index_cast %add3A_264 : i32 to index
        %get3A_315 = arith.constant 48 : index
        %get3A_316 = tpu.vector_load %arg10[%get3A_314, %get3A_315] {strides = array<i32>} : memref<32x128xf32, #tpu.memory_space<vmem>>, vector<1x16xf32>,
        %get3A_317 = vector.shape_cast %get3A_316 : vector<1x16xf32> to vector<16xf32>
        %sub3A_318 = arith.subf %get3A_313, %get3A_317 : vector<16xf32>
        %abs3A_319 = math.absf %sub3A_318 : vector<16xf32>
        %swap3A_320 = arith.index_cast %add3A_264 : i32 to index
        %swap3A_321 = arith.constant 48 : index
        %swap3A_322 = tpu.vector_load %arg12[%swap3A_320, %swap3A_321] {strides = array<i32>} : memref<32x64xf32, #tpu.memory_space<vmem>>, vector<1x16xf32>,
        %swap3A_323 = vector.shape_cast %swap3A_322 : vector<1x16xf32> to vector<16xf32>
        %swap3A_324 = vector.shape_cast %abs3A_319 : vector<16xf32> to vector<1x16xf32>
        tpu.vector_store %arg12[%swap3A_320, %swap3A_321], %swap3A_324 {strides = array<i32>} : memref<32x64xf32, #tpu.memory_space<vmem>>, vector<1x16xf32>,
        %mul3A_325 = arith.constant 4 : i32
        %mul3A_326 = arith.muli %scan3A_199, %mul3A_325 : i32
        %add3A_327 = arith.constant 2 : i32
        %add3A_328 = arith.addi %mul3A_326, %add3A_327 : i32
        %get3A_329 = arith.index_cast %add3A_328 : i32 to index
        %get3A_330 = arith.constant 0 : index
        %get3A_331 = tpu.vector_load %arg8[%get3A_329, %get3A_330] {strides = array<i32>} : memref<32x128xf32, #tpu.memory_space<vmem>>, vector<1x16xf32>,
        %get3A_332 = vector.shape_cast %get3A_331 : vector<1x16xf32> to vector<16xf32>
        %get3A_333 = arith.index_cast %add3A_328 : i32 to index
        %get3A_334 = arith.constant 0 : index
        %get3A_335 = tpu.vector_load %arg10[%get3A_333, %get3A_334] {strides = array<i32>} : memref<32x128xf32, #tpu.memory_space<vmem>>, vector<1x16xf32>,
        %get3A_336 = vector.shape_cast %get3A_335 : vector<1x16xf32> to vector<16xf32>
        %sub3A_337 = arith.subf %get3A_332, %get3A_336 : vector<16xf32>
        %abs3A_338 = math.absf %sub3A_337 : vector<16xf32>
        %swap3A_339 = arith.index_cast %add3A_328 : i32 to index
        %swap3A_340 = arith.constant 0 : index
        %swap3A_341 = tpu.vector_load %arg12[%swap3A_339, %swap3A_340] {strides = array<i32>} : memref<32x64xf32, #tpu.memory_space<vmem>>, vector<1x16xf32>,
        %swap3A_342 = vector.shape_cast %swap3A_341 : vector<1x16xf32> to vector<16xf32>
        %swap3A_343 = vector.shape_cast %abs3A_338 : vector<16xf32> to vector<1x16xf32>
        tpu.vector_store %arg12[%swap3A_339, %swap3A_340], %swap3A_343 {strides = array<i32>} : memref<32x64xf32, #tpu.memory_space<vmem>>, vector<1x16xf32>,
        %get3A_344 = arith.index_cast %add3A_328 : i32 to index
        %get3A_345 = arith.constant 16 : index
        %get3A_346 = tpu.vector_load %arg8[%get3A_344, %get3A_345] {strides = array<i32>} : memref<32x128xf32, #tpu.memory_space<vmem>>, vector<1x16xf32>,
        %get3A_347 = vector.shape_cast %get3A_346 : vector<1x16xf32> to vector<16xf32>
        %get3A_348 = arith.index_cast %add3A_328 : i32 to index
        %get3A_349 = arith.constant 16 : index
        %get3A_350 = tpu.vector_load %arg10[%get3A_348, %get3A_349] {strides = array<i32>} : memref<32x128xf32, #tpu.memory_space<vmem>>, vector<1x16xf32>,
        %get3A_351 = vector.shape_cast %get3A_350 : vector<1x16xf32> to vector<16xf32>
        %sub3A_352 = arith.subf %get3A_347, %get3A_351 : vector<16xf32>
        %abs3A_353 = math.absf %sub3A_352 : vector<16xf32>
        %swap3A_354 = arith.index_cast %add3A_328 : i32 to index
        %swap3A_355 = arith.constant 16 : index
        %swap3A_356 = tpu.vector_load %arg12[%swap3A_354, %swap3A_355] {strides = array<i32>} : memref<32x64xf32, #tpu.memory_space<vmem>>, vector<1x16xf32>,
        %swap3A_357 = vector.shape_cast %swap3A_356 : vector<1x16xf32> to vector<16xf32>
        %swap3A_358 = vector.shape_cast %abs3A_353 : vector<16xf32> to vector<1x16xf32>
        tpu.vector_store %arg12[%swap3A_354, %swap3A_355], %swap3A_358 {strides = array<i32>} : memref<32x64xf32, #tpu.memory_space<vmem>>, vector<1x16xf32>,
        %get3A_359 = arith.index_cast %add3A_328 : i32 to index
        %get3A_360 = arith.constant 32 : index
        %get3A_361 = tpu.vector_load %arg8[%get3A_359, %get3A_360] {strides = array<i32>} : memref<32x128xf32, #tpu.memory_space<vmem>>, vector<1x16xf32>,
        %get3A_362 = vector.shape_cast %get3A_361 : vector<1x16xf32> to vector<16xf32>
        %get3A_363 = arith.index_cast %add3A_328 : i32 to index
        %get3A_364 = arith.constant 32 : index
        %get3A_365 = tpu.vector_load %arg10[%get3A_363, %get3A_364] {strides = array<i32>} : memref<32x128xf32, #tpu.memory_space<vmem>>, vector<1x16xf32>,
        %get3A_366 = vector.shape_cast %get3A_365 : vector<1x16xf32> to vector<16xf32>
        %sub3A_367 = arith.subf %get3A_362, %get3A_366 : vector<16xf32>
        %abs3A_368 = math.absf %sub3A_367 : vector<16xf32>
        %swap3A_369 = arith.index_cast %add3A_328 : i32 to index
        %swap3A_370 = arith.constant 32 : index
        %swap3A_371 = tpu.vector_load %arg12[%swap3A_369, %swap3A_370] {strides = array<i32>} : memref<32x64xf32, #tpu.memory_space<vmem>>, vector<1x16xf32>,
        %swap3A_372 = vector.shape_cast %swap3A_371 : vector<1x16xf32> to vector<16xf32>
        %swap3A_373 = vector.shape_cast %abs3A_368 : vector<16xf32> to vector<1x16xf32>
        tpu.vector_store %arg12[%swap3A_369, %swap3A_370], %swap3A_373 {strides = array<i32>} : memref<32x64xf32, #tpu.memory_space<vmem>>, vector<1x16xf32>,
        %get3A_374 = arith.index_cast %add3A_328 : i32 to index
        %get3A_375 = arith.constant 48 : index
        %get3A_376 = tpu.vector_load %arg8[%get3A_374, %get3A_375] {strides = array<i32>} : memref<32x128xf32, #tpu.memory_space<vmem>>, vector<1x16xf32>,
        %get3A_377 = vector.shape_cast %get3A_376 : vector<1x16xf32> to vector<16xf32>
        %get3A_378 = arith.index_cast %add3A_328 : i32 to index
        %get3A_379 = arith.constant 48 : index
        %get3A_380 = tpu.vector_load %arg10[%get3A_378, %get3A_379] {strides = array<i32>} : memref<32x128xf32, #tpu.memory_space<vmem>>, vector<1x16xf32>,
        %get3A_381 = vector.shape_cast %get3A_380 : vector<1x16xf32> to vector<16xf32>
        %sub3A_382 = arith.subf %get3A_377, %get3A_381 : vector<16xf32>
        %abs3A_383 = math.absf %sub3A_382 : vector<16xf32>
        %swap3A_384 = arith.index_cast %add3A_328 : i32 to index
        %swap3A_385 = arith.constant 48 : index
        %swap3A_386 = tpu.vector_load %arg12[%swap3A_384, %swap3A_385] {strides = array<i32>} : memref<32x64xf32, #tpu.memory_space<vmem>>, vector<1x16xf32>,
        %swap3A_387 = vector.shape_cast %swap3A_386 : vector<1x16xf32> to vector<16xf32>
        %swap3A_388 = vector.shape_cast %abs3A_383 : vector<16xf32> to vector<1x16xf32>
        tpu.vector_store %arg12[%swap3A_384, %swap3A_385], %swap3A_388 {strides = array<i32>} : memref<32x64xf32, #tpu.memory_space<vmem>>, vector<1x16xf32>,
        %mul3A_389 = arith.constant 4 : i32
        %mul3A_390 = arith.muli %scan3A_199, %mul3A_389 : i32
        %add3A_391 = arith.constant 3 : i32
        %add3A_392 = arith.addi %mul3A_390, %add3A_391 : i32
        %get3A_393 = arith.index_cast %add3A_392 : i32 to index
        %get3A_394 = arith.constant 0 : index
        %get3A_395 = tpu.vector_load %arg8[%get3A_393, %get3A_394] {strides = array<i32>} : memref<32x128xf32, #tpu.memory_space<vmem>>, vector<1x16xf32>,
        %get3A_396 = vector.shape_cast %get3A_395 : vector<1x16xf32> to vector<16xf32>
        %get3A_397 = arith.index_cast %add3A_392 : i32 to index
        %get3A_398 = arith.constant 0 : index
        %get3A_399 = tpu.vector_load %arg10[%get3A_397, %get3A_398] {strides = array<i32>} : memref<32x128xf32, #tpu.memory_space<vmem>>, vector<1x16xf32>,
        %get3A_400 = vector.shape_cast %get3A_399 : vector<1x16xf32> to vector<16xf32>
        %sub3A_401 = arith.subf %get3A_396, %get3A_400 : vector<16xf32>
        %abs3A_402 = math.absf %sub3A_401 : vector<16xf32>
        %swap3A_403 = arith.index_cast %add3A_392 : i32 to index
        %swap3A_404 = arith.constant 0 : index
        %swap3A_405 = tpu.vector_load %arg12[%swap3A_403, %swap3A_404] {strides = array<i32>} : memref<32x64xf32, #tpu.memory_space<vmem>>, vector<1x16xf32>,
        %swap3A_406 = vector.shape_cast %swap3A_405 : vector<1x16xf32> to vector<16xf32>
        %swap3A_407 = vector.shape_cast %abs3A_402 : vector<16xf32> to vector<1x16xf32>
        tpu.vector_store %arg12[%swap3A_403, %swap3A_404], %swap3A_407 {strides = array<i32>} : memref<32x64xf32, #tpu.memory_space<vmem>>, vector<1x16xf32>,
        %get3A_408 = arith.index_cast %add3A_392 : i32 to index
        %get3A_409 = arith.constant 16 : index
        %get3A_410 = tpu.vector_load %arg8[%get3A_408, %get3A_409] {strides = array<i32>} : memref<32x128xf32, #tpu.memory_space<vmem>>, vector<1x16xf32>,
        %get3A_411 = vector.shape_cast %get3A_410 : vector<1x16xf32> to vector<16xf32>
        %get3A_412 = arith.index_cast %add3A_392 : i32 to index
        %get3A_413 = arith.constant 16 : index
        %get3A_414 = tpu.vector_load %arg10[%get3A_412, %get3A_413] {strides = array<i32>} : memref<32x128xf32, #tpu.memory_space<vmem>>, vector<1x16xf32>,
        %get3A_415 = vector.shape_cast %get3A_414 : vector<1x16xf32> to vector<16xf32>
        %sub3A_416 = arith.subf %get3A_411, %get3A_415 : vector<16xf32>
        %abs3A_417 = math.absf %sub3A_416 : vector<16xf32>
        %swap3A_418 = arith.index_cast %add3A_392 : i32 to index
        %swap3A_419 = arith.constant 16 : index
        %swap3A_420 = tpu.vector_load %arg12[%swap3A_418, %swap3A_419] {strides = array<i32>} : memref<32x64xf32, #tpu.memory_space<vmem>>, vector<1x16xf32>,
        %swap3A_421 = vector.shape_cast %swap3A_420 : vector<1x16xf32> to vector<16xf32>
        %swap3A_422 = vector.shape_cast %abs3A_417 : vector<16xf32> to vector<1x16xf32>
        tpu.vector_store %arg12[%swap3A_418, %swap3A_419], %swap3A_422 {strides = array<i32>} : memref<32x64xf32, #tpu.memory_space<vmem>>, vector<1x16xf32>,
        %get3A_423 = arith.index_cast %add3A_392 : i32 to index
        %get3A_424 = arith.constant 32 : index
        %get3A_425 = tpu.vector_load %arg8[%get3A_423, %get3A_424] {strides = array<i32>} : memref<32x128xf32, #tpu.memory_space<vmem>>, vector<1x16xf32>,
        %get3A_426 = vector.shape_cast %get3A_425 : vector<1x16xf32> to vector<16xf32>
        %get3A_427 = arith.index_cast %add3A_392 : i32 to index
        %get3A_428 = arith.constant 32 : index
        %get3A_429 = tpu.vector_load %arg10[%get3A_427, %get3A_428] {strides = array<i32>} : memref<32x128xf32, #tpu.memory_space<vmem>>, vector<1x16xf32>,
        %get3A_430 = vector.shape_cast %get3A_429 : vector<1x16xf32> to vector<16xf32>
        %sub3A_431 = arith.subf %get3A_426, %get3A_430 : vector<16xf32>
        %abs3A_432 = math.absf %sub3A_431 : vector<16xf32>
        %swap3A_433 = arith.index_cast %add3A_392 : i32 to index
        %swap3A_434 = arith.constant 32 : index
        %swap3A_435 = tpu.vector_load %arg12[%swap3A_433, %swap3A_434] {strides = array<i32>} : memref<32x64xf32, #tpu.memory_space<vmem>>, vector<1x16xf32>,
        %swap3A_436 = vector.shape_cast %swap3A_435 : vector<1x16xf32> to vector<16xf32>
        %swap3A_437 = vector.shape_cast %abs3A_432 : vector<16xf32> to vector<1x16xf32>
        tpu.vector_store %arg12[%swap3A_433, %swap3A_434], %swap3A_437 {strides = array<i32>} : memref<32x64xf32, #tpu.memory_space<vmem>>, vector<1x16xf32>,
        %get3A_438 = arith.index_cast %add3A_392 : i32 to index
        %get3A_439 = arith.constant 48 : index
        %get3A_440 = tpu.vector_load %arg8[%get3A_438, %get3A_439] {strides = array<i32>} : memref<32x128xf32, #tpu.memory_space<vmem>>, vector<1x16xf32>,
        %get3A_441 = vector.shape_cast %get3A_440 : vector<1x16xf32> to vector<16xf32>
        %get3A_442 = arith.index_cast %add3A_392 : i32 to index
        %get3A_443 = arith.constant 48 : index
        %get3A_444 = tpu.vector_load %arg10[%get3A_442, %get3A_443] {strides = array<i32>} : memref<32x128xf32, #tpu.memory_space<vmem>>, vector<1x16xf32>,
        %get3A_445 = vector.shape_cast %get3A_444 : vector<1x16xf32> to vector<16xf32>
        %sub3A_446 = arith.subf %get3A_441, %get3A_445 : vector<16xf32>
        %abs3A_447 = math.absf %sub3A_446 : vector<16xf32>
        %swap3A_448 = arith.index_cast %add3A_392 : i32 to index
        %swap3A_449 = arith.constant 48 : index
        %swap3A_450 = tpu.vector_load %arg12[%swap3A_448, %swap3A_449] {strides = array<i32>} : memref<32x64xf32, #tpu.memory_space<vmem>>, vector<1x16xf32>,
        %swap3A_451 = vector.shape_cast %swap3A_450 : vector<1x16xf32> to vector<16xf32>
        %swap3A_452 = vector.shape_cast %abs3A_447 : vector<16xf32> to vector<1x16xf32>
        tpu.vector_store %arg12[%swap3A_448, %swap3A_449], %swap3A_452 {strides = array<i32>} : memref<32x64xf32, #tpu.memory_space<vmem>>, vector<1x16xf32>,
        %scan3A_453 = arith.constant 0 : i32
        scf.yield %scan3A_453 : i32
      }
      %scan3A_142 = arith.constant 8 : i32
      %mul3A_143 = arith.constant 32 : i32
      %mul3A_144 = arith.muli %mul3A_119, %mul3A_143 : i32
      %add3A_145 = arith.addi %mul3A_2, %mul3A_144 : i32
      %dma_start3A_146 = arith.constant 0 : i32
      %dma_start3A_147 = tpu.memref_slice %arg5[%add3A_145, %dma_start3A_146] : memref<320000x64xf32, #tpu.memory_space<hbm>> -> memref<32x64xf32, #tpu.memory_space<hbm>>
      %dma_start3A_148 = arith.constant 0 : i32
      %dma_start3A_149 = tpu.memref_slice %arg5[%add3A_145, %dma_start3A_148] : memref<320000x64xf32, #tpu.memory_space<hbm>> -> memref<32x64xf32, #tpu.memory_space<hbm>>
      tpu.enqueue_dma source(%arg12 : memref<32x64xf32, #tpu.memory_space<vmem>>) target(%dma_start3A_149 : memref<32x64xf32, #tpu.memory_space<hbm>>) target_semaphore(%arg17 : memref<!tpu.dma_semaphore, #tpu.memory_space<semaphore_mem>>)
      %add3A_150 = arith.constant 2 : i32
      %add3A_151 = arith.addi %mul3A_119, %add3A_150 : i32
      %lt3A = arith.constant 312 : i32
      %lt3A_152 = arith.cmpi slt, %add3A_151, %lt3A : i32
      %convert_element_type3A_153 = arith.extui %lt3A_152 : i1 to i32
      %cond3A_154 = arith.constant 0 : i32
      %cond3A_155 = arith.cmpi ne, %convert_element_type3A_153, %cond3A_154 : i32
      scf.if %cond3A_155 {
        %add3A_199 = arith.constant 2 : i32
        %add3A_200 = arith.addi %mul3A_119, %add3A_199 : i32
        %mul3A_201 = arith.constant 32 : i32
        %mul3A_202 = arith.muli %add3A_200, %mul3A_201 : i32
        %dma_start3A_203 = tpu.memref_slice %arg6[%mul3A_202] : memref<10000xi32, #tpu.memory_space<vmem>> -> memref<32xi32, #tpu.memory_space<vmem>>
        %dma_start3A_204 = arith.constant 0 : i32
        %dma_start3A_205 = arith.constant 0 : i32
        %dma_start3A_206 = tpu.memref_slice %arg14[%dma_start3A_204, %dma_start3A_205] : memref<10000x128xf32, #tpu.memory_space<vmem_shared>> -> memref<10000x128xf32, #tpu.memory_space<vmem_shared>>
        tpu.enqueue_indirect_dma source(%dma_start3A_206 : memref<10000x128xf32, #tpu.memory_space<vmem_shared>>) target(%arg8 : memref<32x128xf32, #tpu.memory_space<vmem>>) offsets(%dma_start3A_203 : memref<32xi32, #tpu.memory_space<vmem>>) semaphore(%arg15 : memref<!tpu.dma_semaphore, #tpu.memory_space<semaphore_mem>>)
        %mul3A_207 = arith.constant 32 : i32
        %mul3A_208 = arith.muli %add3A_200, %mul3A_207 : i32
        %dma_start3A_209 = tpu.memref_slice %arg7[%mul3A_208] : memref<10000xi32, #tpu.memory_space<vmem>> -> memref<32xi32, #tpu.memory_space<vmem>>
        %dma_start3A_210 = arith.constant 0 : i32
        %dma_start3A_211 = arith.constant 0 : i32
        %dma_start3A_212 = tpu.memref_slice %arg14[%dma_start3A_210, %dma_start3A_211] : memref<10000x128xf32, #tpu.memory_space<vmem_shared>> -> memref<10000x128xf32, #tpu.memory_space<vmem_shared>>
        tpu.enqueue_indirect_dma source(%dma_start3A_212 : memref<10000x128xf32, #tpu.memory_space<vmem_shared>>) target(%arg10 : memref<32x128xf32, #tpu.memory_space<vmem>>) offsets(%dma_start3A_209 : memref<32xi32, #tpu.memory_space<vmem>>) semaphore(%arg15 : memref<!tpu.dma_semaphore, #tpu.memory_space<semaphore_mem>>)
      } else {
      }
      %mul3A_156 = arith.constant 2 : i32
      %mul3A_157 = arith.muli %mul3A_156, %scan3A_116 : i32
      %add3A_158 = arith.constant 1 : i32
      %add3A_159 = arith.addi %mul3A_157, %add3A_158 : i32
      %dma_wait3A_160 = arith.constant 0 : i32
      %dma_wait3A_161 = arith.constant 0 : i32
      %dma_wait3A_162 = tpu.memref_slice %arg2[%dma_wait3A_160, %dma_wait3A_161] : memref<10000x128xf32, #tpu.memory_space<hbm>> -> memref<32x128xf32, #tpu.memory_space<hbm>>
      %dma_wait3A_163 = arith.constant 0 : i32
      %dma_wait3A_164 = arith.constant 0 : i32
      %dma_wait3A_165 = tpu.memref_slice %arg2[%dma_wait3A_163, %dma_wait3A_164] : memref<10000x128xf32, #tpu.memory_space<hbm>> -> memref<32x128xf32, #tpu.memory_space<hbm>>
      tpu.wait_dma2 semaphore(%arg16 : memref<!tpu.dma_semaphore, #tpu.memory_space<semaphore_mem>>) src(%dma_wait3A_165 : memref<32x128xf32, #tpu.memory_space<hbm>>) dst(%arg9 : memref<32x128xf32, #tpu.memory_space<vmem>>)
      %dma_wait3A_166 = arith.constant 0 : i32
      %dma_wait3A_167 = arith.constant 0 : i32
      %dma_wait3A_168 = tpu.memref_slice %arg2[%dma_wait3A_166, %dma_wait3A_167] : memref<10000x128xf32, #tpu.memory_space<hbm>> -> memref<32x128xf32, #tpu.memory_space<hbm>>
      %dma_wait3A_169 = arith.constant 0 : i32
      %dma_wait3A_170 = arith.constant 0 : i32
      %dma_wait3A_171 = tpu.memref_slice %arg2[%dma_wait3A_169, %dma_wait3A_170] : memref<10000x128xf32, #tpu.memory_space<hbm>> -> memref<32x128xf32, #tpu.memory_space<hbm>>
      tpu.wait_dma2 semaphore(%arg16 : memref<!tpu.dma_semaphore, #tpu.memory_space<semaphore_mem>>) src(%dma_wait3A_171 : memref<32x128xf32, #tpu.memory_space<hbm>>) dst(%arg11 : memref<32x128xf32, #tpu.memory_space<vmem>>)
      %gt3A_172 = arith.constant 0 : i32
      %gt3A_173 = arith.cmpi sgt, %scan3A_116, %gt3A_172 : i32
      %convert_element_type3A_174 = arith.extui %gt3A_173 : i1 to i32
      %cond3A_175 = arith.constant 0 : i32
      %cond3A_176 = arith.cmpi ne, %convert_element_type3A_174, %cond3A_175 : i32
      scf.if %cond3A_176 {
        %dma_wait3A_199 = arith.constant 0 : i32
        %dma_wait3A_200 = arith.constant 0 : i32
        %dma_wait3A_201 = tpu.memref_slice %arg5[%dma_wait3A_199, %dma_wait3A_200] : memref<320000x64xf32, #tpu.memory_space<hbm>> -> memref<32x64xf32, #tpu.memory_space<hbm>>
        %dma_wait3A_202 = arith.constant 0 : i32
        %dma_wait3A_203 = arith.constant 0 : i32
        %dma_wait3A_204 = tpu.memref_slice %arg5[%dma_wait3A_202, %dma_wait3A_203] : memref<320000x64xf32, #tpu.memory_space<hbm>> -> memref<32x64xf32, #tpu.memory_space<hbm>>
        tpu.wait_dma2 semaphore(%arg18 : memref<!tpu.dma_semaphore, #tpu.memory_space<semaphore_mem>>) src(%dma_wait3A_204 : memref<32x64xf32, #tpu.memory_space<hbm>>) dst(%arg13 : memref<32x64xf32, #tpu.memory_space<vmem>>)
      } else {
      }
      %scan3A_177 = arith.constant 0 : i32
      %scan3A_178 = arith.constant 0 : i32
      %scan3A_179 = arith.constant 8 : i32
      %scan3A_180 = arith.addi %scan3A_178, %scan3A_179 : i32
      %scan3A_181 = arith.constant 1 : i32
      %scan3A_182 = scf.for %scan3A_199 = %scan3A_178 to %scan3A_180 step %scan3A_181 iter_args(%scan3A_200 = %scan3A_177) -> (i32)  : i32 {
        %mul3A_201 = arith.constant 4 : i32
        %mul3A_202 = arith.muli %scan3A_199, %mul3A_201 : i32
        %add3A_203 = arith.constant 0 : i32
        %add3A_204 = arith.addi %mul3A_202, %add3A_203 : i32
        %get3A = arith.index_cast %add3A_204 : i32 to index
        %get3A_205 = arith.constant 0 : index
        %get3A_206 = tpu.vector_load %arg9[%get3A, %get3A_205] {strides = array<i32>} : memref<32x128xf32, #tpu.memory_space<vmem>>, vector<1x16xf32>,
        %get3A_207 = vector.shape_cast %get3A_206 : vector<1x16xf32> to vector<16xf32>
        %get3A_208 = arith.index_cast %add3A_204 : i32 to index
        %get3A_209 = arith.constant 0 : index
        %get3A_210 = tpu.vector_load %arg11[%get3A_208, %get3A_209] {strides = array<i32>} : memref<32x128xf32, #tpu.memory_space<vmem>>, vector<1x16xf32>,
        %get3A_211 = vector.shape_cast %get3A_210 : vector<1x16xf32> to vector<16xf32>
        %sub3A = arith.subf %get3A_207, %get3A_211 : vector<16xf32>
        %abs3A = math.absf %sub3A : vector<16xf32>
        %swap3A = arith.index_cast %add3A_204 : i32 to index
        %swap3A_212 = arith.constant 0 : index
        %swap3A_213 = tpu.vector_load %arg13[%swap3A, %swap3A_212] {strides = array<i32>} : memref<32x64xf32, #tpu.memory_space<vmem>>, vector<1x16xf32>,
        %swap3A_214 = vector.shape_cast %swap3A_213 : vector<1x16xf32> to vector<16xf32>
        %swap3A_215 = vector.shape_cast %abs3A : vector<16xf32> to vector<1x16xf32>
        tpu.vector_store %arg13[%swap3A, %swap3A_212], %swap3A_215 {strides = array<i32>} : memref<32x64xf32, #tpu.memory_space<vmem>>, vector<1x16xf32>,
        %get3A_216 = arith.index_cast %add3A_204 : i32 to index
        %get3A_217 = arith.constant 16 : index
        %get3A_218 = tpu.vector_load %arg9[%get3A_216, %get3A_217] {strides = array<i32>} : memref<32x128xf32, #tpu.memory_space<vmem>>, vector<1x16xf32>,
        %get3A_219 = vector.shape_cast %get3A_218 : vector<1x16xf32> to vector<16xf32>
        %get3A_220 = arith.index_cast %add3A_204 : i32 to index
        %get3A_221 = arith.constant 16 : index
        %get3A_222 = tpu.vector_load %arg11[%get3A_220, %get3A_221] {strides = array<i32>} : memref<32x128xf32, #tpu.memory_space<vmem>>, vector<1x16xf32>,
        %get3A_223 = vector.shape_cast %get3A_222 : vector<1x16xf32> to vector<16xf32>
        %sub3A_224 = arith.subf %get3A_219, %get3A_223 : vector<16xf32>
        %abs3A_225 = math.absf %sub3A_224 : vector<16xf32>
        %swap3A_226 = arith.index_cast %add3A_204 : i32 to index
        %swap3A_227 = arith.constant 16 : index
        %swap3A_228 = tpu.vector_load %arg13[%swap3A_226, %swap3A_227] {strides = array<i32>} : memref<32x64xf32, #tpu.memory_space<vmem>>, vector<1x16xf32>,
        %swap3A_229 = vector.shape_cast %swap3A_228 : vector<1x16xf32> to vector<16xf32>
        %swap3A_230 = vector.shape_cast %abs3A_225 : vector<16xf32> to vector<1x16xf32>
        tpu.vector_store %arg13[%swap3A_226, %swap3A_227], %swap3A_230 {strides = array<i32>} : memref<32x64xf32, #tpu.memory_space<vmem>>, vector<1x16xf32>,
        %get3A_231 = arith.index_cast %add3A_204 : i32 to index
        %get3A_232 = arith.constant 32 : index
        %get3A_233 = tpu.vector_load %arg9[%get3A_231, %get3A_232] {strides = array<i32>} : memref<32x128xf32, #tpu.memory_space<vmem>>, vector<1x16xf32>,
        %get3A_234 = vector.shape_cast %get3A_233 : vector<1x16xf32> to vector<16xf32>
        %get3A_235 = arith.index_cast %add3A_204 : i32 to index
        %get3A_236 = arith.constant 32 : index
        %get3A_237 = tpu.vector_load %arg11[%get3A_235, %get3A_236] {strides = array<i32>} : memref<32x128xf32, #tpu.memory_space<vmem>>, vector<1x16xf32>,
        %get3A_238 = vector.shape_cast %get3A_237 : vector<1x16xf32> to vector<16xf32>
        %sub3A_239 = arith.subf %get3A_234, %get3A_238 : vector<16xf32>
        %abs3A_240 = math.absf %sub3A_239 : vector<16xf32>
        %swap3A_241 = arith.index_cast %add3A_204 : i32 to index
        %swap3A_242 = arith.constant 32 : index
        %swap3A_243 = tpu.vector_load %arg13[%swap3A_241, %swap3A_242] {strides = array<i32>} : memref<32x64xf32, #tpu.memory_space<vmem>>, vector<1x16xf32>,
        %swap3A_244 = vector.shape_cast %swap3A_243 : vector<1x16xf32> to vector<16xf32>
        %swap3A_245 = vector.shape_cast %abs3A_240 : vector<16xf32> to vector<1x16xf32>
        tpu.vector_store %arg13[%swap3A_241, %swap3A_242], %swap3A_245 {strides = array<i32>} : memref<32x64xf32, #tpu.memory_space<vmem>>, vector<1x16xf32>,
        %get3A_246 = arith.index_cast %add3A_204 : i32 to index
        %get3A_247 = arith.constant 48 : index
        %get3A_248 = tpu.vector_load %arg9[%get3A_246, %get3A_247] {strides = array<i32>} : memref<32x128xf32, #tpu.memory_space<vmem>>, vector<1x16xf32>,
        %get3A_249 = vector.shape_cast %get3A_248 : vector<1x16xf32> to vector<16xf32>
        %get3A_250 = arith.index_cast %add3A_204 : i32 to index
        %get3A_251 = arith.constant 48 : index
        %get3A_252 = tpu.vector_load %arg11[%get3A_250, %get3A_251] {strides = array<i32>} : memref<32x128xf32, #tpu.memory_space<vmem>>, vector<1x16xf32>,
        %get3A_253 = vector.shape_cast %get3A_252 : vector<1x16xf32> to vector<16xf32>
        %sub3A_254 = arith.subf %get3A_249, %get3A_253 : vector<16xf32>
        %abs3A_255 = math.absf %sub3A_254 : vector<16xf32>
        %swap3A_256 = arith.index_cast %add3A_204 : i32 to index
        %swap3A_257 = arith.constant 48 : index
        %swap3A_258 = tpu.vector_load %arg13[%swap3A_256, %swap3A_257] {strides = array<i32>} : memref<32x64xf32, #tpu.memory_space<vmem>>, vector<1x16xf32>,
        %swap3A_259 = vector.shape_cast %swap3A_258 : vector<1x16xf32> to vector<16xf32>
        %swap3A_260 = vector.shape_cast %abs3A_255 : vector<16xf32> to vector<1x16xf32>
        tpu.vector_store %arg13[%swap3A_256, %swap3A_257], %swap3A_260 {strides = array<i32>} : memref<32x64xf32, #tpu.memory_space<vmem>>, vector<1x16xf32>,
        %mul3A_261 = arith.constant 4 : i32
        %mul3A_262 = arith.muli %scan3A_199, %mul3A_261 : i32
        %add3A_263 = arith.constant 1 : i32
        %add3A_264 = arith.addi %mul3A_262, %add3A_263 : i32
        %get3A_265 = arith.index_cast %add3A_264 : i32 to index
        %get3A_266 = arith.constant 0 : index
        %get3A_267 = tpu.vector_load %arg9[%get3A_265, %get3A_266] {strides = array<i32>} : memref<32x128xf32, #tpu.memory_space<vmem>>, vector<1x16xf32>,
        %get3A_268 = vector.shape_cast %get3A_267 : vector<1x16xf32> to vector<16xf32>
        %get3A_269 = arith.index_cast %add3A_264 : i32 to index
        %get3A_270 = arith.constant 0 : index
        %get3A_271 = tpu.vector_load %arg11[%get3A_269, %get3A_270] {strides = array<i32>} : memref<32x128xf32, #tpu.memory_space<vmem>>, vector<1x16xf32>,
        %get3A_272 = vector.shape_cast %get3A_271 : vector<1x16xf32> to vector<16xf32>
        %sub3A_273 = arith.subf %get3A_268, %get3A_272 : vector<16xf32>
        %abs3A_274 = math.absf %sub3A_273 : vector<16xf32>
        %swap3A_275 = arith.index_cast %add3A_264 : i32 to index
        %swap3A_276 = arith.constant 0 : index
        %swap3A_277 = tpu.vector_load %arg13[%swap3A_275, %swap3A_276] {strides = array<i32>} : memref<32x64xf32, #tpu.memory_space<vmem>>, vector<1x16xf32>,
        %swap3A_278 = vector.shape_cast %swap3A_277 : vector<1x16xf32> to vector<16xf32>
        %swap3A_279 = vector.shape_cast %abs3A_274 : vector<16xf32> to vector<1x16xf32>
        tpu.vector_store %arg13[%swap3A_275, %swap3A_276], %swap3A_279 {strides = array<i32>} : memref<32x64xf32, #tpu.memory_space<vmem>>, vector<1x16xf32>,
        %get3A_280 = arith.index_cast %add3A_264 : i32 to index
        %get3A_281 = arith.constant 16 : index
        %get3A_282 = tpu.vector_load %arg9[%get3A_280, %get3A_281] {strides = array<i32>} : memref<32x128xf32, #tpu.memory_space<vmem>>, vector<1x16xf32>,
        %get3A_283 = vector.shape_cast %get3A_282 : vector<1x16xf32> to vector<16xf32>
        %get3A_284 = arith.index_cast %add3A_264 : i32 to index
        %get3A_285 = arith.constant 16 : index
        %get3A_286 = tpu.vector_load %arg11[%get3A_284, %get3A_285] {strides = array<i32>} : memref<32x128xf32, #tpu.memory_space<vmem>>, vector<1x16xf32>,
        %get3A_287 = vector.shape_cast %get3A_286 : vector<1x16xf32> to vector<16xf32>
        %sub3A_288 = arith.subf %get3A_283, %get3A_287 : vector<16xf32>
        %abs3A_289 = math.absf %sub3A_288 : vector<16xf32>
        %swap3A_290 = arith.index_cast %add3A_264 : i32 to index
        %swap3A_291 = arith.constant 16 : index
        %swap3A_292 = tpu.vector_load %arg13[%swap3A_290, %swap3A_291] {strides = array<i32>} : memref<32x64xf32, #tpu.memory_space<vmem>>, vector<1x16xf32>,
        %swap3A_293 = vector.shape_cast %swap3A_292 : vector<1x16xf32> to vector<16xf32>
        %swap3A_294 = vector.shape_cast %abs3A_289 : vector<16xf32> to vector<1x16xf32>
        tpu.vector_store %arg13[%swap3A_290, %swap3A_291], %swap3A_294 {strides = array<i32>} : memref<32x64xf32, #tpu.memory_space<vmem>>, vector<1x16xf32>,
        %get3A_295 = arith.index_cast %add3A_264 : i32 to index
        %get3A_296 = arith.constant 32 : index
        %get3A_297 = tpu.vector_load %arg9[%get3A_295, %get3A_296] {strides = array<i32>} : memref<32x128xf32, #tpu.memory_space<vmem>>, vector<1x16xf32>,
        %get3A_298 = vector.shape_cast %get3A_297 : vector<1x16xf32> to vector<16xf32>
        %get3A_299 = arith.index_cast %add3A_264 : i32 to index
        %get3A_300 = arith.constant 32 : index
        %get3A_301 = tpu.vector_load %arg11[%get3A_299, %get3A_300] {strides = array<i32>} : memref<32x128xf32, #tpu.memory_space<vmem>>, vector<1x16xf32>,
        %get3A_302 = vector.shape_cast %get3A_301 : vector<1x16xf32> to vector<16xf32>
        %sub3A_303 = arith.subf %get3A_298, %get3A_302 : vector<16xf32>
        %abs3A_304 = math.absf %sub3A_303 : vector<16xf32>
        %swap3A_305 = arith.index_cast %add3A_264 : i32 to index
        %swap3A_306 = arith.constant 32 : index
        %swap3A_307 = tpu.vector_load %arg13[%swap3A_305, %swap3A_306] {strides = array<i32>} : memref<32x64xf32, #tpu.memory_space<vmem>>, vector<1x16xf32>,
        %swap3A_308 = vector.shape_cast %swap3A_307 : vector<1x16xf32> to vector<16xf32>
        %swap3A_309 = vector.shape_cast %abs3A_304 : vector<16xf32> to vector<1x16xf32>
        tpu.vector_store %arg13[%swap3A_305, %swap3A_306], %swap3A_309 {strides = array<i32>} : memref<32x64xf32, #tpu.memory_space<vmem>>, vector<1x16xf32>,
        %get3A_310 = arith.index_cast %add3A_264 : i32 to index
        %get3A_311 = arith.constant 48 : index
        %get3A_312 = tpu.vector_load %arg9[%get3A_310, %get3A_311] {strides = array<i32>} : memref<32x128xf32, #tpu.memory_space<vmem>>, vector<1x16xf32>,
        %get3A_313 = vector.shape_cast %get3A_312 : vector<1x16xf32> to vector<16xf32>
        %get3A_314 = arith.index_cast %add3A_264 : i32 to index
        %get3A_315 = arith.constant 48 : index
        %get3A_316 = tpu.vector_load %arg11[%get3A_314, %get3A_315] {strides = array<i32>} : memref<32x128xf32, #tpu.memory_space<vmem>>, vector<1x16xf32>,
        %get3A_317 = vector.shape_cast %get3A_316 : vector<1x16xf32> to vector<16xf32>
        %sub3A_318 = arith.subf %get3A_313, %get3A_317 : vector<16xf32>
        %abs3A_319 = math.absf %sub3A_318 : vector<16xf32>
        %swap3A_320 = arith.index_cast %add3A_264 : i32 to index
        %swap3A_321 = arith.constant 48 : index
        %swap3A_322 = tpu.vector_load %arg13[%swap3A_320, %swap3A_321] {strides = array<i32>} : memref<32x64xf32, #tpu.memory_space<vmem>>, vector<1x16xf32>,
        %swap3A_323 = vector.shape_cast %swap3A_322 : vector<1x16xf32> to vector<16xf32>
        %swap3A_324 = vector.shape_cast %abs3A_319 : vector<16xf32> to vector<1x16xf32>
        tpu.vector_store %arg13[%swap3A_320, %swap3A_321], %swap3A_324 {strides = array<i32>} : memref<32x64xf32, #tpu.memory_space<vmem>>, vector<1x16xf32>,
        %mul3A_325 = arith.constant 4 : i32
        %mul3A_326 = arith.muli %scan3A_199, %mul3A_325 : i32
        %add3A_327 = arith.constant 2 : i32
        %add3A_328 = arith.addi %mul3A_326, %add3A_327 : i32
        %get3A_329 = arith.index_cast %add3A_328 : i32 to index
        %get3A_330 = arith.constant 0 : index
        %get3A_331 = tpu.vector_load %arg9[%get3A_329, %get3A_330] {strides = array<i32>} : memref<32x128xf32, #tpu.memory_space<vmem>>, vector<1x16xf32>,
        %get3A_332 = vector.shape_cast %get3A_331 : vector<1x16xf32> to vector<16xf32>
        %get3A_333 = arith.index_cast %add3A_328 : i32 to index
        %get3A_334 = arith.constant 0 : index
        %get3A_335 = tpu.vector_load %arg11[%get3A_333, %get3A_334] {strides = array<i32>} : memref<32x128xf32, #tpu.memory_space<vmem>>, vector<1x16xf32>,
        %get3A_336 = vector.shape_cast %get3A_335 : vector<1x16xf32> to vector<16xf32>
        %sub3A_337 = arith.subf %get3A_332, %get3A_336 : vector<16xf32>
        %abs3A_338 = math.absf %sub3A_337 : vector<16xf32>
        %swap3A_339 = arith.index_cast %add3A_328 : i32 to index
        %swap3A_340 = arith.constant 0 : index
        %swap3A_341 = tpu.vector_load %arg13[%swap3A_339, %swap3A_340] {strides = array<i32>} : memref<32x64xf32, #tpu.memory_space<vmem>>, vector<1x16xf32>,
        %swap3A_342 = vector.shape_cast %swap3A_341 : vector<1x16xf32> to vector<16xf32>
        %swap3A_343 = vector.shape_cast %abs3A_338 : vector<16xf32> to vector<1x16xf32>
        tpu.vector_store %arg13[%swap3A_339, %swap3A_340], %swap3A_343 {strides = array<i32>} : memref<32x64xf32, #tpu.memory_space<vmem>>, vector<1x16xf32>,
        %get3A_344 = arith.index_cast %add3A_328 : i32 to index
        %get3A_345 = arith.constant 16 : index
        %get3A_346 = tpu.vector_load %arg9[%get3A_344, %get3A_345] {strides = array<i32>} : memref<32x128xf32, #tpu.memory_space<vmem>>, vector<1x16xf32>,
        %get3A_347 = vector.shape_cast %get3A_346 : vector<1x16xf32> to vector<16xf32>
        %get3A_348 = arith.index_cast %add3A_328 : i32 to index
        %get3A_349 = arith.constant 16 : index
        %get3A_350 = tpu.vector_load %arg11[%get3A_348, %get3A_349] {strides = array<i32>} : memref<32x128xf32, #tpu.memory_space<vmem>>, vector<1x16xf32>,
        %get3A_351 = vector.shape_cast %get3A_350 : vector<1x16xf32> to vector<16xf32>
        %sub3A_352 = arith.subf %get3A_347, %get3A_351 : vector<16xf32>
        %abs3A_353 = math.absf %sub3A_352 : vector<16xf32>
        %swap3A_354 = arith.index_cast %add3A_328 : i32 to index
        %swap3A_355 = arith.constant 16 : index
        %swap3A_356 = tpu.vector_load %arg13[%swap3A_354, %swap3A_355] {strides = array<i32>} : memref<32x64xf32, #tpu.memory_space<vmem>>, vector<1x16xf32>,
        %swap3A_357 = vector.shape_cast %swap3A_356 : vector<1x16xf32> to vector<16xf32>
        %swap3A_358 = vector.shape_cast %abs3A_353 : vector<16xf32> to vector<1x16xf32>
        tpu.vector_store %arg13[%swap3A_354, %swap3A_355], %swap3A_358 {strides = array<i32>} : memref<32x64xf32, #tpu.memory_space<vmem>>, vector<1x16xf32>,
        %get3A_359 = arith.index_cast %add3A_328 : i32 to index
        %get3A_360 = arith.constant 32 : index
        %get3A_361 = tpu.vector_load %arg9[%get3A_359, %get3A_360] {strides = array<i32>} : memref<32x128xf32, #tpu.memory_space<vmem>>, vector<1x16xf32>,
        %get3A_362 = vector.shape_cast %get3A_361 : vector<1x16xf32> to vector<16xf32>
        %get3A_363 = arith.index_cast %add3A_328 : i32 to index
        %get3A_364 = arith.constant 32 : index
        %get3A_365 = tpu.vector_load %arg11[%get3A_363, %get3A_364] {strides = array<i32>} : memref<32x128xf32, #tpu.memory_space<vmem>>, vector<1x16xf32>,
        %get3A_366 = vector.shape_cast %get3A_365 : vector<1x16xf32> to vector<16xf32>
        %sub3A_367 = arith.subf %get3A_362, %get3A_366 : vector<16xf32>
        %abs3A_368 = math.absf %sub3A_367 : vector<16xf32>
        %swap3A_369 = arith.index_cast %add3A_328 : i32 to index
        %swap3A_370 = arith.constant 32 : index
        %swap3A_371 = tpu.vector_load %arg13[%swap3A_369, %swap3A_370] {strides = array<i32>} : memref<32x64xf32, #tpu.memory_space<vmem>>, vector<1x16xf32>,
        %swap3A_372 = vector.shape_cast %swap3A_371 : vector<1x16xf32> to vector<16xf32>
        %swap3A_373 = vector.shape_cast %abs3A_368 : vector<16xf32> to vector<1x16xf32>
        tpu.vector_store %arg13[%swap3A_369, %swap3A_370], %swap3A_373 {strides = array<i32>} : memref<32x64xf32, #tpu.memory_space<vmem>>, vector<1x16xf32>,
        %get3A_374 = arith.index_cast %add3A_328 : i32 to index
        %get3A_375 = arith.constant 48 : index
        %get3A_376 = tpu.vector_load %arg9[%get3A_374, %get3A_375] {strides = array<i32>} : memref<32x128xf32, #tpu.memory_space<vmem>>, vector<1x16xf32>,
        %get3A_377 = vector.shape_cast %get3A_376 : vector<1x16xf32> to vector<16xf32>
        %get3A_378 = arith.index_cast %add3A_328 : i32 to index
        %get3A_379 = arith.constant 48 : index
        %get3A_380 = tpu.vector_load %arg11[%get3A_378, %get3A_379] {strides = array<i32>} : memref<32x128xf32, #tpu.memory_space<vmem>>, vector<1x16xf32>,
        %get3A_381 = vector.shape_cast %get3A_380 : vector<1x16xf32> to vector<16xf32>
        %sub3A_382 = arith.subf %get3A_377, %get3A_381 : vector<16xf32>
        %abs3A_383 = math.absf %sub3A_382 : vector<16xf32>
        %swap3A_384 = arith.index_cast %add3A_328 : i32 to index
        %swap3A_385 = arith.constant 48 : index
        %swap3A_386 = tpu.vector_load %arg13[%swap3A_384, %swap3A_385] {strides = array<i32>} : memref<32x64xf32, #tpu.memory_space<vmem>>, vector<1x16xf32>,
        %swap3A_387 = vector.shape_cast %swap3A_386 : vector<1x16xf32> to vector<16xf32>
        %swap3A_388 = vector.shape_cast %abs3A_383 : vector<16xf32> to vector<1x16xf32>
        tpu.vector_store %arg13[%swap3A_384, %swap3A_385], %swap3A_388 {strides = array<i32>} : memref<32x64xf32, #tpu.memory_space<vmem>>, vector<1x16xf32>,
        %mul3A_389 = arith.constant 4 : i32
        %mul3A_390 = arith.muli %scan3A_199, %mul3A_389 : i32
        %add3A_391 = arith.constant 3 : i32
        %add3A_392 = arith.addi %mul3A_390, %add3A_391 : i32
        %get3A_393 = arith.index_cast %add3A_392 : i32 to index
        %get3A_394 = arith.constant 0 : index
        %get3A_395 = tpu.vector_load %arg9[%get3A_393, %get3A_394] {strides = array<i32>} : memref<32x128xf32, #tpu.memory_space<vmem>>, vector<1x16xf32>,
        %get3A_396 = vector.shape_cast %get3A_395 : vector<1x16xf32> to vector<16xf32>
        %get3A_397 = arith.index_cast %add3A_392 : i32 to index
        %get3A_398 = arith.constant 0 : index
        %get3A_399 = tpu.vector_load %arg11[%get3A_397, %get3A_398] {strides = array<i32>} : memref<32x128xf32, #tpu.memory_space<vmem>>, vector<1x16xf32>,
        %get3A_400 = vector.shape_cast %get3A_399 : vector<1x16xf32> to vector<16xf32>
        %sub3A_401 = arith.subf %get3A_396, %get3A_400 : vector<16xf32>
        %abs3A_402 = math.absf %sub3A_401 : vector<16xf32>
        %swap3A_403 = arith.index_cast %add3A_392 : i32 to index
        %swap3A_404 = arith.constant 0 : index
        %swap3A_405 = tpu.vector_load %arg13[%swap3A_403, %swap3A_404] {strides = array<i32>} : memref<32x64xf32, #tpu.memory_space<vmem>>, vector<1x16xf32>,
        %swap3A_406 = vector.shape_cast %swap3A_405 : vector<1x16xf32> to vector<16xf32>
        %swap3A_407 = vector.shape_cast %abs3A_402 : vector<16xf32> to vector<1x16xf32>
        tpu.vector_store %arg13[%swap3A_403, %swap3A_404], %swap3A_407 {strides = array<i32>} : memref<32x64xf32, #tpu.memory_space<vmem>>, vector<1x16xf32>,
        %get3A_408 = arith.index_cast %add3A_392 : i32 to index
        %get3A_409 = arith.constant 16 : index
        %get3A_410 = tpu.vector_load %arg9[%get3A_408, %get3A_409] {strides = array<i32>} : memref<32x128xf32, #tpu.memory_space<vmem>>, vector<1x16xf32>,
        %get3A_411 = vector.shape_cast %get3A_410 : vector<1x16xf32> to vector<16xf32>
        %get3A_412 = arith.index_cast %add3A_392 : i32 to index
        %get3A_413 = arith.constant 16 : index
        %get3A_414 = tpu.vector_load %arg11[%get3A_412, %get3A_413] {strides = array<i32>} : memref<32x128xf32, #tpu.memory_space<vmem>>, vector<1x16xf32>,
        %get3A_415 = vector.shape_cast %get3A_414 : vector<1x16xf32> to vector<16xf32>
        %sub3A_416 = arith.subf %get3A_411, %get3A_415 : vector<16xf32>
        %abs3A_417 = math.absf %sub3A_416 : vector<16xf32>
        %swap3A_418 = arith.index_cast %add3A_392 : i32 to index
        %swap3A_419 = arith.constant 16 : index
        %swap3A_420 = tpu.vector_load %arg13[%swap3A_418, %swap3A_419] {strides = array<i32>} : memref<32x64xf32, #tpu.memory_space<vmem>>, vector<1x16xf32>,
        %swap3A_421 = vector.shape_cast %swap3A_420 : vector<1x16xf32> to vector<16xf32>
        %swap3A_422 = vector.shape_cast %abs3A_417 : vector<16xf32> to vector<1x16xf32>
        tpu.vector_store %arg13[%swap3A_418, %swap3A_419], %swap3A_422 {strides = array<i32>} : memref<32x64xf32, #tpu.memory_space<vmem>>, vector<1x16xf32>,
        %get3A_423 = arith.index_cast %add3A_392 : i32 to index
        %get3A_424 = arith.constant 32 : index
        %get3A_425 = tpu.vector_load %arg9[%get3A_423, %get3A_424] {strides = array<i32>} : memref<32x128xf32, #tpu.memory_space<vmem>>, vector<1x16xf32>,
        %get3A_426 = vector.shape_cast %get3A_425 : vector<1x16xf32> to vector<16xf32>
        %get3A_427 = arith.index_cast %add3A_392 : i32 to index
        %get3A_428 = arith.constant 32 : index
        %get3A_429 = tpu.vector_load %arg11[%get3A_427, %get3A_428] {strides = array<i32>} : memref<32x128xf32, #tpu.memory_space<vmem>>, vector<1x16xf32>,
        %get3A_430 = vector.shape_cast %get3A_429 : vector<1x16xf32> to vector<16xf32>
        %sub3A_431 = arith.subf %get3A_426, %get3A_430 : vector<16xf32>
        %abs3A_432 = math.absf %sub3A_431 : vector<16xf32>
        %swap3A_433 = arith.index_cast %add3A_392 : i32 to index
        %swap3A_434 = arith.constant 32 : index
        %swap3A_435 = tpu.vector_load %arg13[%swap3A_433, %swap3A_434] {strides = array<i32>} : memref<32x64xf32, #tpu.memory_space<vmem>>, vector<1x16xf32>,
        %swap3A_436 = vector.shape_cast %swap3A_435 : vector<1x16xf32> to vector<16xf32>
        %swap3A_437 = vector.shape_cast %abs3A_432 : vector<16xf32> to vector<1x16xf32>
        tpu.vector_store %arg13[%swap3A_433, %swap3A_434], %swap3A_437 {strides = array<i32>} : memref<32x64xf32, #tpu.memory_space<vmem>>, vector<1x16xf32>,
        %get3A_438 = arith.index_cast %add3A_392 : i32 to index
        %get3A_439 = arith.constant 48 : index
        %get3A_440 = tpu.vector_load %arg9[%get3A_438, %get3A_439] {strides = array<i32>} : memref<32x128xf32, #tpu.memory_space<vmem>>, vector<1x16xf32>,
        %get3A_441 = vector.shape_cast %get3A_440 : vector<1x16xf32> to vector<16xf32>
        %get3A_442 = arith.index_cast %add3A_392 : i32 to index
        %get3A_443 = arith.constant 48 : index
        %get3A_444 = tpu.vector_load %arg11[%get3A_442, %get3A_443] {strides = array<i32>} : memref<32x128xf32, #tpu.memory_space<vmem>>, vector<1x16xf32>,
        %get3A_445 = vector.shape_cast %get3A_444 : vector<1x16xf32> to vector<16xf32>
        %sub3A_446 = arith.subf %get3A_441, %get3A_445 : vector<16xf32>
        %abs3A_447 = math.absf %sub3A_446 : vector<16xf32>
        %swap3A_448 = arith.index_cast %add3A_392 : i32 to index
        %swap3A_449 = arith.constant 48 : index
        %swap3A_450 = tpu.vector_load %arg13[%swap3A_448, %swap3A_449] {strides = array<i32>} : memref<32x64xf32, #tpu.memory_space<vmem>>, vector<1x16xf32>,
        %swap3A_451 = vector.shape_cast %swap3A_450 : vector<1x16xf32> to vector<16xf32>
        %swap3A_452 = vector.shape_cast %abs3A_447 : vector<16xf32> to vector<1x16xf32>
        tpu.vector_store %arg13[%swap3A_448, %swap3A_449], %swap3A_452 {strides = array<i32>} : memref<32x64xf32, #tpu.memory_space<vmem>>, vector<1x16xf32>,
        %scan3A_453 = arith.constant 0 : i32
        scf.yield %scan3A_453 : i32
      }
      %scan3A_183 = arith.constant 8 : i32
      %mul3A_184 = arith.constant 32 : i32
      %mul3A_185 = arith.muli %add3A_159, %mul3A_184 : i32
      %add3A_186 = arith.addi %mul3A_2, %mul3A_185 : i32
      %dma_start3A_187 = arith.constant 0 : i32
      %dma_start3A_188 = tpu.memref_slice %arg5[%add3A_186, %dma_start3A_187] : memref<320000x64xf32, #tpu.memory_space<hbm>> -> memref<32x64xf32, #tpu.memory_space<hbm>>
      %dma_start3A_189 = arith.constant 0 : i32
      %dma_start3A_190 = tpu.memref_slice %arg5[%add3A_186, %dma_start3A_189] : memref<320000x64xf32, #tpu.memory_space<hbm>> -> memref<32x64xf32, #tpu.memory_space<hbm>>
      tpu.enqueue_dma source(%arg13 : memref<32x64xf32, #tpu.memory_space<vmem>>) target(%dma_start3A_190 : memref<32x64xf32, #tpu.memory_space<hbm>>) target_semaphore(%arg18 : memref<!tpu.dma_semaphore, #tpu.memory_space<semaphore_mem>>)
      %add3A_191 = arith.constant 2 : i32
      %add3A_192 = arith.addi %add3A_159, %add3A_191 : i32
      %lt3A_193 = arith.constant 312 : i32
      %lt3A_194 = arith.cmpi slt, %add3A_192, %lt3A_193 : i32
      %convert_element_type3A_195 = arith.extui %lt3A_194 : i1 to i32
      %cond3A_196 = arith.constant 0 : i32
      %cond3A_197 = arith.cmpi ne, %convert_element_type3A_195, %cond3A_196 : i32
      scf.if %cond3A_197 {
        %add3A_199 = arith.constant 2 : i32
        %add3A_200 = arith.addi %add3A_159, %add3A_199 : i32
        %mul3A_201 = arith.constant 32 : i32
        %mul3A_202 = arith.muli %add3A_200, %mul3A_201 : i32
        %dma_start3A_203 = tpu.memref_slice %arg6[%mul3A_202] : memref<10000xi32, #tpu.memory_space<vmem>> -> memref<32xi32, #tpu.memory_space<vmem>>
        %dma_start3A_204 = arith.constant 0 : i32
        %dma_start3A_205 = arith.constant 0 : i32
        %dma_start3A_206 = tpu.memref_slice %arg14[%dma_start3A_204, %dma_start3A_205] : memref<10000x128xf32, #tpu.memory_space<vmem_shared>> -> memref<10000x128xf32, #tpu.memory_space<vmem_shared>>
        tpu.enqueue_indirect_dma source(%dma_start3A_206 : memref<10000x128xf32, #tpu.memory_space<vmem_shared>>) target(%arg9 : memref<32x128xf32, #tpu.memory_space<vmem>>) offsets(%dma_start3A_203 : memref<32xi32, #tpu.memory_space<vmem>>) semaphore(%arg16 : memref<!tpu.dma_semaphore, #tpu.memory_space<semaphore_mem>>)
        %mul3A_207 = arith.constant 32 : i32
        %mul3A_208 = arith.muli %add3A_200, %mul3A_207 : i32
        %dma_start3A_209 = tpu.memref_slice %arg7[%mul3A_208] : memref<10000xi32, #tpu.memory_space<vmem>> -> memref<32xi32, #tpu.memory_space<vmem>>
        %dma_start3A_210 = arith.constant 0 : i32
        %dma_start3A_211 = arith.constant 0 : i32
        %dma_start3A_212 = tpu.memref_slice %arg14[%dma_start3A_210, %dma_start3A_211] : memref<10000x128xf32, #tpu.memory_space<vmem_shared>> -> memref<10000x128xf32, #tpu.memory_space<vmem_shared>>
        tpu.enqueue_indirect_dma source(%dma_start3A_212 : memref<10000x128xf32, #tpu.memory_space<vmem_shared>>) target(%arg11 : memref<32x128xf32, #tpu.memory_space<vmem>>) offsets(%dma_start3A_209 : memref<32xi32, #tpu.memory_space<vmem>>) semaphore(%arg16 : memref<!tpu.dma_semaphore, #tpu.memory_space<semaphore_mem>>)
      } else {
      }
      %scan3A_198 = arith.constant 0 : i32
      scf.yield %scan3A_198 : i32
    }
    %scan3A_33 = arith.constant 156 : i32
    %dma_start3A_34 = arith.constant 0 : i32
    %dma_start3A_35 = arith.constant 0 : i32
    %dma_start3A_36 = tpu.memref_slice %arg8[%dma_start3A_34, %dma_start3A_35] : memref<32x128xf32, #tpu.memory_space<vmem>> -> memref<16x128xf32, #tpu.memory_space<vmem>>
    %dma_start3A_37 = arith.constant 9984 : i32
    %dma_start3A_38 = tpu.memref_slice %arg6[%dma_start3A_37] : memref<10000xi32, #tpu.memory_space<vmem>> -> memref<16xi32, #tpu.memory_space<vmem>>
    %dma_start3A_39 = arith.constant 0 : i32
    %dma_start3A_40 = arith.constant 0 : i32
    %dma_start3A_41 = tpu.memref_slice %arg14[%dma_start3A_39, %dma_start3A_40] : memref<10000x128xf32, #tpu.memory_space<vmem_shared>> -> memref<10000x128xf32, #tpu.memory_space<vmem_shared>>
    tpu.enqueue_indirect_dma source(%dma_start3A_41 : memref<10000x128xf32, #tpu.memory_space<vmem_shared>>) target(%dma_start3A_36 : memref<16x128xf32, #tpu.memory_space<vmem>>) offsets(%dma_start3A_38 : memref<16xi32, #tpu.memory_space<vmem>>) semaphore(%arg15 : memref<!tpu.dma_semaphore, #tpu.memory_space<semaphore_mem>>)
    %dma_start3A_42 = arith.constant 0 : i32
    %dma_start3A_43 = arith.constant 0 : i32
    %dma_start3A_44 = tpu.memref_slice %arg10[%dma_start3A_42, %dma_start3A_43] : memref<32x128xf32, #tpu.memory_space<vmem>> -> memref<16x128xf32, #tpu.memory_space<vmem>>
    %dma_start3A_45 = arith.constant 9984 : i32
    %dma_start3A_46 = tpu.memref_slice %arg7[%dma_start3A_45] : memref<10000xi32, #tpu.memory_space<vmem>> -> memref<16xi32, #tpu.memory_space<vmem>>
    %dma_start3A_47 = arith.constant 0 : i32
    %dma_start3A_48 = arith.constant 0 : i32
    %dma_start3A_49 = tpu.memref_slice %arg14[%dma_start3A_47, %dma_start3A_48] : memref<10000x128xf32, #tpu.memory_space<vmem_shared>> -> memref<10000x128xf32, #tpu.memory_space<vmem_shared>>
    tpu.enqueue_indirect_dma source(%dma_start3A_49 : memref<10000x128xf32, #tpu.memory_space<vmem_shared>>) target(%dma_start3A_44 : memref<16x128xf32, #tpu.memory_space<vmem>>) offsets(%dma_start3A_46 : memref<16xi32, #tpu.memory_space<vmem>>) semaphore(%arg15 : memref<!tpu.dma_semaphore, #tpu.memory_space<semaphore_mem>>)
    %dma_wait3A = arith.constant 0 : i32
    %dma_wait3A_50 = arith.constant 0 : i32
    %dma_wait3A_51 = tpu.memref_slice %arg8[%dma_wait3A, %dma_wait3A_50] : memref<32x128xf32, #tpu.memory_space<vmem>> -> memref<16x128xf32, #tpu.memory_space<vmem>>
    %dma_wait3A_52 = arith.constant 0 : i32
    %dma_wait3A_53 = arith.constant 0 : i32
    %dma_wait3A_54 = tpu.memref_slice %arg2[%dma_wait3A_52, %dma_wait3A_53] : memref<10000x128xf32, #tpu.memory_space<hbm>> -> memref<16x128xf32, #tpu.memory_space<hbm>>
    %dma_wait3A_55 = arith.constant 0 : i32
    %dma_wait3A_56 = arith.constant 0 : i32
    %dma_wait3A_57 = tpu.memref_slice %arg8[%dma_wait3A_55, %dma_wait3A_56] : memref<32x128xf32, #tpu.memory_space<vmem>> -> memref<16x128xf32, #tpu.memory_space<vmem>>
    %dma_wait3A_58 = arith.constant 0 : i32
    %dma_wait3A_59 = arith.constant 0 : i32
    %dma_wait3A_60 = tpu.memref_slice %arg2[%dma_wait3A_58, %dma_wait3A_59] : memref<10000x128xf32, #tpu.memory_space<hbm>> -> memref<16x128xf32, #tpu.memory_space<hbm>>
    tpu.wait_dma2 semaphore(%arg15 : memref<!tpu.dma_semaphore, #tpu.memory_space<semaphore_mem>>) src(%dma_wait3A_60 : memref<16x128xf32, #tpu.memory_space<hbm>>) dst(%dma_wait3A_57 : memref<16x128xf32, #tpu.memory_space<vmem>>)
    %dma_wait3A_61 = arith.constant 0 : i32
    %dma_wait3A_62 = arith.constant 0 : i32
    %dma_wait3A_63 = tpu.memref_slice %arg10[%dma_wait3A_61, %dma_wait3A_62] : memref<32x128xf32, #tpu.memory_space<vmem>> -> memref<16x128xf32, #tpu.memory_space<vmem>>
    %dma_wait3A_64 = arith.constant 0 : i32
    %dma_wait3A_65 = arith.constant 0 : i32
    %dma_wait3A_66 = tpu.memref_slice %arg2[%dma_wait3A_64, %dma_wait3A_65] : memref<10000x128xf32, #tpu.memory_space<hbm>> -> memref<16x128xf32, #tpu.memory_space<hbm>>
    %dma_wait3A_67 = arith.constant 0 : i32
    %dma_wait3A_68 = arith.constant 0 : i32
    %dma_wait3A_69 = tpu.memref_slice %arg10[%dma_wait3A_67, %dma_wait3A_68] : memref<32x128xf32, #tpu.memory_space<vmem>> -> memref<16x128xf32, #tpu.memory_space<vmem>>
    %dma_wait3A_70 = arith.constant 0 : i32
    %dma_wait3A_71 = arith.constant 0 : i32
    %dma_wait3A_72 = tpu.memref_slice %arg2[%dma_wait3A_70, %dma_wait3A_71] : memref<10000x128xf32, #tpu.memory_space<hbm>> -> memref<16x128xf32, #tpu.memory_space<hbm>>
    tpu.wait_dma2 semaphore(%arg15 : memref<!tpu.dma_semaphore, #tpu.memory_space<semaphore_mem>>) src(%dma_wait3A_72 : memref<16x128xf32, #tpu.memory_space<hbm>>) dst(%dma_wait3A_69 : memref<16x128xf32, #tpu.memory_space<vmem>>)
    %dma_wait3A_73 = arith.constant 0 : i32
    %dma_wait3A_74 = arith.constant 0 : i32
    %dma_wait3A_75 = tpu.memref_slice %arg5[%dma_wait3A_73, %dma_wait3A_74] : memref<320000x64xf32, #tpu.memory_space<hbm>> -> memref<32x64xf32, #tpu.memory_space<hbm>>
    %dma_wait3A_76 = arith.constant 0 : i32
    %dma_wait3A_77 = arith.constant 0 : i32
    %dma_wait3A_78 = tpu.memref_slice %arg5[%dma_wait3A_76, %dma_wait3A_77] : memref<320000x64xf32, #tpu.memory_space<hbm>> -> memref<32x64xf32, #tpu.memory_space<hbm>>
    tpu.wait_dma2 semaphore(%arg17 : memref<!tpu.dma_semaphore, #tpu.memory_space<semaphore_mem>>) src(%dma_wait3A_78 : memref<32x64xf32, #tpu.memory_space<hbm>>) dst(%arg12 : memref<32x64xf32, #tpu.memory_space<vmem>>)
    %scan3A_79 = arith.constant 0 : i32
    %scan3A_80 = arith.constant 0 : i32
    %scan3A_81 = arith.constant 16 : i32
    %scan3A_82 = arith.addi %scan3A_80, %scan3A_81 : i32
    %scan3A_83 = arith.constant 1 : i32
    %scan3A_84 = scf.for %scan3A_116 = %scan3A_80 to %scan3A_82 step %scan3A_83 iter_args(%scan3A_117 = %scan3A_79) -> (i32)  : i32 {
      %get3A = arith.index_cast %scan3A_116 : i32 to index
      %get3A_118 = arith.constant 0 : index
      %get3A_119 = tpu.vector_load %arg8[%get3A, %get3A_118] {strides = array<i32>} : memref<32x128xf32, #tpu.memory_space<vmem>>, vector<1x16xf32>,
      %get3A_120 = vector.shape_cast %get3A_119 : vector<1x16xf32> to vector<16xf32>
      %get3A_121 = arith.index_cast %scan3A_116 : i32 to index
      %get3A_122 = arith.constant 0 : index
      %get3A_123 = tpu.vector_load %arg10[%get3A_121, %get3A_122] {strides = array<i32>} : memref<32x128xf32, #tpu.memory_space<vmem>>, vector<1x16xf32>,
      %get3A_124 = vector.shape_cast %get3A_123 : vector<1x16xf32> to vector<16xf32>
      %sub3A = arith.subf %get3A_120, %get3A_124 : vector<16xf32>
      %abs3A = math.absf %sub3A : vector<16xf32>
      %swap3A = arith.index_cast %scan3A_116 : i32 to index
      %swap3A_125 = arith.constant 0 : index
      %swap3A_126 = tpu.vector_load %arg12[%swap3A, %swap3A_125] {strides = array<i32>} : memref<32x64xf32, #tpu.memory_space<vmem>>, vector<1x16xf32>,
      %swap3A_127 = vector.shape_cast %swap3A_126 : vector<1x16xf32> to vector<16xf32>
      %swap3A_128 = vector.shape_cast %abs3A : vector<16xf32> to vector<1x16xf32>
      tpu.vector_store %arg12[%swap3A, %swap3A_125], %swap3A_128 {strides = array<i32>} : memref<32x64xf32, #tpu.memory_space<vmem>>, vector<1x16xf32>,
      %get3A_129 = arith.index_cast %scan3A_116 : i32 to index
      %get3A_130 = arith.constant 16 : index
      %get3A_131 = tpu.vector_load %arg8[%get3A_129, %get3A_130] {strides = array<i32>} : memref<32x128xf32, #tpu.memory_space<vmem>>, vector<1x16xf32>,
      %get3A_132 = vector.shape_cast %get3A_131 : vector<1x16xf32> to vector<16xf32>
      %get3A_133 = arith.index_cast %scan3A_116 : i32 to index
      %get3A_134 = arith.constant 16 : index
      %get3A_135 = tpu.vector_load %arg10[%get3A_133, %get3A_134] {strides = array<i32>} : memref<32x128xf32, #tpu.memory_space<vmem>>, vector<1x16xf32>,
      %get3A_136 = vector.shape_cast %get3A_135 : vector<1x16xf32> to vector<16xf32>
      %sub3A_137 = arith.subf %get3A_132, %get3A_136 : vector<16xf32>
      %abs3A_138 = math.absf %sub3A_137 : vector<16xf32>
      %swap3A_139 = arith.index_cast %scan3A_116 : i32 to index
      %swap3A_140 = arith.constant 16 : index
      %swap3A_141 = tpu.vector_load %arg12[%swap3A_139, %swap3A_140] {strides = array<i32>} : memref<32x64xf32, #tpu.memory_space<vmem>>, vector<1x16xf32>,
      %swap3A_142 = vector.shape_cast %swap3A_141 : vector<1x16xf32> to vector<16xf32>
      %swap3A_143 = vector.shape_cast %abs3A_138 : vector<16xf32> to vector<1x16xf32>
      tpu.vector_store %arg12[%swap3A_139, %swap3A_140], %swap3A_143 {strides = array<i32>} : memref<32x64xf32, #tpu.memory_space<vmem>>, vector<1x16xf32>,
      %get3A_144 = arith.index_cast %scan3A_116 : i32 to index
      %get3A_145 = arith.constant 32 : index
      %get3A_146 = tpu.vector_load %arg8[%get3A_144, %get3A_145] {strides = array<i32>} : memref<32x128xf32, #tpu.memory_space<vmem>>, vector<1x16xf32>,
      %get3A_147 = vector.shape_cast %get3A_146 : vector<1x16xf32> to vector<16xf32>
      %get3A_148 = arith.index_cast %scan3A_116 : i32 to index
      %get3A_149 = arith.constant 32 : index
      %get3A_150 = tpu.vector_load %arg10[%get3A_148, %get3A_149] {strides = array<i32>} : memref<32x128xf32, #tpu.memory_space<vmem>>, vector<1x16xf32>,
      %get3A_151 = vector.shape_cast %get3A_150 : vector<1x16xf32> to vector<16xf32>
      %sub3A_152 = arith.subf %get3A_147, %get3A_151 : vector<16xf32>
      %abs3A_153 = math.absf %sub3A_152 : vector<16xf32>
      %swap3A_154 = arith.index_cast %scan3A_116 : i32 to index
      %swap3A_155 = arith.constant 32 : index
      %swap3A_156 = tpu.vector_load %arg12[%swap3A_154, %swap3A_155] {strides = array<i32>} : memref<32x64xf32, #tpu.memory_space<vmem>>, vector<1x16xf32>,
      %swap3A_157 = vector.shape_cast %swap3A_156 : vector<1x16xf32> to vector<16xf32>
      %swap3A_158 = vector.shape_cast %abs3A_153 : vector<16xf32> to vector<1x16xf32>
      tpu.vector_store %arg12[%swap3A_154, %swap3A_155], %swap3A_158 {strides = array<i32>} : memref<32x64xf32, #tpu.memory_space<vmem>>, vector<1x16xf32>,
      %get3A_159 = arith.index_cast %scan3A_116 : i32 to index
      %get3A_160 = arith.constant 48 : index
      %get3A_161 = tpu.vector_load %arg8[%get3A_159, %get3A_160] {strides = array<i32>} : memref<32x128xf32, #tpu.memory_space<vmem>>, vector<1x16xf32>,
      %get3A_162 = vector.shape_cast %get3A_161 : vector<1x16xf32> to vector<16xf32>
      %get3A_163 = arith.index_cast %scan3A_116 : i32 to index
      %get3A_164 = arith.constant 48 : index
      %get3A_165 = tpu.vector_load %arg10[%get3A_163, %get3A_164] {strides = array<i32>} : memref<32x128xf32, #tpu.memory_space<vmem>>, vector<1x16xf32>,
      %get3A_166 = vector.shape_cast %get3A_165 : vector<1x16xf32> to vector<16xf32>
      %sub3A_167 = arith.subf %get3A_162, %get3A_166 : vector<16xf32>
      %abs3A_168 = math.absf %sub3A_167 : vector<16xf32>
      %swap3A_169 = arith.index_cast %scan3A_116 : i32 to index
      %swap3A_170 = arith.constant 48 : index
      %swap3A_171 = tpu.vector_load %arg12[%swap3A_169, %swap3A_170] {strides = array<i32>} : memref<32x64xf32, #tpu.memory_space<vmem>>, vector<1x16xf32>,
      %swap3A_172 = vector.shape_cast %swap3A_171 : vector<1x16xf32> to vector<16xf32>
      %swap3A_173 = vector.shape_cast %abs3A_168 : vector<16xf32> to vector<1x16xf32>
      tpu.vector_store %arg12[%swap3A_169, %swap3A_170], %swap3A_173 {strides = array<i32>} : memref<32x64xf32, #tpu.memory_space<vmem>>, vector<1x16xf32>,
      %scan3A_174 = arith.constant 0 : i32
      scf.yield %scan3A_174 : i32
    }
    %scan3A_85 = arith.constant 16 : i32
    %add3A_86 = arith.constant 9984 : i32
    %add3A_87 = arith.addi %mul3A_2, %add3A_86 : i32
    %dma_start3A_88 = arith.constant 0 : i32
    %dma_start3A_89 = arith.constant 0 : i32
    %dma_start3A_90 = tpu.memref_slice %arg12[%dma_start3A_88, %dma_start3A_89] : memref<32x64xf32, #tpu.memory_space<vmem>> -> memref<16x64xf32, #tpu.memory_space<vmem>>
    %dma_start3A_91 = arith.constant 0 : i32
    %dma_start3A_92 = tpu.memref_slice %arg5[%add3A_87, %dma_start3A_91] : memref<320000x64xf32, #tpu.memory_space<hbm>> -> memref<16x64xf32, #tpu.memory_space<hbm>>
    %dma_start3A_93 = arith.constant 0 : i32
    %dma_start3A_94 = tpu.memref_slice %arg5[%add3A_87, %dma_start3A_93] : memref<320000x64xf32, #tpu.memory_space<hbm>> -> memref<16x64xf32, #tpu.memory_space<hbm>>
    %dma_start3A_95 = arith.constant 0 : i32
    %dma_start3A_96 = arith.constant 0 : i32
    %dma_start3A_97 = tpu.memref_slice %arg12[%dma_start3A_95, %dma_start3A_96] : memref<32x64xf32, #tpu.memory_space<vmem>> -> memref<16x64xf32, #tpu.memory_space<vmem>>
    tpu.enqueue_dma source(%dma_start3A_97 : memref<16x64xf32, #tpu.memory_space<vmem>>) target(%dma_start3A_94 : memref<16x64xf32, #tpu.memory_space<hbm>>) target_semaphore(%arg17 : memref<!tpu.dma_semaphore, #tpu.memory_space<semaphore_mem>>)
    %dma_wait3A_98 = arith.constant 0 : i32
    %dma_wait3A_99 = arith.constant 0 : i32
    %dma_wait3A_100 = tpu.memref_slice %arg12[%dma_wait3A_98, %dma_wait3A_99] : memref<32x64xf32, #tpu.memory_space<vmem>> -> memref<16x64xf32, #tpu.memory_space<vmem>>
    %dma_wait3A_101 = arith.constant 0 : i32
    %dma_wait3A_102 = arith.constant 0 : i32
    %dma_wait3A_103 = tpu.memref_slice %arg5[%dma_wait3A_101, %dma_wait3A_102] : memref<320000x64xf32, #tpu.memory_space<hbm>> -> memref<16x64xf32, #tpu.memory_space<hbm>>
    %dma_wait3A_104 = arith.constant 0 : i32
    %dma_wait3A_105 = arith.constant 0 : i32
    %dma_wait3A_106 = tpu.memref_slice %arg12[%dma_wait3A_104, %dma_wait3A_105] : memref<32x64xf32, #tpu.memory_space<vmem>> -> memref<16x64xf32, #tpu.memory_space<vmem>>
    %dma_wait3A_107 = arith.constant 0 : i32
    %dma_wait3A_108 = arith.constant 0 : i32
    %dma_wait3A_109 = tpu.memref_slice %arg5[%dma_wait3A_107, %dma_wait3A_108] : memref<320000x64xf32, #tpu.memory_space<hbm>> -> memref<16x64xf32, #tpu.memory_space<hbm>>
    tpu.wait_dma2 semaphore(%arg17 : memref<!tpu.dma_semaphore, #tpu.memory_space<semaphore_mem>>) src(%dma_wait3A_109 : memref<16x64xf32, #tpu.memory_space<hbm>>) dst(%dma_wait3A_106 : memref<16x64xf32, #tpu.memory_space<vmem>>)
    %dma_wait3A_110 = arith.constant 0 : i32
    %dma_wait3A_111 = arith.constant 0 : i32
    %dma_wait3A_112 = tpu.memref_slice %arg5[%dma_wait3A_110, %dma_wait3A_111] : memref<320000x64xf32, #tpu.memory_space<hbm>> -> memref<32x64xf32, #tpu.memory_space<hbm>>
    %dma_wait3A_113 = arith.constant 0 : i32
    %dma_wait3A_114 = arith.constant 0 : i32
    %dma_wait3A_115 = tpu.memref_slice %arg5[%dma_wait3A_113, %dma_wait3A_114] : memref<320000x64xf32, #tpu.memory_space<hbm>> -> memref<32x64xf32, #tpu.memory_space<hbm>>
    tpu.wait_dma2 semaphore(%arg18 : memref<!tpu.dma_semaphore, #tpu.memory_space<semaphore_mem>>) src(%dma_wait3A_115 : memref<32x64xf32, #tpu.memory_space<hbm>>) dst(%arg13 : memref<32x64xf32, #tpu.memory_space<vmem>>)
    return
  }
}

module attributes {stable_mosaic.version = 14 : i64} {
  func.func @_mm_body(%arg0: i32, %arg1: memref<1000x128xf32, #tpu.memory_space<vmem>>, %arg2: memref<128x64xf32, #tpu.memory_space<vmem>>, %arg3: memref<1x64xf32, #tpu.memory_space<vmem>>, %arg4: memref<1000x128xf32, #tpu.memory_space<vmem>>) attributes {dimension_semantics = [#tpu.dimension_semantics<arbitrary>], iteration_bounds = array<i64: 10>, scalar_prefetch = 0 : i64, scratch_operands = 0 : i64, tpu.core_type = #tpu.core_type<tc>, window_params = [{transform_indices = @transform_0, window_bounds = array<i64: 1000, 128>}, {pipeline_mode = #tpu.pipeline_mode<synchronous>, transform_indices = @transform_1, window_bounds = array<i64: 128, 64>}, {pipeline_mode = #tpu.pipeline_mode<synchronous>, transform_indices = @transform_2, window_bounds = array<i64: 1, 64>}, {transform_indices = @transform_3, window_bounds = array<i64: 1000, 128>}]} {
    %get3A = arith.constant 0 : index
    %get3A_0 = arith.constant 0 : index
    %get3A_1 = vector.load %arg1[%get3A, %get3A_0] : memref<1000x128xf32, #tpu.memory_space<vmem>>, vector<1000x128xf32>
    %get3A_2 = arith.constant 0 : index
    %get3A_3 = arith.constant 0 : index
    %get3A_4 = vector.load %arg2[%get3A_2, %get3A_3] : memref<128x64xf32, #tpu.memory_space<vmem>>, vector<128x64xf32>
    %dot_general3A = arith.constant dense<0.000000e+00> : vector<1000x64xf32>
    %dot_general3A_5 = tpu.matmul %get3A_1, %get3A_4, %dot_general3A {dimension_numbers = #tpu.dot_dimension_numbers<[1], [0], [0], [1], [0, 0, 1, 1], [], []>, transpose_lhs_hint = false} : vector<1000x128xf32>, vector<128x64xf32>, vector<1000x64xf32> -> vector<1000x64xf32>
    %get3A_6 = arith.constant 0 : index
    %get3A_7 = arith.constant 0 : index
    %get3A_8 = vector.load %arg3[%get3A_6, %get3A_7] : memref<1x64xf32, #tpu.memory_space<vmem>>, vector<1x64xf32>
    %add3A = vector.broadcast %get3A_8 : vector<1x64xf32> to vector<1000x64xf32>
    %add3A_9 = arith.addf %dot_general3A_5, %add3A : vector<1000x64xf32>
    %swap3A = arith.constant 0 : index
    %swap3A_10 = arith.constant 0 : index
    %swap3A_11 = vector.load %arg4[%swap3A, %swap3A_10] : memref<1000x128xf32, #tpu.memory_space<vmem>>, vector<1000x64xf32>
    tpu.vector_store %arg4[%swap3A, %swap3A_10], %add3A_9 {strides = array<i32>} : memref<1000x128xf32, #tpu.memory_space<vmem>>, vector<1000x64xf32>,
    %swap3A_12 = arith.constant 0 : index
    %swap3A_13 = arith.constant 64 : index
    %swap3A_14 = vector.load %arg4[%swap3A_12, %swap3A_13] : memref<1000x128xf32, #tpu.memory_space<vmem>>, vector<1000x64xf32>
    tpu.vector_store %arg4[%swap3A_12, %swap3A_13], %add3A_9 {strides = array<i32>} : memref<1000x128xf32, #tpu.memory_space<vmem>>, vector<1000x64xf32>,
    return
  }
  func.func @transform_0(%arg0: i32) -> (i32, i32) {
    %c0_i32 = arith.constant 0 : i32
    %c0_i32_0 = arith.constant 0 : i32
    return %arg0, %c0_i32 : i32, i32
  }
  func.func @transform_1(%arg0: i32) -> (i32, i32) {
    %c0_i32 = arith.constant 0 : i32
    %c0_i32_0 = arith.constant 0 : i32
    %c0_i32_1 = arith.constant 0 : i32
    return %c0_i32, %c0_i32_0 : i32, i32
  }
  func.func @transform_2(%arg0: i32) -> (i32, i32) {
    %c0_i32 = arith.constant 0 : i32
    %c0_i32_0 = arith.constant 0 : i32
    %c0_i32_1 = arith.constant 0 : i32
    return %c0_i32, %c0_i32_0 : i32, i32
  }
  func.func @transform_3(%arg0: i32) -> (i32, i32) {
    %c0_i32 = arith.constant 0 : i32
    %c0_i32_0 = arith.constant 0 : i32
    return %arg0, %c0_i32 : i32, i32
  }
}

</mosaic_0001>

<sc_bundles>
// kernel: kernel.5.cloned.1.call-start
scs
__scs_entry_jumppad:
0x0: {  	(pc) =	sbr.rel $0x88, $3  }
0x1: {  	(tag) =	ssettag $0x0;
	lr =	simm.s32 $0x1  }
0x2: {  	[smem:$0x3F9A] =	sst lr;
	_ =	strace $0xD0000000  }
0x3: {  	_ = 	snop  }
0x4: {  	_ = 	snop  }
0x5: {  	_ = 	snop  }
0x6: {  	_ = 	snop  }
0x7: {  	_ = 	snop  }
__scs_overlays_trampoline_lowered:
0x8: {  	[smem:$0x3FA9] =	sst s0  }
0x9: {  	[smem:$0x3FAA] =	sst s1  }
0xa: {  	[smem:$0x3FAB] =	sst s2  }
0xb: {  	[smem:$0x3FAC] =	sst s3  }
0xc: {  	[smem:$0x3FAD] =	sst s4  }
0xd: {  	[smem:$0x3FAE] =	sst s5  }
0xe: {  	[smem:$0x3FAF] =	sst s6  }
0xf: {  	[smem:$0x3FB0] =	sst s7  }
0x10: {  	[smem:$0x3FB1] =	sst s8  }
0x11: {  	[smem:$0x3FB2] =	sst s9;
	s0 =	simm.s32 @!p0 $0x0  }
0x12: {  	s1 =	sld [smem:$0x3F98];
	s0 =	simm.s32 @p0 $0x1  }
0x13: {  	[smem:$0x3FB3] =	sst s0;
	s0 =	simm.s32 @!p1 $0x0  }
0x14: {  	s2 =	sld [smem:$0x3F97];
	s0 =	simm.s32 @p1 $0x1  }
0x15: {  	[smem:$0x3FB4] =	sst s0;
	s0 =	simm.s32 @!p2 $0x0  }
0x16: {  	s3 =	sld [smem:$0x3FDB];
	s0 =	simm.s32 @p2 $0x1  }
0x17: {  	s4 =	simm.s32 $0x1BF5;
	[smem:$0x3FB6] =	sst s0  }
0x18: {  	s0 =	sld [smem:$0x3F99];
	_ =	swait.ge [sflag:s4], $0x0  }
0x19: {  	s7 =	sld [smem:$0x3F9A]  }
0x1a: {  	s8 =	sadd.s32 $0xFFFFE003, lr  }
0x1b: {  	s9 =	sadd.s32 $0xFFFFFEF7, lr;
	s5 =	simm.s32 $0xFFFFFFFF;
	p2 =	slt.u32 s8, $0xFFFFF086  }
0x1c: {  	p1 =	slt.u32 s9, $0xF7A;
	s5 =	simm.s32 @!p2 $0x0  }
0x1d: {  	s5 =	simm.s32 @p1 $0x1;
	p0 =	seq.s32 s7, s2  }
0x1e: {  	s7 =	smul.u32 @!p0 $0xF7A, s2;
	p2 =	seq.s32 @!p0 s5, $0x0  }
0x1f: {  	s9 =	smul.u32 $0xF7A, s1;
	s8 =	simm.s32 @!p0 $0x1BF5;
	p2 =	por !p2, p0  }
0x20: {  	[sflag:s8] =	ssyncset.s32 @!p0 $0xFFFFF086;
	s6 =	sadd.s32 @!p0 s3, s7;
	s7 =	simm.s32 @!p0 $0x108  }
0x21: {  	s3 =	sadd.s32 s3, s9;
	s6 =	sadd.s32 @!p0 $0x88, s6;
	s7 =	simm.s32 @p2 $0x1082  }
0x22: {  	[simem:s7], [sflag:s8] =	dma.local @!p0 [hbm:s6], $0xF7A  }
0x23: {  	s9 =	sor.u32 $0xD0000000, s2;
	s6 =	simm.s32 $0x108;
	_ =	swait.ge @!p0 [sflag:s8], $0x0  }
0x24: {  	s3 =	sadd.s32 $0x88, s3;
	s6 =	simm.s32 @!p1 $0x1082;
	[sflag:s4] =	ssyncset.s32 $0xFFFFF086  }
0x25: {  	[simem:s6], [sflag:s4] =	dma.local [hbm:s3], $0xF7A  }
0x26: {  	[smem:$0x3F9A] =	sst s1;
	(tag) =	ssettag s2;
	_ =	strace s9  }
0x27: {  	s1 =	sld [smem:$0x3FAA]  }
0x28: {  	s2 =	sld [smem:$0x3FAB]  }
0x29: {  	s4 =	sld [smem:$0x3FAD]  }
0x2a: {  	p0 =	seq.s32 s5, $0x0;
	s5 =	sld [smem:$0x3FAE]  }
0x2b: {  	s6 =	sld [smem:$0x3FAF]  }
0x2c: {  	s7 =	sld [smem:$0x3FB0]  }
0x2d: {  	s3 =	simm.s32 $0x108;
	s8 =	sld [smem:$0x3FB1]  }
0x2e: {  	s3 =	simm.s32 @!p0 $0x1082;
	s9 =	sld [smem:$0x3FB2]  }
0x2f: {  	lr =	sadd.s32 s0, s3;
	s0 =	sld [smem:$0x3FA9]  }
0x30: {  	s3 =	sld [smem:$0x3FAC]  }
0x31: {  	[smem:$0x3FB5] =	sst s10  }
0x32: {  	s10 =	sld [smem:$0x3FB3];
	_ =	sdelay $0x3  }
0x33: {  	p0 =	seq.s32 s10, $0x1;
	s10 =	sld [smem:$0x3FB5];
	_ =	sdelay $0x3  }
0x34: {  	[smem:$0x3FB5] =	sst s10  }
0x35: {  	s10 =	sld [smem:$0x3FB4];
	_ =	sdelay $0x3  }
0x36: {  	p1 =	seq.s32 s10, $0x1;
	s10 =	sld [smem:$0x3FB5];
	_ =	sdelay $0x3  }
0x37: {  	[smem:$0x3FB5] =	sst s10  }
0x38: {  	s10 =	sld [smem:$0x3FB6]  }
0x39: {  	_ = 	snop;
	(pc) =	sbr.ind lr, $3  }
0x3a: {  	_ = 	snop  }
0x3b: {  	_ = 	snop  }
0x3c: {  	p2 =	seq.s32 s10, $0x1;
	s10 =	sld [smem:$0x3FB5]  }
0x3d: {  	_ =	shalt  }
0x3e: {  	_ =	shalt  }
0x3f: {  	_ =	shalt  }
0x40: {  	_ =	shalt  }
0x41: {  	_ =	shalt  }
0x42: {  	_ =	shalt  }
0x43: {  	_ =	shalt  }
0x44: {  	_ =	shalt  }
0x45: {  	_ =	shalt  }
0x46: {  	_ =	shalt  }
0x47: {  	_ =	shalt  }
0x48: {  	_ =	shalt  }
0x49: {  	_ =	shalt  }
0x4a: {  	_ =	shalt  }
0x4b: {  	_ =	shalt  }
0x4c: {  	_ =	shalt  }
0x4d: {  	_ =	shalt  }
0x4e: {  	_ =	shalt  }
0x4f: {  	_ =	shalt  }
0x50: {  	_ =	shalt  }
0x51: {  	_ =	shalt  }
0x52: {  	_ =	shalt  }
0x53: {  	_ =	shalt  }
0x54: {  	_ =	shalt  }
0x55: {  	_ =	shalt  }
0x56: {  	_ =	shalt  }
0x57: {  	_ =	shalt  }
0x58: {  	_ =	shalt  }
0x59: {  	_ =	shalt  }
0x5a: {  	_ =	shalt  }
0x5b: {  	_ =	shalt  }
0x5c: {  	_ =	shalt  }
0x5d: {  	_ =	shalt  }
0x5e: {  	_ =	shalt  }
0x5f: {  	_ =	shalt  }
0x60: {  	_ =	shalt  }
0x61: {  	_ =	shalt  }
0x62: {  	_ =	shalt  }
0x63: {  	_ =	shalt  }
0x64: {  	_ =	shalt  }
0x65: {  	_ =	shalt  }
0x66: {  	_ =	shalt  }
0x67: {  	_ =	shalt  }
0x68: {  	_ =	shalt  }
0x69: {  	_ =	shalt  }
0x6a: {  	_ =	shalt  }
0x6b: {  	_ =	shalt  }
0x6c: {  	_ =	shalt  }
0x6d: {  	_ =	shalt  }
0x6e: {  	_ =	shalt  }
0x6f: {  	_ =	shalt  }
0x70: {  	_ =	shalt  }
0x71: {  	_ =	shalt  }
0x72: {  	_ =	shalt  }
0x73: {  	_ =	shalt  }
0x74: {  	_ =	shalt  }
0x75: {  	_ =	shalt  }
0x76: {  	_ =	shalt  }
0x77: {  	_ =	shalt  }
0x78: {  	_ =	shalt  }
0x79: {  	_ =	shalt  }
0x7a: {  	_ =	shalt  }
0x7b: {  	_ =	shalt  }
0x7c: {  	_ =	shalt  }
0x7d: {  	_ =	shalt  }
0x7e: {  	_ =	shalt  }
0x7f: {  	_ =	shalt  }
0x80: {  	_ =	shalt  }
0x81: {  	_ =	shalt  }
0x82: {  	_ =	shalt  }
0x83: {  	_ =	shalt  }
0x84: {  	_ =	shalt  }
0x85: {  	_ =	shalt  }
0x86: {  	_ =	shalt  }
0x87: {  	_ =	shalt  }
.Lfunc_end0:
.L_simem_size_0:
called_computation_lowered:
.L_overlay_start_0:
0x88: {  	s2 =	sld [smem:$0x3FD9]  }
0x89: {  	s3 =	sld [smem:$0x3FFE];
	_ =	sdelay $0x1  }
0x8a: {  	s1 =	srdreg.scid  }
0x8b: {  	s0 =	sand.u32 $0x1, s1  }
0x8c: {  	s14 =	sshll.u32 s0, $0xA;
	s2 =	sadd.s32 s3, s2  }
0x8d: {  	s2 =	sadd.s32 s2, s14  }
0x8e: {  	[smem:$0x3FC1] =	sst s2  }
0x8f: {  	_ = 	snop  }
0x90: {  	s2 =	sld [smem:$0x3FD0];
	_ =	sdelay $0x2  }
0x91: {  	s15 =	simm.s32 $0xB;
	s4 =	simm.s32 $0x10  }
0x92: {  	[smem:s4], [sflag:s15] =	dma.local [hbm:s2], $0x1  }
0x93: {  	_ =	swait.eq [sflag:s15], $0x1  }
0x94: {  	s16 =	sld [smem:$0x13];
	[sflag:s15] =	ssyncset.done $0x0  }
0x95: {  	s17 =	sld [smem:$0x14];
	[sflag:s15] =	ssyncadd.s32 $0xFFFFFFFF  }
0x96: {  	s18 =	sld [smem:$0x15];
	(tm) =	ssettm $0x1  }
0x97: {  	s5 =	sld [smem:$0x3FFB];
	_ =	sdelay $0x3  }
0x98: {  	_ =	strace s5  }
0x99: {  	s5 =	sld [smem:$0x3FFC];
	_ =	sdelay $0x3  }
0x9a: {  	_ =	strace s5  }
0x9b: {  	s5 =	sld [smem:$0x3FFD];
	_ =	sdelay $0x3  }
0x9c: {  	_ =	strace s5  }
0x9d: {  	_ =	strace $0x8FFFFFFF  }
0x9e: {  	s19 =	sld [smem:$0x3FDB];
	_ =	sdelay $0x1  }
0x9f: {  	s6 =	simm.s32 $_scs_section_size  }
0xa0: {  	s7 =	simm.s32 $_size__tile_overlayer_lowered;
	s8 =	simm.s32 $_tile_overlayer_lowered  }
0xa1: {  	s22 =	simm.s32 $0x1BFF;
	s21 =	sshll.u32 s8, $0x1;
	s5 =	sadd.s32 s6, s19  }
0xa2: {  	s9 =	simm.s32 $0x0;
	s20 =	sshll.u32 s7, $0x1;
	s7 =	sadd.s32 s21, s5  }
0xa3: {  	[timem:s9], [sflag:s22] =	dma.local [hbm:s7], s20  }
0xa4: {  	_ =	swait.ge [sflag:s22], s20  }
0xa5: {  	s6 =	ssub.s32 $0x0, s20;
	[sflag:s22] =	ssyncset.done $0x0  }
0xa6: {  	[sflag:s22] =	ssyncadd.s32 s6;
	_ =	sdelay $0x1  }
0xa7: {  	s23 =	simm.s32 $0x1B8B  }
0xa8: {  	_ =	swait.ge [sflag:s23], $0x1  }
0xa9: {  	[sflag:s23] =	ssyncset.done $0x0  }
0xaa: {  	s25 =	simm.s32 $0x1B8E;
	s24 =	sld [smem:$0x3FFE];
	[sflag:s23] =	ssyncadd.s32 $0xFFFFFFFF  }
0xab: {  	s26 =	simm.s32 $execute0_lowered;
	[smem:$0x3FD2] =	sst s25  }
0xac: {  	s7 =	sshll.u32 s26, $0x1;
	_ =	strace $0x80000046;
	[dreg:$0x1] =	wrdreg $0xFFFFFFFF  }
0xad: {  	s28 =	simm.s32 $_size_execute0_lowered;
	s5 =	sadd.s32 s5, s7;
	[dreg:$0x0] =	wrdreg $0x0  }
0xae: {  	s7 =	sshll.u32 s28, $0x1;
	[dreg:$0x2] =	wrdreg s5  }
0xaf: {  	[dreg:$0x3] =	wrdreg s7  }
0xb0: {  	[dreg:$0x4] =	wrdreg $0xC0  }
0xb1: {  	_ =	task [dreg:s9], $0x5FFFF  }
0xb2: {  	[dreg:$0x1] =	wrdreg $0xFFFFFFFF  }
0xb3: {  	[dreg:$0x0] =	wrdreg $0x60  }
0xb4: {  	[dreg:$0x2] =	wrdreg s16  }
0xb5: {  	[dreg:$0x3] =	wrdreg s17  }
0xb6: {  	[dreg:$0x4] =	wrdreg s18  }
0xb7: {  	[dreg:$0x5] =	wrdreg s24  }
0xb8: {  	[dreg:$0x6] =	wrdreg $0xAF000  }
0xb9: {  	[dreg:$0x7] =	wrdreg $0x9  }
0xba: {  	_ =	task.clear_ibuf [dreg:s9], $0x8FFFF;
	_ =	strace $0x90000046  }
0xbb: {  	s29 =	simm.s32 $0x9;
	_ =	strace $0x80000048  }
0xbc: {  	_ =	swait.ge [sflag:s29], $0x1  }
0xbd: {  	[sflag:s29] =	ssyncadd.s32 $0xFFFFFFFF  }
0xbe: {  	_ =	strace $0x90000048  }
0xbf: {  	_ =	sfence  }
0xc0: {  	s30 =	sld [smem:$0x0];
	_ =	sdelay $0x2  }
0xc1: {  	s31 =	sshll.u32 s1, $0xD;
	s1 =	sshrl.u32 s1, $0x2  }
0xc2: {  	s3 =	sand.u32 $0x4000, s31;
	s1 =	sadd.s32 s1, s30  }
0xc3: {  	s0 =	sor.u32 s3, s0;
	s1 =	sshll.u32 s1, $0x11  }
0xc4: {  	s0 =	sor.u32 s1, s0  }
0xc5: {  	s0 =	sadd.s32 $0x8F2B, s0  }
0xc6: {  	[sflag:s0] =	ssyncadd.remote.s32 $0x1  }
0xc7: {  	_ =	sfence.sel $0xFFFF  }
0xc8: {  	[dreg:$0x0] =	wrdreg $0xFFFFFFFF;
	(pc) =	sbr.abs _section_cstart, $3  }
0xc9: {  	[dreg:$0x1] =	wrdreg $0xFFFFFFFF  }
0xca: {  	_ =	task.clear_ibuf [dreg:s9], $0x2FFFF;
	_ =	strace $0x9FFFFFFF  }
0xcb: {  	(tm) =	ssettm $0x7FFFFFFF  }
tec
execute0_lowered:
.L_overlay_start_1:
0x0: {  	(tag) =	ssettag $0x1  }
0x1: {  	s0 =	rddreg [dreg:$0x0]  }
0x2: {  	s5 =	rddreg [dreg:$0x1]  }
0x3: {  	s7 =	rddreg [dreg:$0x2]  }
0x4: {  	s3 =	rddreg [dreg:$0x3]  }
0x5: {  	s1 =	rddreg [dreg:$0x4];
	s2 =	simm.s32 $0x0;
	s4 =	srdreg.scid  }
0x6: {  	s13 =	stileid.u32;
	s17 =	simm.s32 $0x20;
	s18 =	simm.s32 $0x4F00  }
0x7: {  	s19 =	simm.s32 $0x6F00;
	s20 =	simm.s32 $0x5F00;
	s22 =	simm.s32 $0x7F00  }
0x8: {  	s23 =	simm.s32 $0x1;
	s28 =	simm.s32 $0x10;
	s31 =	simm.s32 $0x3  }
0x9: {  	s21 =	simm.s32 $0x0;
	[smem:$0x7FF] =	sst s2;
	s4 =	sand.u32 $0x1, s4  }
0xa: {  	s6 =	sshll.u32 s13, $0x1;
	s24 =	smul.u32 $0x4E000, s13;
	s3 =	sadd.s32 $0x400, s3  }
0xb: {  	s25 =	smul.u32 $0x2700, s13;
	s26 =	sshll.u32 s13, $0x6;
	s15 =	sadd.s32 $0x138000, s1  }
0xc: {  	p0 =	sne.s32 s13, $0x0;
	s8 =	ssub.s32 $0x2, s4;
	s4 =	sor.u32 s4, s6  }
0xd: {  	_ =	strace $0x80000047;
	s15 =	sshrl.u32 @!p0 s15, $0x3;
	s10 =	smul.u32 $0x2710, s4  }
0xe: {  	s9 =	sshrl.u32 s8, $0x1;
	s6 =	sshrl.u32 s24, $0x2;
	s4 =	smul.u32 $0x138800, s4  }
0xf: {  	s24 =	simm.s32 $0x8F00;
	s12 =	ssub.s32 s8, s9;
	s14 =	sadd.s32 s6, s1  }
0x10: {  	s8 =	sadd.s32 s0, s25;
	s6 =	sor.u32 $0x1C05, s26;
	s0 =	sadd.s32 $0x27000, s0  }
0x11: {  	s25 =	simm.s32 $0x2;
	s26 =	simm.s32 $0x9F00;
	[dreg:$0x6] =	wrdreg s8  }
0x12: {  	[dreg:$0x7] =	wrdreg s0;
	s29 =	sshrl.u32 s10, $0x3;
	s11 =	sshrl.u32 s4, $0x3  }
0x13: {  	s10 =	sadd.s32 $0x20, s10;
	s12 =	smax.u32 s12, $0x1;
	s13 =	sshrl.u32 s14, $0x3  }
0x14: {  	s14 =	simm.s32 $0x5;
	s0 =	simm.s32 $0x4;
	s30 =	sadd.s32 s3, s11  }
0x15: {  	s8 =	sadd.s32 s5, s29;
	s9 =	sadd.s32 s7, s29;
	s11 =	sadd.s32 $0x27000, s30  }
.LBB2_1:
0x16: {  	s5 =	rddreg [dreg:$0x6]  }
0x17: {  	[spmem:s13], [sflag:s6] =	dma.local [hbm:s5], $0x2700  }
0x18: {  	_ =	swait.ge [sflag:s14], $0x2700  }
0x19: {  	[sflag:s14] =	ssyncset.done $0x0  }
0x1a: {  	s5 =	rddreg [dreg:$0x7];
	[sflag:s14] =	ssyncadd.s32 $0xFFFFD900  }
0x1b: {  	[spmem:s15], [sflag:s6] =	dma.local @!p0 [hbm:s5], $0x100  }
0x1c: {  	s5 =	simm.s32 @!p0 $0x5  }
0x1d: {  	_ =	swait.ge @!p0 [sflag:s5], $0x100  }
0x1e: {  	[sflag:s5] =	ssyncset.done @!p0 $0x0  }
0x1f: {  	[sflag:s5] =	ssyncadd.s32 @!p0 $0xFFFFFF00  }
0x20: {  	[bflag:$0x0] =	sbarrier.arrive $0xFFFF  }
0x21: {  	[tilespmem:s2], [sflag:$0x5] =	stream.linear.gather [hbm4b:s8+s2], $0x2710, $0x38;
	[tilespmem:$0x1E780] =	vst v63  }
0x22: {  	_ =	swait.ge [sflag:s14], $0x2710  }
0x23: {  	[sflag:s14] =	ssyncset.done $0x0  }
0x24: {  	s16 =	simm.s32 $0x2780;
	[sflag:s14] =	ssyncadd.s32 $0xFFFFD8F0  }
0x25: {  	[tilespmem:s16], [sflag:$0x5] =	stream.linear.gather [hbm4b:s9+s2], $0x2710, $0x38;
	[tilespmem:$0x1E780] =	vst v63  }
0x26: {  	_ =	swait.ge [sflag:s14], $0x2710  }
0x27: {  	[sflag:s14] =	ssyncset.done $0x0  }
0x28: {  	[sflag:s14] =	ssyncadd.s32 $0xFFFFD8F0  }
0x29: {  	[tilespmem:s18], [sflag:$0x1] =	stream.indirect.gather [spmem:s1], $0x80, s2, s17, $0xb8;
	[tilespmem:$0x1E780] =	vst v63  }
0x2a: {  	_ = 	snop  }
0x2b: {  	[tilespmem:s19], [sflag:$0x1] =	stream.indirect.gather [spmem:s1], $0x80, s16, s17, $0xb8;
	[tilespmem:$0x1E780] =	vst v63  }
0x2c: {  	_ = 	snop  }
0x2d: {  	[tilespmem:s20], [sflag:$0x2] =	stream.indirect.gather [spmem:s1], $0x80, s17, s17, $0xb8;
	[tilespmem:$0x1E780] =	vst v63  }
0x2e: {  	s30 =	simm.s32 $0x27A0;
	s29 =	simm.s32 $0x0  }
0x2f: {  	[tilespmem:s22], [sflag:$0x2] =	stream.indirect.gather [spmem:s1], $0x80, s30, s17, $0xb8;
	[tilespmem:$0x1E780] =	vst v63  }
.LBB2_2:
0x30: {  	_ =	swait.ge [sflag:s23], $0x1000  }
0x31: {  	[sflag:s23] =	ssyncset.done $0x0  }
0x32: {  	[sflag:s23] =	ssyncadd.s32 $0xFFFFF000  }
0x33: {  	_ =	swait.ge [sflag:s23], $0x1000  }
0x34: {  	p1 =	seq.s32 s29, $0x0;
	[sflag:s23] =	ssyncset.done $0x0  }
0x35: {  	s5 =	simm.s32 @!p1 $0x3;
	[sflag:s23] =	ssyncadd.s32 $0xFFFFF000  }
0x36: {  	_ =	swait.ge @!p1 [sflag:s5], $0x1000  }
0x37: {  	[sflag:s5] =	ssyncset.done @!p1 $0x0  }
0x38: {  	[sflag:s5] =	ssyncadd.s32 @!p1 $0xFFFFF000;
	s5 =	simm.s32 $0x0  }
0x39: {  	v0 =	vld [tilespmem:s5+$0x50B0]  }
0x3a: {  	v1 =	vld [tilespmem:s5+$0x70B0]  }
0x3b: {  	v2 =	vld [tilespmem:s5+$0x4F00]  }
0x3c: {  	v3 =	vld [tilespmem:s5+$0x6F00]  }
0x3d: {  	v4 =	vld [tilespmem:s5+$0x4F10]  }
0x3e: {  	v5 =	vld [tilespmem:s5+$0x6F10]  }
0x3f: {  	v6 =	vld [tilespmem:s5+$0x4F20]  }
0x40: {  	v0 =	vsub.f32 v0, v1;
	v1 =	vld [tilespmem:s5+$0x6F20]  }
0x41: {  	v7 =	vld [tilespmem:s5+$0x4F30]  }
0x42: {  	v2 =	vsub.f32 v2, v3;
	v3 =	vld [tilespmem:s5+$0x6F30]  }
0x43: {  	v4 =	vsub.f32 v4, v5;
	v5 =	vld [tilespmem:s5+$0x4F90];
	v0 =	vand.u32 $0x7FFFFFFF, v0  }
0x44: {  	[tilespmem:s5+$0x90B0] =	vst v0;
	v0 =	vand.u32 $0x7FFFFFFF, v2;
	v2 =	vld [tilespmem:s5+$0x4F80]  }
0x45: {  	v4 =	vand.u32 $0x7FFFFFFF, v4;
	[tilespmem:s5+$0x8F00] =	vst v0;
	v0 =	vld [tilespmem:s5+$0x6F80];
	v1 =	vsub.f32 v6, v1  }
0x46: {  	[tilespmem:s5+$0x8F10] =	vst v4;
	v4 =	vld [tilespmem:s5+$0x6F90]  }
0x47: {  	v6 =	vld [tilespmem:s5+$0x4FA0];
	v1 =	vand.u32 $0x7FFFFFFF, v1  }
0x48: {  	v3 =	vsub.f32 v7, v3;
	[tilespmem:s5+$0x8F20] =	vst v1;
	v1 =	vld [tilespmem:s5+$0x6FA0]  }
0x49: {  	v7 =	vld [tilespmem:s5+$0x4FB0]  }
0x4a: {  	v3 =	vand.u32 $0x7FFFFFFF, v3;
	v0 =	vsub.f32 v2, v0;
	v2 =	vld [tilespmem:s5+$0x6FB0]  }
0x4b: {  	[tilespmem:s5+$0x8F30] =	vst v3;
	v3 =	vld [tilespmem:s5+$0x5000];
	v4 =	vsub.f32 v5, v4  }
0x4c: {  	v5 =	vld [tilespmem:s5+$0x5010];
	v0 =	vand.u32 $0x7FFFFFFF, v0  }
0x4d: {  	v4 =	vand.u32 $0x7FFFFFFF, v4;
	[tilespmem:s5+$0x8F80] =	vst v0;
	v0 =	vld [tilespmem:s5+$0x7000];
	v1 =	vsub.f32 v6, v1  }
0x4e: {  	[tilespmem:s5+$0x8F90] =	vst v4;
	v4 =	vld [tilespmem:s5+$0x7010]  }
0x4f: {  	v6 =	vld [tilespmem:s5+$0x5020];
	v2 =	vsub.f32 v7, v2;
	v1 =	vand.u32 $0x7FFFFFFF, v1  }
0x50: {  	[tilespmem:s5+$0x8FA0] =	vst v1;
	v1 =	vld [tilespmem:s5+$0x7020]  }
0x51: {  	v7 =	vld [tilespmem:s5+$0x5030];
	v2 =	vand.u32 $0x7FFFFFFF, v2  }
0x52: {  	v0 =	vsub.f32 v3, v0;
	[tilespmem:s5+$0x8FB0] =	vst v2;
	v2 =	vld [tilespmem:s5+$0x7030]  }
0x53: {  	v8 =	vld [tilespmem:s5+$0x5080];
	v3 =	vsub.f32 v5, v4  }
0x54: {  	v5 =	vld [tilespmem:s5+$0x7080];
	v0 =	vand.u32 $0x7FFFFFFF, v0  }
0x55: {  	v3 =	vand.u32 $0x7FFFFFFF, v3;
	[tilespmem:s5+$0x9000] =	vst v0;
	v0 =	vld [tilespmem:s5+$0x5090];
	v1 =	vsub.f32 v6, v1  }
0x56: {  	[tilespmem:s5+$0x9010] =	vst v3;
	v3 =	vld [tilespmem:s5+$0x7090]  }
0x57: {  	v6 =	vsub.f32 v7, v2;
	v4 =	vand.u32 $0x7FFFFFFF, v1;
	v1 =	vld [tilespmem:s5+$0x50A0]  }
0x58: {  	s7 =	simm.s32 $0x200;
	[tilespmem:s5+$0x9020] =	vst v4;
	v4 =	vld [tilespmem:s5+$0x70A0]  }
0x59: {  	s30 =	sshll.u32 s29, $0x6;
	s16 =	simm.s32 $0x1000;
	v5 =	vsub.f32 v8, v5;
	v6 =	vand.u32 $0x7FFFFFFF, v6;
	v2 =	vld [tilespmem:s7+$0x50B0]  }
.LBB2_3:
0x5a: {  	p2 =	sne.s32 s16, $0x3800;
	v7 =	vld [tilespmem:s7+$0x70B0];
	[tilespmem:s5+$0x9030] =	vst v6  }
0x5b: {  	v6 =	vld [tilespmem:s7+$0x4F00];
	v5 =	vand.u32 $0x7FFFFFFF, v5;
	v0 =	vsub.f32 v0, v3  }
0x5c: {  	v3 =	vld [tilespmem:s7+$0x6F00];
	[tilespmem:s5+$0x9080] =	vst v5  }
0x5d: {  	v5 =	vld [tilespmem:s7+$0x4F10];
	v0 =	vand.u32 $0x7FFFFFFF, v0;
	v1 =	vsub.f32 v1, v4  }
0x5e: {  	v4 =	vld [tilespmem:s7+$0x6F10];
	[tilespmem:s5+$0x9090] =	vst v0  }
0x5f: {  	v0 =	vld [tilespmem:s7+$0x4F20];
	v2 =	vsub.f32 v2, v7;
	v1 =	vand.u32 $0x7FFFFFFF, v1  }
0x60: {  	v7 =	vld [tilespmem:s7+$0x6F20];
	[tilespmem:s5+$0x90A0] =	vst v1;
	s5 =	smov.u32 s7  }
0x61: {  	v1 =	vsub.f32 v6, v3;
	v3 =	vld [tilespmem:s5+$0x4F30];
	v2 =	vand.u32 $0x7FFFFFFF, v2  }
0x62: {  	v6 =	vld [tilespmem:s5+$0x6F30];
	[tilespmem:s5+$0x90B0] =	vst v2  }
0x63: {  	v1 =	vand.u32 $0x7FFFFFFF, v1;
	v2 =	vsub.f32 v5, v4;
	v4 =	vld [tilespmem:s5+$0x4F80]  }
0x64: {  	[tilespmem:s5+$0x8F00] =	vst v1;
	v1 =	vld [tilespmem:s5+$0x6F80]  }
0x65: {  	v2 =	vand.u32 $0x7FFFFFFF, v2;
	v0 =	vsub.f32 v0, v7;
	v5 =	vld [tilespmem:s5+$0x4F90]  }
0x66: {  	[tilespmem:s5+$0x8F10] =	vst v2;
	v2 =	vld [tilespmem:s5+$0x6F90]  }
0x67: {  	v0 =	vand.u32 $0x7FFFFFFF, v0;
	v3 =	vsub.f32 v3, v6;
	v6 =	vld [tilespmem:s5+$0x4FA0]  }
0x68: {  	[tilespmem:s5+$0x8F20] =	vst v0;
	v0 =	vld [tilespmem:s5+$0x6FA0]  }
0x69: {  	v3 =	vand.u32 $0x7FFFFFFF, v3;
	v1 =	vsub.f32 v4, v1;
	v4 =	vld [tilespmem:s5+$0x4FB0]  }
0x6a: {  	[tilespmem:s5+$0x8F30] =	vst v3;
	v3 =	vld [tilespmem:s5+$0x6FB0]  }
0x6b: {  	v1 =	vand.u32 $0x7FFFFFFF, v1;
	v2 =	vsub.f32 v5, v2;
	v5 =	vld [tilespmem:s5+$0x5000]  }
0x6c: {  	[tilespmem:s5+$0x8F80] =	vst v1;
	v1 =	vld [tilespmem:s5+$0x7000]  }
0x6d: {  	v2 =	vand.u32 $0x7FFFFFFF, v2;
	v0 =	vsub.f32 v6, v0;
	v6 =	vld [tilespmem:s5+$0x5010]  }
0x6e: {  	[tilespmem:s5+$0x8F90] =	vst v2;
	v2 =	vld [tilespmem:s5+$0x7010]  }
0x6f: {  	v0 =	vand.u32 $0x7FFFFFFF, v0;
	v3 =	vsub.f32 v4, v3;
	v4 =	vld [tilespmem:s5+$0x5020]  }
0x70: {  	[tilespmem:s5+$0x8FA0] =	vst v0;
	v0 =	vld [tilespmem:s5+$0x7020]  }
0x71: {  	v3 =	vand.u32 $0x7FFFFFFF, v3;
	v1 =	vsub.f32 v5, v1;
	v5 =	vld [tilespmem:s5+$0x5030]  }
0x72: {  	[tilespmem:s5+$0x8FB0] =	vst v3;
	v7 =	vld [tilespmem:s5+$0x7030]  }
0x73: {  	v1 =	vand.u32 $0x7FFFFFFF, v1;
	v2 =	vsub.f32 v6, v2;
	v8 =	vld [tilespmem:s5+$0x5080]  }
0x74: {  	[tilespmem:s5+$0x9000] =	vst v1;
	v9 =	vld [tilespmem:s5+$0x7080]  }
.Ltmp0:
0x75: {  	v1 =	vand.u32 $0x7FFFFFFF, v2;
	v2 =	vsub.f32 v4, v0;
	v0 =	vld [tilespmem:s5+$0x5090];
	(pc) =	sbr.rel @p2 .LBB2_3-.Ltmp0, $4  }
0x76: {  	[tilespmem:s5+$0x9010] =	vst v1;
	v3 =	vld [tilespmem:s5+$0x7090]  }
0x77: {  	v2 =	vand.u32 $0x7FFFFFFF, v2;
	v5 =	vsub.f32 v5, v7;
	v1 =	vld [tilespmem:s5+$0x50A0]  }
0x78: {  	s7 =	sshra.s32 s16, $0x2;
	[tilespmem:s5+$0x9020] =	vst v2;
	v4 =	vld [tilespmem:s5+$0x70A0]  }
0x79: {  	s16 =	sadd.s32 $0x800, s16;
	v2 =	vld [tilespmem:s7+$0x50B0];
	v6 =	vand.u32 $0x7FFFFFFF, v5;
	v5 =	vsub.f32 v8, v9  }
0x7a: {  	v7 =	vld [tilespmem:s7+$0x70B0];
	[tilespmem:s5+$0x9030] =	vst v6  }
0x7b: {  	v6 =	vld [tilespmem:s7+$0x4F00];
	v5 =	vand.u32 $0x7FFFFFFF, v5;
	v0 =	vsub.f32 v0, v3  }
0x7c: {  	v8 =	vld [tilespmem:s7+$0x6F00];
	[tilespmem:s5+$0x9080] =	vst v5  }
0x7d: {  	v3 =	vld [tilespmem:s7+$0x4F10];
	v0 =	vand.u32 $0x7FFFFFFF, v0;
	v1 =	vsub.f32 v1, v4  }
0x7e: {  	v5 =	vld [tilespmem:s7+$0x6F10];
	[tilespmem:s5+$0x9090] =	vst v0  }
0x7f: {  	v0 =	vld [tilespmem:s7+$0x4F20];
	v1 =	vand.u32 $0x7FFFFFFF, v1  }
0x80: {  	v4 =	vld [tilespmem:s7+$0x6F20];
	v2 =	vsub.f32 v2, v7;
	[tilespmem:s5+$0x90A0] =	vst v1  }
0x81: {  	v6 =	vsub.f32 v6, v8;
	v1 =	vld [tilespmem:s7+$0x4F30]  }
0x82: {  	v2 =	vand.u32 $0x7FFFFFFF, v2;
	v7 =	vld [tilespmem:s7+$0x6F30]  }
0x83: {  	[tilespmem:s7+$0x90B0] =	vst v2;
	v2 =	vand.u32 $0x7FFFFFFF, v6;
	v6 =	vld [tilespmem:s7+$0x4F80]  }
0x84: {  	v3 =	vsub.f32 v3, v5;
	v5 =	vld [tilespmem:s7+$0x4F90]  }
0x85: {  	[tilespmem:s7+$0x8F00] =	vst v2;
	v2 =	vld [tilespmem:s7+$0x6F80];
	v0 =	vsub.f32 v0, v4  }
0x86: {  	v3 =	vand.u32 $0x7FFFFFFF, v3;
	v4 =	vld [tilespmem:s7+$0x4FA0]  }
0x87: {  	[tilespmem:s7+$0x8F10] =	vst v3;
	v3 =	vld [tilespmem:s7+$0x6F90];
	v0 =	vand.u32 $0x7FFFFFFF, v0  }
0x88: {  	v1 =	vsub.f32 v1, v7;
	[tilespmem:s7+$0x8F20] =	vst v0;
	v0 =	vld [tilespmem:s7+$0x6FA0]  }
0x89: {  	v7 =	vld [tilespmem:s7+$0x4FB0]  }
0x8a: {  	v1 =	vand.u32 $0x7FFFFFFF, v1;
	v2 =	vsub.f32 v6, v2;
	v6 =	vld [tilespmem:s7+$0x5000]  }
0x8b: {  	[tilespmem:s7+$0x8F30] =	vst v1;
	v1 =	vld [tilespmem:s7+$0x6FB0]  }
0x8c: {  	v2 =	vand.u32 $0x7FFFFFFF, v2;
	v3 =	vsub.f32 v5, v3;
	v5 =	vld [tilespmem:s7+$0x5010]  }
0x8d: {  	[tilespmem:s7+$0x8F80] =	vst v2;
	v2 =	vld [tilespmem:s7+$0x7000];
	v0 =	vsub.f32 v4, v0  }
0x8e: {  	v3 =	vand.u32 $0x7FFFFFFF, v3;
	v4 =	vld [tilespmem:s7+$0x5020]  }
0x8f: {  	[tilespmem:s7+$0x8F90] =	vst v3;
	v3 =	vld [tilespmem:s7+$0x7010];
	v0 =	vand.u32 $0x7FFFFFFF, v0  }
0x90: {  	v1 =	vsub.f32 v7, v1;
	[tilespmem:s7+$0x8FA0] =	vst v0;
	v0 =	vld [tilespmem:s7+$0x7020]  }
0x91: {  	v7 =	vld [tilespmem:s7+$0x5030]  }
0x92: {  	v1 =	vand.u32 $0x7FFFFFFF, v1;
	v2 =	vsub.f32 v6, v2;
	v6 =	vld [tilespmem:s7+$0x5080]  }
0x93: {  	[tilespmem:s7+$0x8FB0] =	vst v1;
	v1 =	vld [tilespmem:s7+$0x7030]  }
0x94: {  	v2 =	vand.u32 $0x7FFFFFFF, v2;
	v3 =	vsub.f32 v5, v3;
	v5 =	vld [tilespmem:s7+$0x5090]  }
0x95: {  	[tilespmem:s7+$0x9000] =	vst v2;
	v2 =	vld [tilespmem:s7+$0x7080];
	v0 =	vsub.f32 v4, v0  }
0x96: {  	v3 =	vand.u32 $0x7FFFFFFF, v3;
	v4 =	vld [tilespmem:s7+$0x50A0]  }
0x97: {  	[tilespmem:s7+$0x9010] =	vst v3;
	v3 =	vld [tilespmem:s7+$0x7090];
	v0 =	vand.u32 $0x7FFFFFFF, v0  }
0x98: {  	[tilespmem:s7+$0x9020] =	vst v0;
	v0 =	vld [tilespmem:s7+$0x70A0];
	_ =	sdelay $0x1  }
0x99: {  	v1 =	vsub.f32 v7, v1  }
0x9a: {  	v2 =	vsub.f32 v6, v2  }
0x9b: {  	v1 =	vand.u32 $0x7FFFFFFF, v1;
	v3 =	vsub.f32 v5, v3  }
0x9c: {  	s16 =	sshll.u32 s29, $0xD;
	[tilespmem:s7+$0x9030] =	vst v1;
	v1 =	vand.u32 $0x7FFFFFFF, v2;
	v0 =	vsub.f32 v4, v0  }
0x9d: {  	s5 =	sadd.s32 s4, s16;
	[tilespmem:s7+$0x9080] =	vst v1;
	v1 =	vand.u32 $0x7FFFFFFF, v3  }
0x9e: {  	s5 =	sshrl.u32 s5, $0x3;
	[tilespmem:s7+$0x9090] =	vst v1;
	v0 =	vand.u32 $0x7FFFFFFF, v0  }
0x9f: {  	p2 =	seq.s32 s29, $0x9B;
	s5 =	sadd.s32 s3, s5;
	[tilespmem:s7+$0x90A0] =	vst v0  }
0xa0: {  	[hbm4b:s5+s2] =	stream.linear.scatter [tilespmem:s24], [sflag:$0x3], $0x1000, $0x38;
	[tilespmem:$0x1E780] =	vst v63  }
0xa1: {  	s16 =	simm.s32 @!p2 $0x4F00;
	s7 =	simm.s32 @!p2 $0x20;
	s5 =	sadd.s32 @!p2 $0x40, s30  }
0xa2: {  	[tilespmem:s16], [sflag:$0x1] =	stream.indirect.gather @!p2 [spmem:s1], $0x80, s5, s7, $0xb8;
	[tilespmem:$0x1E780] =	vst v63  }
0xa3: {  	s5 =	sadd.s32 @!p2 $0x27C0, s30;
	s16 =	simm.s32 @!p2 $0x6F00  }
0xa4: {  	[tilespmem:s16], [sflag:$0x1] =	stream.indirect.gather @!p2 [spmem:s1], $0x80, s5, s7, $0xb8;
	[tilespmem:$0x1E780] =	vst v63  }
0xa5: {  	_ =	swait.ge [sflag:s25], $0x1000  }
0xa6: {  	[sflag:s25] =	ssyncset.done $0x0  }
0xa7: {  	[sflag:s25] =	ssyncadd.s32 $0xFFFFF000  }
0xa8: {  	_ =	swait.ge [sflag:s25], $0x1000  }
0xa9: {  	[sflag:s25] =	ssyncset.done $0x0  }
0xaa: {  	s5 =	simm.s32 @!p1 $0x4;
	[sflag:s25] =	ssyncadd.s32 $0xFFFFF000  }
0xab: {  	_ =	swait.ge @!p1 [sflag:s5], $0x1000  }
0xac: {  	[sflag:s5] =	ssyncset.done @!p1 $0x0  }
0xad: {  	[sflag:s5] =	ssyncadd.s32 @!p1 $0xFFFFF000;
	s5 =	simm.s32 $0x0  }
0xae: {  	v0 =	vld [tilespmem:s5+$0x60B0]  }
0xaf: {  	v1 =	vld [tilespmem:s5+$0x80B0]  }
0xb0: {  	v2 =	vld [tilespmem:s5+$0x5F00]  }
0xb1: {  	v3 =	vld [tilespmem:s5+$0x7F00]  }
0xb2: {  	v4 =	vld [tilespmem:s5+$0x5F10]  }
0xb3: {  	v5 =	vld [tilespmem:s5+$0x7F10]  }
0xb4: {  	v6 =	vld [tilespmem:s5+$0x5F20]  }
0xb5: {  	v0 =	vsub.f32 v0, v1;
	v1 =	vld [tilespmem:s5+$0x7F20]  }
0xb6: {  	v7 =	vld [tilespmem:s5+$0x5F30]  }
0xb7: {  	v2 =	vsub.f32 v2, v3;
	v3 =	vld [tilespmem:s5+$0x7F30]  }
0xb8: {  	v4 =	vsub.f32 v4, v5;
	v5 =	vld [tilespmem:s5+$0x5F90];
	v0 =	vand.u32 $0x7FFFFFFF, v0  }
0xb9: {  	[tilespmem:s5+$0xA0B0] =	vst v0;
	v0 =	vand.u32 $0x7FFFFFFF, v2;
	v2 =	vld [tilespmem:s5+$0x5F80]  }
0xba: {  	v4 =	vand.u32 $0x7FFFFFFF, v4;
	[tilespmem:s5+$0x9F00] =	vst v0;
	v0 =	vld [tilespmem:s5+$0x7F80];
	v1 =	vsub.f32 v6, v1  }
0xbb: {  	[tilespmem:s5+$0x9F10] =	vst v4;
	v4 =	vld [tilespmem:s5+$0x7F90]  }
0xbc: {  	v6 =	vld [tilespmem:s5+$0x5FA0];
	v1 =	vand.u32 $0x7FFFFFFF, v1  }
0xbd: {  	v3 =	vsub.f32 v7, v3;
	[tilespmem:s5+$0x9F20] =	vst v1;
	v1 =	vld [tilespmem:s5+$0x7FA0]  }
0xbe: {  	v7 =	vld [tilespmem:s5+$0x5FB0]  }
0xbf: {  	v3 =	vand.u32 $0x7FFFFFFF, v3;
	v0 =	vsub.f32 v2, v0;
	v2 =	vld [tilespmem:s5+$0x7FB0]  }
0xc0: {  	[tilespmem:s5+$0x9F30] =	vst v3;
	v3 =	vld [tilespmem:s5+$0x6000];
	v4 =	vsub.f32 v5, v4  }
0xc1: {  	v5 =	vld [tilespmem:s5+$0x6010];
	v0 =	vand.u32 $0x7FFFFFFF, v0  }
0xc2: {  	v4 =	vand.u32 $0x7FFFFFFF, v4;
	[tilespmem:s5+$0x9F80] =	vst v0;
	v0 =	vld [tilespmem:s5+$0x8000];
	v1 =	vsub.f32 v6, v1  }
0xc3: {  	[tilespmem:s5+$0x9F90] =	vst v4;
	v4 =	vld [tilespmem:s5+$0x8010]  }
0xc4: {  	v6 =	vld [tilespmem:s5+$0x6020];
	v2 =	vsub.f32 v7, v2;
	v1 =	vand.u32 $0x7FFFFFFF, v1  }
0xc5: {  	[tilespmem:s5+$0x9FA0] =	vst v1;
	v1 =	vld [tilespmem:s5+$0x8020]  }
0xc6: {  	v7 =	vld [tilespmem:s5+$0x6030];
	v2 =	vand.u32 $0x7FFFFFFF, v2  }
0xc7: {  	v0 =	vsub.f32 v3, v0;
	[tilespmem:s5+$0x9FB0] =	vst v2;
	v2 =	vld [tilespmem:s5+$0x8030]  }
0xc8: {  	v8 =	vld [tilespmem:s5+$0x6080];
	v3 =	vsub.f32 v5, v4  }
0xc9: {  	v5 =	vld [tilespmem:s5+$0x8080];
	v0 =	vand.u32 $0x7FFFFFFF, v0  }
0xca: {  	v3 =	vand.u32 $0x7FFFFFFF, v3;
	[tilespmem:s5+$0xA000] =	vst v0;
	v0 =	vld [tilespmem:s5+$0x6090];
	v1 =	vsub.f32 v6, v1  }
0xcb: {  	[tilespmem:s5+$0xA010] =	vst v3;
	v3 =	vld [tilespmem:s5+$0x8090]  }
0xcc: {  	v6 =	vsub.f32 v7, v2;
	v4 =	vand.u32 $0x7FFFFFFF, v1;
	v1 =	vld [tilespmem:s5+$0x60A0]  }
0xcd: {  	s7 =	simm.s32 $0x200;
	[tilespmem:s5+$0xA020] =	vst v4;
	v4 =	vld [tilespmem:s5+$0x80A0]  }
0xce: {  	s16 =	simm.s32 $0x1000;
	v5 =	vsub.f32 v8, v5;
	v6 =	vand.u32 $0x7FFFFFFF, v6;
	v2 =	vld [tilespmem:s7+$0x60B0]  }
.LBB2_5:
0xcf: {  	p1 =	sne.s32 s16, $0x3800;
	v7 =	vld [tilespmem:s7+$0x80B0];
	[tilespmem:s5+$0xA030] =	vst v6  }
0xd0: {  	v6 =	vld [tilespmem:s7+$0x5F00];
	v5 =	vand.u32 $0x7FFFFFFF, v5;
	v0 =	vsub.f32 v0, v3  }
0xd1: {  	v3 =	vld [tilespmem:s7+$0x7F00];
	[tilespmem:s5+$0xA080] =	vst v5  }
0xd2: {  	v5 =	vld [tilespmem:s7+$0x5F10];
	v0 =	vand.u32 $0x7FFFFFFF, v0;
	v1 =	vsub.f32 v1, v4  }
0xd3: {  	v4 =	vld [tilespmem:s7+$0x7F10];
	[tilespmem:s5+$0xA090] =	vst v0  }
0xd4: {  	v0 =	vld [tilespmem:s7+$0x5F20];
	v2 =	vsub.f32 v2, v7;
	v1 =	vand.u32 $0x7FFFFFFF, v1  }
0xd5: {  	v7 =	vld [tilespmem:s7+$0x7F20];
	[tilespmem:s5+$0xA0A0] =	vst v1;
	s5 =	smov.u32 s7  }
0xd6: {  	v1 =	vsub.f32 v6, v3;
	v3 =	vld [tilespmem:s5+$0x5F30];
	v2 =	vand.u32 $0x7FFFFFFF, v2  }
0xd7: {  	v6 =	vld [tilespmem:s5+$0x7F30];
	[tilespmem:s5+$0xA0B0] =	vst v2  }
0xd8: {  	v1 =	vand.u32 $0x7FFFFFFF, v1;
	v2 =	vsub.f32 v5, v4;
	v4 =	vld [tilespmem:s5+$0x5F80]  }
0xd9: {  	[tilespmem:s5+$0x9F00] =	vst v1;
	v1 =	vld [tilespmem:s5+$0x7F80]  }
0xda: {  	v2 =	vand.u32 $0x7FFFFFFF, v2;
	v0 =	vsub.f32 v0, v7;
	v5 =	vld [tilespmem:s5+$0x5F90]  }
0xdb: {  	[tilespmem:s5+$0x9F10] =	vst v2;
	v2 =	vld [tilespmem:s5+$0x7F90]  }
0xdc: {  	v0 =	vand.u32 $0x7FFFFFFF, v0;
	v3 =	vsub.f32 v3, v6;
	v6 =	vld [tilespmem:s5+$0x5FA0]  }
0xdd: {  	[tilespmem:s5+$0x9F20] =	vst v0;
	v0 =	vld [tilespmem:s5+$0x7FA0]  }
0xde: {  	v3 =	vand.u32 $0x7FFFFFFF, v3;
	v1 =	vsub.f32 v4, v1;
	v4 =	vld [tilespmem:s5+$0x5FB0]  }
0xdf: {  	[tilespmem:s5+$0x9F30] =	vst v3;
	v3 =	vld [tilespmem:s5+$0x7FB0]  }
0xe0: {  	v1 =	vand.u32 $0x7FFFFFFF, v1;
	v2 =	vsub.f32 v5, v2;
	v5 =	vld [tilespmem:s5+$0x6000]  }
0xe1: {  	[tilespmem:s5+$0x9F80] =	vst v1;
	v1 =	vld [tilespmem:s5+$0x8000]  }
0xe2: {  	v2 =	vand.u32 $0x7FFFFFFF, v2;
	v0 =	vsub.f32 v6, v0;
	v6 =	vld [tilespmem:s5+$0x6010]  }
0xe3: {  	[tilespmem:s5+$0x9F90] =	vst v2;
	v2 =	vld [tilespmem:s5+$0x8010]  }
0xe4: {  	v0 =	vand.u32 $0x7FFFFFFF, v0;
	v3 =	vsub.f32 v4, v3;
	v4 =	vld [tilespmem:s5+$0x6020]  }
0xe5: {  	[tilespmem:s5+$0x9FA0] =	vst v0;
	v0 =	vld [tilespmem:s5+$0x8020]  }
0xe6: {  	v3 =	vand.u32 $0x7FFFFFFF, v3;
	v1 =	vsub.f32 v5, v1;
	v5 =	vld [tilespmem:s5+$0x6030]  }
0xe7: {  	[tilespmem:s5+$0x9FB0] =	vst v3;
	v7 =	vld [tilespmem:s5+$0x8030]  }
0xe8: {  	v1 =	vand.u32 $0x7FFFFFFF, v1;
	v2 =	vsub.f32 v6, v2;
	v8 =	vld [tilespmem:s5+$0x6080]  }
0xe9: {  	[tilespmem:s5+$0xA000] =	vst v1;
	v9 =	vld [tilespmem:s5+$0x8080]  }
.Ltmp1:
0xea: {  	v1 =	vand.u32 $0x7FFFFFFF, v2;
	v2 =	vsub.f32 v4, v0;
	v0 =	vld [tilespmem:s5+$0x6090];
	(pc) =	sbr.rel @p1 .LBB2_5-.Ltmp1, $4  }
0xeb: {  	[tilespmem:s5+$0xA010] =	vst v1;
	v3 =	vld [tilespmem:s5+$0x8090]  }
0xec: {  	v2 =	vand.u32 $0x7FFFFFFF, v2;
	v5 =	vsub.f32 v5, v7;
	v1 =	vld [tilespmem:s5+$0x60A0]  }
0xed: {  	s7 =	sshra.s32 s16, $0x2;
	[tilespmem:s5+$0xA020] =	vst v2;
	v4 =	vld [tilespmem:s5+$0x80A0]  }
0xee: {  	s16 =	sadd.s32 $0x800, s16;
	v2 =	vld [tilespmem:s7+$0x60B0];
	v6 =	vand.u32 $0x7FFFFFFF, v5;
	v5 =	vsub.f32 v8, v9  }
0xef: {  	v7 =	vld [tilespmem:s7+$0x80B0];
	[tilespmem:s5+$0xA030] =	vst v6  }
0xf0: {  	v6 =	vld [tilespmem:s7+$0x5F00];
	v5 =	vand.u32 $0x7FFFFFFF, v5;
	v0 =	vsub.f32 v0, v3  }
0xf1: {  	v8 =	vld [tilespmem:s7+$0x7F00];
	[tilespmem:s5+$0xA080] =	vst v5  }
0xf2: {  	v36 =	vld [tilespmem:s7+$0x5F10];
	v0 =	vand.u32 $0x7FFFFFFF, v0;
	v1 =	vsub.f32 v1, v4  }
0xf3: {  	v5 =	vld [tilespmem:s7+$0x7F10];
	[tilespmem:s5+$0xA090] =	vst v0  }
0xf4: {  	v0 =	vld [tilespmem:s7+$0x5F20];
	v1 =	vand.u32 $0x7FFFFFFF, v1  }
0xf5: {  	v37 =	vld [tilespmem:s7+$0x7F20];
	[tilespmem:s5+$0xA0A0] =	vst v1  }
0xf6: {  	v1 =	vld [tilespmem:s7+$0x5F30]  }
0xf7: {  	v38 =	vld [tilespmem:s7+$0x7F30]  }
0xf8: {  	v40 =	vld [tilespmem:s7+$0x5F80]  }
0xf9: {  	v41 =	vld [tilespmem:s7+$0x7F80]  }
0xfa: {  	v42 =	vld [tilespmem:s7+$0x5F90]  }
0xfb: {  	v43 =	vld [tilespmem:s7+$0x7F90]  }
0xfc: {  	v44 =	vld [tilespmem:s7+$0x5FA0]  }
0xfd: {  	v45 =	vld [tilespmem:s7+$0x7FA0]  }
0xfe: {  	v46 =	vld [tilespmem:s7+$0x5FB0]  }
0xff: {  	v47 =	vld [tilespmem:s7+$0x7FB0]  }
0x100: {  	v48 =	vld [tilespmem:s7+$0x6000]  }
0x101: {  	v49 =	vld [tilespmem:s7+$0x8000]  }
0x102: {  	v50 =	vld [tilespmem:s7+$0x6010]  }
0x103: {  	v2 =	vsub.f32 v2, v7;
	v51 =	vld [tilespmem:s7+$0x8010]  }
0x104: {  	v6 =	vsub.f32 v6, v8;
	v52 =	vld [tilespmem:s7+$0x6020]  }
0x105: {  	v2 =	vand.u32 $0x7FFFFFFF, v2;
	v53 =	vld [tilespmem:s7+$0x8020];
	v3 =	vsub.f32 v36, v5  }
0x106: {  	v54 =	vld [tilespmem:s7+$0x6030];
	[tilespmem:s7+$0xA0B0] =	vst v2;
	v39 =	vand.u32 $0x7FFFFFFF, v6;
	v0 =	vsub.f32 v0, v37  }
0x107: {  	v55 =	vld [tilespmem:s7+$0x8030];
	[tilespmem:s7+$0x9F00] =	vst v39;
	v3 =	vand.u32 $0x7FFFFFFF, v3;
	v1 =	vsub.f32 v1, v38  }
0x108: {  	v56 =	vld [tilespmem:s7+$0x6080];
	[tilespmem:s7+$0x9F10] =	vst v3;
	v0 =	vand.u32 $0x7FFFFFFF, v0;
	v2 =	vsub.f32 v40, v41  }
0x109: {  	v57 =	vld [tilespmem:s7+$0x8080];
	v3 =	vsub.f32 v42, v43;
	[tilespmem:s7+$0x9F20] =	vst v0;
	v1 =	vand.u32 $0x7FFFFFFF, v1  }
0x10a: {  	v58 =	vld [tilespmem:s7+$0x6090];
	v0 =	vsub.f32 v44, v45;
	v2 =	vand.u32 $0x7FFFFFFF, v2;
	[tilespmem:s7+$0x9F30] =	vst v1  }
0x10b: {  	v59 =	vld [tilespmem:s7+$0x8090];
	v3 =	vand.u32 $0x7FFFFFFF, v3;
	[tilespmem:s7+$0x9F80] =	vst v2;
	v1 =	vsub.f32 v46, v47  }
0x10c: {  	v60 =	vld [tilespmem:s7+$0x60A0];
	[tilespmem:s7+$0x9F90] =	vst v3;
	v0 =	vand.u32 $0x7FFFFFFF, v0;
	v2 =	vsub.f32 v48, v49  }
0x10d: {  	v61 =	vld [tilespmem:s7+$0x80A0];
	v3 =	vsub.f32 v50, v51;
	[tilespmem:s7+$0x9FA0] =	vst v0;
	v1 =	vand.u32 $0x7FFFFFFF, v1  }
0x10e: {  	v0 =	vsub.f32 v52, v53;
	v2 =	vand.u32 $0x7FFFFFFF, v2;
	[tilespmem:s7+$0x9FB0] =	vst v1  }
0x10f: {  	v3 =	vand.u32 $0x7FFFFFFF, v3;
	[tilespmem:s7+$0xA000] =	vst v2;
	v1 =	vsub.f32 v54, v55  }
0x110: {  	[tilespmem:s7+$0xA010] =	vst v3;
	v0 =	vand.u32 $0x7FFFFFFF, v0;
	v2 =	vsub.f32 v56, v57  }
0x111: {  	v3 =	vsub.f32 v58, v59;
	[tilespmem:s7+$0xA020] =	vst v0;
	v1 =	vand.u32 $0x7FFFFFFF, v1  }
.Ltmp2:
0x112: {  	v0 =	vsub.f32 v60, v61;
	v62 =	vand.u32 $0x7FFFFFFF, v2;
	[tilespmem:s7+$0xA030] =	vst v1;
	(pc) =	sbr.rel @p2 .LBB2_8-.Ltmp2, $4  }
0x113: {  	s16 =	sadd.s32 s30, s10;
	v63 =	vand.u32 $0x7FFFFFFF, v3;
	[tilespmem:s7+$0xA080] =	vst v62  }
0x114: {  	s5 =	sshll.u32 s16, $0x4;
	[tilespmem:s7+$0xA090] =	vst v63;
	v0 =	vand.u32 $0x7FFFFFFF, v0  }
0x115: {  	s5 =	sadd.s32 s3, s5;
	[tilespmem:s7+$0xA0A0] =	vst v0  }
0x116: {  	[hbm4b:s5+s2] =	stream.linear.scatter [tilespmem:s26], [sflag:$0x4], $0x1000, $0x38;
	[tilespmem:$0x1E780] =	vst v63  }
.Ltmp3:
0x117: {  	(pc) =	sbr.rel .LBB2_2-.Ltmp3, $4  }
0x118: {  	s5 =	sadd.s32 $0x60, s30  }
0x119: {  	[tilespmem:s20], [sflag:$0x2] =	stream.indirect.gather [spmem:s1], $0x80, s5, s17, $0xb8;
	[tilespmem:$0x1E780] =	vst v63  }
0x11a: {  	s30 =	sadd.s32 $0x27E0, s30;
	s29 =	sadd.s32 $0x1, s29  }
0x11b: {  	[tilespmem:s22], [sflag:$0x2] =	stream.indirect.gather [spmem:s1], $0x80, s30, s17, $0xb8;
	[tilespmem:$0x1E780] =	vst v63  }
.LBB2_8:
0x11c: {  	s5 =	simm.s32 $0x2700  }
0x11d: {  	[tilespmem:s18], [sflag:$0x1] =	stream.indirect.gather [spmem:s1], $0x80, s5, s28, $0xb8;
	[tilespmem:$0x1E780] =	vst v63  }
0x11e: {  	s30 =	simm.s32 $0x4E80  }
0x11f: {  	[tilespmem:s19], [sflag:$0x1] =	stream.indirect.gather [spmem:s1], $0x80, s30, s28, $0xb8;
	[tilespmem:$0x1E780] =	vst v63  }
0x120: {  	_ =	swait.ge [sflag:s23], $0x800  }
0x121: {  	[sflag:s23] =	ssyncset.done $0x0  }
0x122: {  	[sflag:s23] =	ssyncadd.s32 $0xFFFFF800  }
0x123: {  	_ =	swait.ge [sflag:s23], $0x800  }
0x124: {  	[sflag:s23] =	ssyncset.done $0x0  }
0x125: {  	[sflag:s23] =	ssyncadd.s32 $0xFFFFF800  }
0x126: {  	_ =	swait.ge [sflag:s31], $0x1000  }
0x127: {  	[sflag:s31] =	ssyncset.done $0x0  }
0x128: {  	s7 =	simm.s32 $0x0;
	[sflag:s31] =	ssyncadd.s32 $0xFFFFF000  }
0x129: {  	v2 =	vld [tilespmem:s7+$0x4F30]  }
0x12a: {  	v3 =	vld [tilespmem:s7+$0x6F30]  }
0x12b: {  	v5 =	vld [tilespmem:s7+$0x4F00]  }
0x12c: {  	v6 =	vld [tilespmem:s7+$0x6F00]  }
0x12d: {  	v1 =	vld [tilespmem:s7+$0x4F10]  }
0x12e: {  	v4 =	vld [tilespmem:s7+$0x6F10]  }
0x12f: {  	v0 =	vld [tilespmem:s7+$0x4F20];
	v7 =	vsub.f32 v2, v3  }
0x130: {  	s5 =	simm.s32 $0x80;
	v3 =	vld [tilespmem:s7+$0x6F20]  }
0x131: {  	s16 =	simm.s32 $0x400;
	v2 =	vld [tilespmem:s5+$0x4F30];
	v5 =	vsub.f32 v5, v6;
	v6 =	vand.u32 $0x7FFFFFFF, v7  }
.LBB2_9:
0x132: {  	p1 =	sne.s32 s16, $0x1E00;
	v7 =	vld [tilespmem:s5+$0x6F30];
	[tilespmem:s7+$0x8F30] =	vst v6  }
0x133: {  	v6 =	vld [tilespmem:s5+$0x4F00];
	v5 =	vand.u32 $0x7FFFFFFF, v5;
	v4 =	vsub.f32 v1, v4  }
0x134: {  	v8 =	vld [tilespmem:s5+$0x6F00];
	[tilespmem:s7+$0x8F00] =	vst v5  }
.Ltmp4:
0x135: {  	v1 =	vld [tilespmem:s5+$0x4F10];
	v5 =	vand.u32 $0x7FFFFFFF, v4;
	v3 =	vsub.f32 v0, v3;
	(pc) =	sbr.rel @p1 .LBB2_9-.Ltmp4, $4  }
0x136: {  	v4 =	vld [tilespmem:s5+$0x6F10];
	[tilespmem:s7+$0x8F10] =	vst v5  }
0x137: {  	v0 =	vld [tilespmem:s5+$0x4F20];
	v7 =	vsub.f32 v2, v7;
	v2 =	vand.u32 $0x7FFFFFFF, v3  }
0x138: {  	v3 =	vld [tilespmem:s5+$0x6F20];
	[tilespmem:s7+$0x8F20] =	vst v2;
	s7 =	smov.u32 s5;
	s5 =	sshra.s32 s16, $0x2  }
0x139: {  	s16 =	sadd.s32 $0x200, s16;
	v2 =	vld [tilespmem:s5+$0x4F30];
	v5 =	vsub.f32 v6, v8;
	v6 =	vand.u32 $0x7FFFFFFF, v7  }
0x13a: {  	v7 =	vld [tilespmem:s5+$0x6F30];
	[tilespmem:s7+$0x8F30] =	vst v6  }
0x13b: {  	v6 =	vld [tilespmem:s5+$0x4F00];
	v5 =	vand.u32 $0x7FFFFFFF, v5;
	v1 =	vsub.f32 v1, v4  }
0x13c: {  	v8 =	vld [tilespmem:s5+$0x6F00];
	[tilespmem:s7+$0x8F00] =	vst v5  }
0x13d: {  	v57 =	vld [tilespmem:s5+$0x4F10];
	v1 =	vand.u32 $0x7FFFFFFF, v1  }
0x13e: {  	v5 =	vld [tilespmem:s5+$0x6F10];
	[tilespmem:s7+$0x8F10] =	vst v1  }
0x13f: {  	v1 =	vld [tilespmem:s5+$0x4F20]  }
0x140: {  	v9 =	vld [tilespmem:s5+$0x6F20]  }
0x141: {  	v0 =	vsub.f32 v0, v3  }
0x142: {  	v2 =	vsub.f32 v2, v7  }
0x143: {  	v0 =	vand.u32 $0x7FFFFFFF, v0;
	v58 =	vsub.f32 v6, v8  }
0x144: {  	[tilespmem:s7+$0x8F20] =	vst v0;
	v59 =	vand.u32 $0x7FFFFFFF, v2;
	v60 =	vsub.f32 v57, v5  }
0x145: {  	[tilespmem:s5+$0x8F30] =	vst v59;
	v61 =	vand.u32 $0x7FFFFFFF, v58;
	v1 =	vsub.f32 v1, v9  }
0x146: {  	[tilespmem:s5+$0x8F00] =	vst v61;
	v62 =	vand.u32 $0x7FFFFFFF, v60  }
0x147: {  	[tilespmem:s5+$0x8F10] =	vst v62;
	v63 =	vand.u32 $0x7FFFFFFF, v1  }
0x148: {  	s21 =	sadd.s32 $0x1, s21;
	[tilespmem:s5+$0x8F20] =	vst v63  }
0x149: {  	[hbm4b:s11+s2] =	stream.linear.scatter [tilespmem:s24], [sflag:$0x3], $0x800, $0x38;
	[tilespmem:$0x1E780] =	vst v63  }
0x14a: {  	p1 =	sne.s32 s21, s12;
	_ =	swait.ge [sflag:s31], $0x800  }
.Ltmp5:
0x14b: {  	[sflag:s31] =	ssyncset.done $0x0;
	(pc) =	sbr.rel @p1 .LBB2_1-.Ltmp5, $4  }
0x14c: {  	[sflag:s31] =	ssyncadd.s32 $0xFFFFF800  }
0x14d: {  	_ =	swait.ge [sflag:s0], $0x1000  }
0x14e: {  	[sflag:s0] =	ssyncset.done $0x0  }
0x14f: {  	[sflag:s0] =	ssyncadd.s32 $0xFFFFF000  }
0x150: {  	_ =	sfence.sel $0x180000  }
0x151: {  	[bflag:$0x0] =	sbarrier.arrive $0xFFFF  }
0x152: {  	_ =	strace $0x90000047  }
0x153: {  	[bflag:$0x2] =	sbarrier.arrive $0xFFFF  }
0x154: {  	s0 =	rddreg [dreg:$0x5]  }
0x155: {  	s0 =	sadd.s32 @!p0 $0x100000, s0  }
0x156: {  	[sflag:s0] =	ssyncadd.tile.s32 @!p0 $0x1;
	_ =	shalt  }
.Lfunc_end2:
_tile_overlayer_lowered:
.L_overlay_start_2:
0x157: {  	(tag) =	ssettag $0x2  }
0x158: {  	s0 =	rddreg [dreg:$0x0];
	s2 =	stileid.u32  }
0x159: {  	s1 =	rddreg [dreg:$0x1];
	p0 =	sne.s32 s2, $0x0  }
0x15a: {  	s3 =	rddreg [dreg:$0x2];
	[bflag:$0x3] =	sbarrier.arrive $0xFFFF;
	s2 =	simm.s32 @!p0 $0x1C05  }
0x15b: {  	[timem:s3], [sflag:s2] =	dma.local @!p0 [hbm:s0], s1  }
0x15c: {  	s0 =	simm.s32 @!p0 $0x5  }
0x15d: {  	_ =	swait.ge @!p0 [sflag:s0], s1  }
0x15e: {  	s1 =	ssub.s32 @!p0 $0x0, s1;
	[sflag:s0] =	ssyncset.done @!p0 $0x0  }
0x15f: {  	[sflag:s0] =	ssyncadd.s32 @!p0 s1  }
0x160: {  	[bflag:$0x3] =	sbarrier.arrive $0xFFFF  }
0x161: {  	_ =	shalt  }

// kernel: kernel.8.cloned.1.call-start
scs
__scs_entry_jumppad:
0x0: {  	(pc) =	sbr.rel $0x88, $3  }
0x1: {  	(tag) =	ssettag $0x0;
	lr =	simm.s32 $0x1  }
0x2: {  	[smem:$0x3F9A] =	sst lr;
	_ =	strace $0xD0000000  }
0x3: {  	_ = 	snop  }
0x4: {  	_ = 	snop  }
0x5: {  	_ = 	snop  }
0x6: {  	_ = 	snop  }
0x7: {  	_ = 	snop  }
__scs_overlays_trampoline_lowered:
0x8: {  	[smem:$0x3FA9] =	sst s0  }
0x9: {  	[smem:$0x3FAA] =	sst s1  }
0xa: {  	[smem:$0x3FAB] =	sst s2  }
0xb: {  	[smem:$0x3FAC] =	sst s3  }
0xc: {  	[smem:$0x3FAD] =	sst s4  }
0xd: {  	[smem:$0x3FAE] =	sst s5  }
0xe: {  	[smem:$0x3FAF] =	sst s6  }
0xf: {  	[smem:$0x3FB0] =	sst s7  }
0x10: {  	[smem:$0x3FB1] =	sst s8  }
0x11: {  	[smem:$0x3FB2] =	sst s9;
	s0 =	simm.s32 @!p0 $0x0  }
0x12: {  	s1 =	sld [smem:$0x3F98];
	s0 =	simm.s32 @p0 $0x1  }
0x13: {  	[smem:$0x3FB3] =	sst s0;
	s0 =	simm.s32 @!p1 $0x0  }
0x14: {  	s2 =	sld [smem:$0x3F97];
	s0 =	simm.s32 @p1 $0x1  }
0x15: {  	[smem:$0x3FB4] =	sst s0;
	s0 =	simm.s32 @!p2 $0x0  }
0x16: {  	s3 =	sld [smem:$0x3FDB];
	s0 =	simm.s32 @p2 $0x1  }
0x17: {  	s4 =	simm.s32 $0x1BF5;
	[smem:$0x3FB6] =	sst s0  }
0x18: {  	s0 =	sld [smem:$0x3F99];
	_ =	swait.ge [sflag:s4], $0x0  }
0x19: {  	s7 =	sld [smem:$0x3F9A]  }
0x1a: {  	s8 =	sadd.s32 $0xFFFFE003, lr  }
0x1b: {  	s9 =	sadd.s32 $0xFFFFFEF7, lr;
	s5 =	simm.s32 $0xFFFFFFFF;
	p2 =	slt.u32 s8, $0xFFFFF086  }
0x1c: {  	p1 =	slt.u32 s9, $0xF7A;
	s5 =	simm.s32 @!p2 $0x0  }
0x1d: {  	s5 =	simm.s32 @p1 $0x1;
	p0 =	seq.s32 s7, s2  }
0x1e: {  	s7 =	smul.u32 @!p0 $0xF7A, s2;
	p2 =	seq.s32 @!p0 s5, $0x0  }
0x1f: {  	s9 =	smul.u32 $0xF7A, s1;
	s8 =	simm.s32 @!p0 $0x1BF5;
	p2 =	por !p2, p0  }
0x20: {  	[sflag:s8] =	ssyncset.s32 @!p0 $0xFFFFF086;
	s6 =	sadd.s32 @!p0 s3, s7;
	s7 =	simm.s32 @!p0 $0x108  }
0x21: {  	s3 =	sadd.s32 s3, s9;
	s6 =	sadd.s32 @!p0 $0x88, s6;
	s7 =	simm.s32 @p2 $0x1082  }
0x22: {  	[simem:s7], [sflag:s8] =	dma.local @!p0 [hbm:s6], $0xF7A  }
0x23: {  	s9 =	sor.u32 $0xD0000000, s2;
	s6 =	simm.s32 $0x108;
	_ =	swait.ge @!p0 [sflag:s8], $0x0  }
0x24: {  	s3 =	sadd.s32 $0x88, s3;
	s6 =	simm.s32 @!p1 $0x1082;
	[sflag:s4] =	ssyncset.s32 $0xFFFFF086  }
0x25: {  	[simem:s6], [sflag:s4] =	dma.local [hbm:s3], $0xF7A  }
0x26: {  	[smem:$0x3F9A] =	sst s1;
	(tag) =	ssettag s2;
	_ =	strace s9  }
0x27: {  	s1 =	sld [smem:$0x3FAA]  }
0x28: {  	s2 =	sld [smem:$0x3FAB]  }
0x29: {  	s4 =	sld [smem:$0x3FAD]  }
0x2a: {  	p0 =	seq.s32 s5, $0x0;
	s5 =	sld [smem:$0x3FAE]  }
0x2b: {  	s6 =	sld [smem:$0x3FAF]  }
0x2c: {  	s7 =	sld [smem:$0x3FB0]  }
0x2d: {  	s3 =	simm.s32 $0x108;
	s8 =	sld [smem:$0x3FB1]  }
0x2e: {  	s3 =	simm.s32 @!p0 $0x1082;
	s9 =	sld [smem:$0x3FB2]  }
0x2f: {  	lr =	sadd.s32 s0, s3;
	s0 =	sld [smem:$0x3FA9]  }
0x30: {  	s3 =	sld [smem:$0x3FAC]  }
0x31: {  	[smem:$0x3FB5] =	sst s10  }
0x32: {  	s10 =	sld [smem:$0x3FB3];
	_ =	sdelay $0x3  }
0x33: {  	p0 =	seq.s32 s10, $0x1;
	s10 =	sld [smem:$0x3FB5];
	_ =	sdelay $0x3  }
0x34: {  	[smem:$0x3FB5] =	sst s10  }
0x35: {  	s10 =	sld [smem:$0x3FB4];
	_ =	sdelay $0x3  }
0x36: {  	p1 =	seq.s32 s10, $0x1;
	s10 =	sld [smem:$0x3FB5];
	_ =	sdelay $0x3  }
0x37: {  	[smem:$0x3FB5] =	sst s10  }
0x38: {  	s10 =	sld [smem:$0x3FB6]  }
0x39: {  	_ = 	snop;
	(pc) =	sbr.ind lr, $3  }
0x3a: {  	_ = 	snop  }
0x3b: {  	_ = 	snop  }
0x3c: {  	p2 =	seq.s32 s10, $0x1;
	s10 =	sld [smem:$0x3FB5]  }
0x3d: {  	_ =	shalt  }
0x3e: {  	_ =	shalt  }
0x3f: {  	_ =	shalt  }
0x40: {  	_ =	shalt  }
0x41: {  	_ =	shalt  }
0x42: {  	_ =	shalt  }
0x43: {  	_ =	shalt  }
0x44: {  	_ =	shalt  }
0x45: {  	_ =	shalt  }
0x46: {  	_ =	shalt  }
0x47: {  	_ =	shalt  }
0x48: {  	_ =	shalt  }
0x49: {  	_ =	shalt  }
0x4a: {  	_ =	shalt  }
0x4b: {  	_ =	shalt  }
0x4c: {  	_ =	shalt  }
0x4d: {  	_ =	shalt  }
0x4e: {  	_ =	shalt  }
0x4f: {  	_ =	shalt  }
0x50: {  	_ =	shalt  }
0x51: {  	_ =	shalt  }
0x52: {  	_ =	shalt  }
0x53: {  	_ =	shalt  }
0x54: {  	_ =	shalt  }
0x55: {  	_ =	shalt  }
0x56: {  	_ =	shalt  }
0x57: {  	_ =	shalt  }
0x58: {  	_ =	shalt  }
0x59: {  	_ =	shalt  }
0x5a: {  	_ =	shalt  }
0x5b: {  	_ =	shalt  }
0x5c: {  	_ =	shalt  }
0x5d: {  	_ =	shalt  }
0x5e: {  	_ =	shalt  }
0x5f: {  	_ =	shalt  }
0x60: {  	_ =	shalt  }
0x61: {  	_ =	shalt  }
0x62: {  	_ =	shalt  }
0x63: {  	_ =	shalt  }
0x64: {  	_ =	shalt  }
0x65: {  	_ =	shalt  }
0x66: {  	_ =	shalt  }
0x67: {  	_ =	shalt  }
0x68: {  	_ =	shalt  }
0x69: {  	_ =	shalt  }
0x6a: {  	_ =	shalt  }
0x6b: {  	_ =	shalt  }
0x6c: {  	_ =	shalt  }
0x6d: {  	_ =	shalt  }
0x6e: {  	_ =	shalt  }
0x6f: {  	_ =	shalt  }
0x70: {  	_ =	shalt  }
0x71: {  	_ =	shalt  }
0x72: {  	_ =	shalt  }
0x73: {  	_ =	shalt  }
0x74: {  	_ =	shalt  }
0x75: {  	_ =	shalt  }
0x76: {  	_ =	shalt  }
0x77: {  	_ =	shalt  }
0x78: {  	_ =	shalt  }
0x79: {  	_ =	shalt  }
0x7a: {  	_ =	shalt  }
0x7b: {  	_ =	shalt  }
0x7c: {  	_ =	shalt  }
0x7d: {  	_ =	shalt  }
0x7e: {  	_ =	shalt  }
0x7f: {  	_ =	shalt  }
0x80: {  	_ =	shalt  }
0x81: {  	_ =	shalt  }
0x82: {  	_ =	shalt  }
0x83: {  	_ =	shalt  }
0x84: {  	_ =	shalt  }
0x85: {  	_ =	shalt  }
0x86: {  	_ =	shalt  }
0x87: {  	_ =	shalt  }
.Lfunc_end0:
.L_simem_size_0:
called_computation.1_lowered:
.L_overlay_start_0:
0x88: {  	s2 =	sld [smem:$0x3FD9]  }
0x89: {  	s3 =	sld [smem:$0x3FFE];
	_ =	sdelay $0x1  }
0x8a: {  	s1 =	srdreg.scid  }
0x8b: {  	s0 =	sand.u32 $0x1, s1  }
0x8c: {  	s15 =	sshll.u32 s0, $0xA;
	s2 =	sadd.s32 s3, s2  }
0x8d: {  	s2 =	sadd.s32 s2, s15  }
0x8e: {  	[smem:$0x3FC1] =	sst s2  }
0x8f: {  	_ = 	snop  }
0x90: {  	s2 =	sld [smem:$0x3FD0];
	_ =	sdelay $0x2  }
0x91: {  	s5 =	simm.s32 $0xB;
	s16 =	simm.s32 $0x10  }
0x92: {  	[smem:s16], [sflag:s5] =	dma.local [hbm:s2], $0x1  }
0x93: {  	_ =	swait.eq [sflag:s5], $0x1  }
0x94: {  	s17 =	sld [smem:$0x10];
	[sflag:s5] =	ssyncset.done $0x0  }
0x95: {  	s4 =	sld [smem:$0x11];
	[sflag:s5] =	ssyncadd.s32 $0xFFFFFFFF  }
0x96: {  	s18 =	sld [smem:$0x13];
	(tm) =	ssettm $0x1  }
0x97: {  	s19 =	sld [smem:$0x3FFB];
	_ =	sdelay $0x3  }
0x98: {  	_ =	strace s19  }
0x99: {  	s2 =	sld [smem:$0x3FFC];
	_ =	sdelay $0x3  }
0x9a: {  	_ =	strace s2  }
0x9b: {  	s2 =	sld [smem:$0x3FFD];
	_ =	sdelay $0x3  }
0x9c: {  	_ =	strace s2  }
0x9d: {  	_ =	strace $0x8FFFFFFF  }
0x9e: {  	s20 =	sld [smem:$0x3FDB];
	_ =	sdelay $0x1  }
0x9f: {  	s6 =	simm.s32 $_scs_section_size  }
0xa0: {  	s7 =	simm.s32 $_size__tile_overlayer_lowered;
	s8 =	simm.s32 $_tile_overlayer_lowered  }
0xa1: {  	s9 =	simm.s32 $0x1BFF;
	s21 =	sshll.u32 s8, $0x1;
	s6 =	sadd.s32 s6, s20  }
0xa2: {  	s22 =	simm.s32 $0x0;
	s7 =	sshll.u32 s7, $0x1;
	s8 =	sadd.s32 s21, s6  }
0xa3: {  	[timem:s22], [sflag:s9] =	dma.local [hbm:s8], s7  }
0xa4: {  	_ =	swait.ge [sflag:s9], s7  }
0xa5: {  	s7 =	ssub.s32 $0x0, s7;
	[sflag:s9] =	ssyncset.done $0x0  }
0xa6: {  	[sflag:s9] =	ssyncadd.s32 s7;
	_ =	sdelay $0x1  }
0xa7: {  	s23 =	simm.s32 $0x1B8B  }
0xa8: {  	_ =	swait.ge [sflag:s23], $0x1  }
0xa9: {  	[sflag:s23] =	ssyncset.done $0x0  }
0xaa: {  	[sflag:s23] =	ssyncadd.s32 $0xFFFFFFFF  }
0xab: {  	s7 =	sld [smem:$0x0]  }
0xac: {  	s8 =	sand.u32 $0xFFFFFFFE, s1  }
0xad: {  	p0 =	sne.s32 s1, s8  }
0xae: {  	s8 =	sshll.u32 @p0 s8, $0xE  }
0xaf: {  	s8 =	sadd.s32 @p0 $0x11B8D, s8;
	s9 =	sshll.u32 @p0 s7, $0x11  }
0xb0: {  	s8 =	sor.u32 @p0 s9, s8  }
0xb1: {  	[sflag:s8] =	ssyncadd.remote.s32 @p0 $0x1;
	_ =	sdelay $0x1  }
0xb2: {  	s8 =	simm.s32 @p0 $0x1B8D  }
0xb3: {  	_ =	swait.eq @p0 [sflag:s8], $0x1  }
0xb4: {  	[sflag:s8] =	ssyncadd.s32 @p0 $0xFFFFFFFF  }
0xb5: {  	s9 =	sshll.u32 @!p0 s1, $0xE  }
0xb6: {  	s9 =	sor.u32 @!p0 $0x4000, s9;
	s8 =	simm.s32 @!p0 $0x1B8D  }
0xb7: {  	s7 =	sshll.u32 @!p0 s7, $0x11;
	s9 =	sadd.s32 @!p0 $0x11B8D, s9;
	_ =	swait.eq @!p0 [sflag:s8], $0x1  }
0xb8: {  	s7 =	sor.u32 @!p0 s7, s9;
	[sflag:s8] =	ssyncadd.s32 @!p0 $0xFFFFFFFF  }
0xb9: {  	s25 =	simm.s32 $0x1B8E;
	s24 =	sld [smem:$0x3FFE];
	[sflag:s7] =	ssyncadd.remote.s32 @!p0 $0x1  }
0xba: {  	s26 =	simm.s32 $execute0_lowered;
	[smem:$0x3FD2] =	sst s25  }
0xbb: {  	s8 =	sshll.u32 s26, $0x1;
	_ =	strace $0x80000049;
	[dreg:$0x1] =	wrdreg $0xFFFFFFFF  }
0xbc: {  	s28 =	simm.s32 $_size_execute0_lowered;
	s6 =	sadd.s32 s6, s8;
	[dreg:$0x0] =	wrdreg $0x0  }
0xbd: {  	s8 =	sshll.u32 s28, $0x1;
	[dreg:$0x2] =	wrdreg s6  }
0xbe: {  	[dreg:$0x3] =	wrdreg s8  }
0xbf: {  	[dreg:$0x4] =	wrdreg $0xC0  }
0xc0: {  	_ =	task [dreg:s22], $0x5FFFF  }
0xc1: {  	[dreg:$0x1] =	wrdreg $0xFFFFFFFF  }
0xc2: {  	[dreg:$0x0] =	wrdreg $0x60  }
0xc3: {  	[dreg:$0x2] =	wrdreg s18  }
0xc4: {  	[dreg:$0x3] =	wrdreg s17  }
0xc5: {  	[dreg:$0x4] =	wrdreg s4  }
0xc6: {  	[dreg:$0x5] =	wrdreg s24  }
0xc7: {  	[dreg:$0x6] =	wrdreg $0xAF000  }
0xc8: {  	[dreg:$0x7] =	wrdreg $0xA  }
0xc9: {  	_ =	task.clear_ibuf [dreg:s22], $0x8FFFF;
	_ =	strace $0x90000049  }
0xca: {  	s29 =	simm.s32 $0xA;
	_ =	strace $0x8000004B  }
0xcb: {  	_ =	swait.ge [sflag:s29], $0x1  }
0xcc: {  	[sflag:s29] =	ssyncadd.s32 $0xFFFFFFFF  }
0xcd: {  	_ =	strace $0x9000004B  }
0xce: {  	_ =	sfence  }
0xcf: {  	s30 =	sld [smem:$0x0];
	_ =	sdelay $0x2  }
0xd0: {  	s31 =	sshll.u32 s1, $0xD;
	s1 =	sshrl.u32 s1, $0x2  }
0xd1: {  	s4 =	sand.u32 $0x4000, s31;
	s1 =	sadd.s32 s1, s30  }
0xd2: {  	s0 =	sor.u32 s4, s0;
	s1 =	sshll.u32 s1, $0x11  }
0xd3: {  	s0 =	sor.u32 s1, s0  }
0xd4: {  	s0 =	sadd.s32 $0x8F2B, s0  }
0xd5: {  	[sflag:s0] =	ssyncadd.remote.s32 $0x1  }
0xd6: {  	_ =	sfence.sel $0xFFFF  }
0xd7: {  	[dreg:$0x0] =	wrdreg $0xFFFFFFFF;
	(pc) =	sbr.abs _section_cstart, $3  }
0xd8: {  	[dreg:$0x1] =	wrdreg $0xFFFFFFFF  }
0xd9: {  	_ =	task.clear_ibuf [dreg:s22], $0x2FFFF;
	_ =	strace $0x9FFFFFFF  }
0xda: {  	(tm) =	ssettm $0x7FFFFFFF  }
0xdb: {  	_ =	shalt  }
tec
execute0_lowered:
.L_overlay_start_1:
0x0: {  	(tag) =	ssettag $0x1  }
0x1: {  	s0 =	rddreg [dreg:$0x0]  }
0x2: {  	s5 =	rddreg [dreg:$0x1]  }
0x3: {  	s7 =	rddreg [dreg:$0x2]  }
0x4: {  	s3 =	rddreg [dreg:$0x3]  }
0x5: {  	s1 =	rddreg [dreg:$0x4];
	s2 =	simm.s32 $0x0;
	s4 =	srdreg.scid  }
0x6: {  	s13 =	stileid.u32;
	s17 =	simm.s32 $0x20;
	s18 =	simm.s32 $0x4F00  }
0x7: {  	s19 =	simm.s32 $0x6F00;
	s20 =	simm.s32 $0x5F00;
	s22 =	simm.s32 $0x7F00  }
0x8: {  	s23 =	simm.s32 $0x1;
	s28 =	simm.s32 $0x10;
	s31 =	simm.s32 $0x3  }
0x9: {  	s21 =	simm.s32 $0x0;
	[smem:$0x7FF] =	sst s2;
	s4 =	sand.u32 $0x1, s4  }
0xa: {  	s6 =	sshll.u32 s13, $0x1;
	s24 =	smul.u32 $0x4E000, s13;
	s3 =	sadd.s32 $0x4E2400, s3  }
0xb: {  	s25 =	smul.u32 $0x2700, s13;
	s26 =	sshll.u32 s13, $0x6;
	s15 =	sadd.s32 $0x138000, s1  }
0xc: {  	p0 =	sne.s32 s13, $0x0;
	s8 =	ssub.s32 $0x2, s4;
	s4 =	sor.u32 s4, s6  }
0xd: {  	_ =	strace $0x8000004A;
	s15 =	sshrl.u32 @!p0 s15, $0x3;
	s10 =	smul.u32 $0x2710, s4  }
0xe: {  	s9 =	sshrl.u32 s8, $0x1;
	s6 =	sshrl.u32 s24, $0x2;
	s4 =	smul.u32 $0x138800, s4  }
0xf: {  	s24 =	simm.s32 $0x8F00;
	s12 =	ssub.s32 s8, s9;
	s14 =	sadd.s32 s6, s1  }
0x10: {  	s8 =	sadd.s32 s0, s25;
	s6 =	sor.u32 $0x1C05, s26;
	s0 =	sadd.s32 $0x27000, s0  }
0x11: {  	s25 =	simm.s32 $0x2;
	s26 =	simm.s32 $0x9F00;
	[dreg:$0x6] =	wrdreg s8  }
0x12: {  	[dreg:$0x7] =	wrdreg s0;
	s29 =	sshrl.u32 s10, $0x3;
	s11 =	sshrl.u32 s4, $0x3  }
0x13: {  	s10 =	sadd.s32 $0x20, s10;
	s12 =	smax.u32 s12, $0x1;
	s13 =	sshrl.u32 s14, $0x3  }
0x14: {  	s14 =	simm.s32 $0x5;
	s0 =	simm.s32 $0x4;
	s30 =	sadd.s32 s3, s11  }
0x15: {  	s8 =	sadd.s32 s5, s29;
	s9 =	sadd.s32 s7, s29;
	s11 =	sadd.s32 $0x27000, s30  }
.LBB2_1:
0x16: {  	s5 =	rddreg [dreg:$0x6]  }
0x17: {  	[spmem:s13], [sflag:s6] =	dma.local [hbm:s5], $0x2700  }
0x18: {  	_ =	swait.ge [sflag:s14], $0x2700  }
0x19: {  	[sflag:s14] =	ssyncset.done $0x0  }
0x1a: {  	s5 =	rddreg [dreg:$0x7];
	[sflag:s14] =	ssyncadd.s32 $0xFFFFD900  }
0x1b: {  	[spmem:s15], [sflag:s6] =	dma.local @!p0 [hbm:s5], $0x100  }
0x1c: {  	s5 =	simm.s32 @!p0 $0x5  }
0x1d: {  	_ =	swait.ge @!p0 [sflag:s5], $0x100  }
0x1e: {  	[sflag:s5] =	ssyncset.done @!p0 $0x0  }
0x1f: {  	[sflag:s5] =	ssyncadd.s32 @!p0 $0xFFFFFF00  }
0x20: {  	[bflag:$0x0] =	sbarrier.arrive $0xFFFF  }
0x21: {  	[tilespmem:s2], [sflag:$0x5] =	stream.linear.gather [hbm4b:s8+s2], $0x2710, $0x38;
	[tilespmem:$0x1E780] =	vst v63  }
0x22: {  	_ =	swait.ge [sflag:s14], $0x2710  }
0x23: {  	[sflag:s14] =	ssyncset.done $0x0  }
0x24: {  	s16 =	simm.s32 $0x2780;
	[sflag:s14] =	ssyncadd.s32 $0xFFFFD8F0  }
0x25: {  	[tilespmem:s16], [sflag:$0x5] =	stream.linear.gather [hbm4b:s9+s2], $0x2710, $0x38;
	[tilespmem:$0x1E780] =	vst v63  }
0x26: {  	_ =	swait.ge [sflag:s14], $0x2710  }
0x27: {  	[sflag:s14] =	ssyncset.done $0x0  }
0x28: {  	[sflag:s14] =	ssyncadd.s32 $0xFFFFD8F0  }
0x29: {  	[tilespmem:s18], [sflag:$0x1] =	stream.indirect.gather [spmem:s1], $0x80, s2, s17, $0xb8;
	[tilespmem:$0x1E780] =	vst v63  }
0x2a: {  	_ = 	snop  }
0x2b: {  	[tilespmem:s19], [sflag:$0x1] =	stream.indirect.gather [spmem:s1], $0x80, s16, s17, $0xb8;
	[tilespmem:$0x1E780] =	vst v63  }
0x2c: {  	_ = 	snop  }
0x2d: {  	[tilespmem:s20], [sflag:$0x2] =	stream.indirect.gather [spmem:s1], $0x80, s17, s17, $0xb8;
	[tilespmem:$0x1E780] =	vst v63  }
0x2e: {  	s30 =	simm.s32 $0x27A0;
	s29 =	simm.s32 $0x0  }
0x2f: {  	[tilespmem:s22], [sflag:$0x2] =	stream.indirect.gather [spmem:s1], $0x80, s30, s17, $0xb8;
	[tilespmem:$0x1E780] =	vst v63  }
.LBB2_2:
0x30: {  	_ =	swait.ge [sflag:s23], $0x1000  }
0x31: {  	[sflag:s23] =	ssyncset.done $0x0  }
0x32: {  	[sflag:s23] =	ssyncadd.s32 $0xFFFFF000  }
0x33: {  	_ =	swait.ge [sflag:s23], $0x1000  }
0x34: {  	p1 =	seq.s32 s29, $0x0;
	[sflag:s23] =	ssyncset.done $0x0  }
0x35: {  	s5 =	simm.s32 @!p1 $0x3;
	[sflag:s23] =	ssyncadd.s32 $0xFFFFF000  }
0x36: {  	_ =	swait.ge @!p1 [sflag:s5], $0x1000  }
0x37: {  	[sflag:s5] =	ssyncset.done @!p1 $0x0  }
0x38: {  	[sflag:s5] =	ssyncadd.s32 @!p1 $0xFFFFF000;
	s5 =	simm.s32 $0x0  }
0x39: {  	v0 =	vld [tilespmem:s5+$0x50B0]  }
0x3a: {  	v1 =	vld [tilespmem:s5+$0x70B0]  }
0x3b: {  	v2 =	vld [tilespmem:s5+$0x4F00]  }
0x3c: {  	v3 =	vld [tilespmem:s5+$0x6F00]  }
0x3d: {  	v4 =	vld [tilespmem:s5+$0x4F10]  }
0x3e: {  	v5 =	vld [tilespmem:s5+$0x6F10]  }
0x3f: {  	v6 =	vld [tilespmem:s5+$0x4F20]  }
0x40: {  	v0 =	vsub.f32 v0, v1;
	v1 =	vld [tilespmem:s5+$0x6F20]  }
0x41: {  	v7 =	vld [tilespmem:s5+$0x4F30]  }
0x42: {  	v2 =	vsub.f32 v2, v3;
	v3 =	vld [tilespmem:s5+$0x6F30]  }
0x43: {  	v4 =	vsub.f32 v4, v5;
	v5 =	vld [tilespmem:s5+$0x4F90];
	v0 =	vand.u32 $0x7FFFFFFF, v0  }
0x44: {  	[tilespmem:s5+$0x90B0] =	vst v0;
	v0 =	vand.u32 $0x7FFFFFFF, v2;
	v2 =	vld [tilespmem:s5+$0x4F80]  }
0x45: {  	v4 =	vand.u32 $0x7FFFFFFF, v4;
	[tilespmem:s5+$0x8F00] =	vst v0;
	v0 =	vld [tilespmem:s5+$0x6F80];
	v1 =	vsub.f32 v6, v1  }
0x46: {  	[tilespmem:s5+$0x8F10] =	vst v4;
	v4 =	vld [tilespmem:s5+$0x6F90]  }
0x47: {  	v6 =	vld [tilespmem:s5+$0x4FA0];
	v1 =	vand.u32 $0x7FFFFFFF, v1  }
0x48: {  	v3 =	vsub.f32 v7, v3;
	[tilespmem:s5+$0x8F20] =	vst v1;
	v1 =	vld [tilespmem:s5+$0x6FA0]  }
0x49: {  	v7 =	vld [tilespmem:s5+$0x4FB0]  }
0x4a: {  	v3 =	vand.u32 $0x7FFFFFFF, v3;
	v0 =	vsub.f32 v2, v0;
	v2 =	vld [tilespmem:s5+$0x6FB0]  }
0x4b: {  	[tilespmem:s5+$0x8F30] =	vst v3;
	v3 =	vld [tilespmem:s5+$0x5000];
	v4 =	vsub.f32 v5, v4  }
0x4c: {  	v5 =	vld [tilespmem:s5+$0x5010];
	v0 =	vand.u32 $0x7FFFFFFF, v0  }
0x4d: {  	v4 =	vand.u32 $0x7FFFFFFF, v4;
	[tilespmem:s5+$0x8F80] =	vst v0;
	v0 =	vld [tilespmem:s5+$0x7000];
	v1 =	vsub.f32 v6, v1  }
0x4e: {  	[tilespmem:s5+$0x8F90] =	vst v4;
	v4 =	vld [tilespmem:s5+$0x7010]  }
0x4f: {  	v6 =	vld [tilespmem:s5+$0x5020];
	v2 =	vsub.f32 v7, v2;
	v1 =	vand.u32 $0x7FFFFFFF, v1  }
0x50: {  	[tilespmem:s5+$0x8FA0] =	vst v1;
	v1 =	vld [tilespmem:s5+$0x7020]  }
0x51: {  	v7 =	vld [tilespmem:s5+$0x5030];
	v2 =	vand.u32 $0x7FFFFFFF, v2  }
0x52: {  	v0 =	vsub.f32 v3, v0;
	[tilespmem:s5+$0x8FB0] =	vst v2;
	v2 =	vld [tilespmem:s5+$0x7030]  }
0x53: {  	v8 =	vld [tilespmem:s5+$0x5080];
	v3 =	vsub.f32 v5, v4  }
0x54: {  	v5 =	vld [tilespmem:s5+$0x7080];
	v0 =	vand.u32 $0x7FFFFFFF, v0  }
0x55: {  	v3 =	vand.u32 $0x7FFFFFFF, v3;
	[tilespmem:s5+$0x9000] =	vst v0;
	v0 =	vld [tilespmem:s5+$0x5090];
	v1 =	vsub.f32 v6, v1  }
0x56: {  	[tilespmem:s5+$0x9010] =	vst v3;
	v3 =	vld [tilespmem:s5+$0x7090]  }
0x57: {  	v6 =	vsub.f32 v7, v2;
	v4 =	vand.u32 $0x7FFFFFFF, v1;
	v1 =	vld [tilespmem:s5+$0x50A0]  }
0x58: {  	s7 =	simm.s32 $0x200;
	[tilespmem:s5+$0x9020] =	vst v4;
	v4 =	vld [tilespmem:s5+$0x70A0]  }
0x59: {  	s30 =	sshll.u32 s29, $0x6;
	s16 =	simm.s32 $0x1000;
	v5 =	vsub.f32 v8, v5;
	v6 =	vand.u32 $0x7FFFFFFF, v6;
	v2 =	vld [tilespmem:s7+$0x50B0]  }
.LBB2_3:
0x5a: {  	p2 =	sne.s32 s16, $0x3800;
	v7 =	vld [tilespmem:s7+$0x70B0];
	[tilespmem:s5+$0x9030] =	vst v6  }
0x5b: {  	v6 =	vld [tilespmem:s7+$0x4F00];
	v5 =	vand.u32 $0x7FFFFFFF, v5;
	v0 =	vsub.f32 v0, v3  }
0x5c: {  	v3 =	vld [tilespmem:s7+$0x6F00];
	[tilespmem:s5+$0x9080] =	vst v5  }
0x5d: {  	v5 =	vld [tilespmem:s7+$0x4F10];
	v0 =	vand.u32 $0x7FFFFFFF, v0;
	v1 =	vsub.f32 v1, v4  }
0x5e: {  	v4 =	vld [tilespmem:s7+$0x6F10];
	[tilespmem:s5+$0x9090] =	vst v0  }
0x5f: {  	v0 =	vld [tilespmem:s7+$0x4F20];
	v2 =	vsub.f32 v2, v7;
	v1 =	vand.u32 $0x7FFFFFFF, v1  }
0x60: {  	v7 =	vld [tilespmem:s7+$0x6F20];
	[tilespmem:s5+$0x90A0] =	vst v1;
	s5 =	smov.u32 s7  }
0x61: {  	v1 =	vsub.f32 v6, v3;
	v3 =	vld [tilespmem:s5+$0x4F30];
	v2 =	vand.u32 $0x7FFFFFFF, v2  }
0x62: {  	v6 =	vld [tilespmem:s5+$0x6F30];
	[tilespmem:s5+$0x90B0] =	vst v2  }
0x63: {  	v1 =	vand.u32 $0x7FFFFFFF, v1;
	v2 =	vsub.f32 v5, v4;
	v4 =	vld [tilespmem:s5+$0x4F80]  }
0x64: {  	[tilespmem:s5+$0x8F00] =	vst v1;
	v1 =	vld [tilespmem:s5+$0x6F80]  }
0x65: {  	v2 =	vand.u32 $0x7FFFFFFF, v2;
	v0 =	vsub.f32 v0, v7;
	v5 =	vld [tilespmem:s5+$0x4F90]  }
0x66: {  	[tilespmem:s5+$0x8F10] =	vst v2;
	v2 =	vld [tilespmem:s5+$0x6F90]  }
0x67: {  	v0 =	vand.u32 $0x7FFFFFFF, v0;
	v3 =	vsub.f32 v3, v6;
	v6 =	vld [tilespmem:s5+$0x4FA0]  }
0x68: {  	[tilespmem:s5+$0x8F20] =	vst v0;
	v0 =	vld [tilespmem:s5+$0x6FA0]  }
0x69: {  	v3 =	vand.u32 $0x7FFFFFFF, v3;
	v1 =	vsub.f32 v4, v1;
	v4 =	vld [tilespmem:s5+$0x4FB0]  }
0x6a: {  	[tilespmem:s5+$0x8F30] =	vst v3;
	v3 =	vld [tilespmem:s5+$0x6FB0]  }
0x6b: {  	v1 =	vand.u32 $0x7FFFFFFF, v1;
	v2 =	vsub.f32 v5, v2;
	v5 =	vld [tilespmem:s5+$0x5000]  }
0x6c: {  	[tilespmem:s5+$0x8F80] =	vst v1;
	v1 =	vld [tilespmem:s5+$0x7000]  }
0x6d: {  	v2 =	vand.u32 $0x7FFFFFFF, v2;
	v0 =	vsub.f32 v6, v0;
	v6 =	vld [tilespmem:s5+$0x5010]  }
0x6e: {  	[tilespmem:s5+$0x8F90] =	vst v2;
	v2 =	vld [tilespmem:s5+$0x7010]  }
0x6f: {  	v0 =	vand.u32 $0x7FFFFFFF, v0;
	v3 =	vsub.f32 v4, v3;
	v4 =	vld [tilespmem:s5+$0x5020]  }
0x70: {  	[tilespmem:s5+$0x8FA0] =	vst v0;
	v0 =	vld [tilespmem:s5+$0x7020]  }
0x71: {  	v3 =	vand.u32 $0x7FFFFFFF, v3;
	v1 =	vsub.f32 v5, v1;
	v5 =	vld [tilespmem:s5+$0x5030]  }
0x72: {  	[tilespmem:s5+$0x8FB0] =	vst v3;
	v7 =	vld [tilespmem:s5+$0x7030]  }
0x73: {  	v1 =	vand.u32 $0x7FFFFFFF, v1;
	v2 =	vsub.f32 v6, v2;
	v8 =	vld [tilespmem:s5+$0x5080]  }
0x74: {  	[tilespmem:s5+$0x9000] =	vst v1;
	v9 =	vld [tilespmem:s5+$0x7080]  }
.Ltmp0:
0x75: {  	v1 =	vand.u32 $0x7FFFFFFF, v2;
	v2 =	vsub.f32 v4, v0;
	v0 =	vld [tilespmem:s5+$0x5090];
	(pc) =	sbr.rel @p2 .LBB2_3-.Ltmp0, $4  }
0x76: {  	[tilespmem:s5+$0x9010] =	vst v1;
	v3 =	vld [tilespmem:s5+$0x7090]  }
0x77: {  	v2 =	vand.u32 $0x7FFFFFFF, v2;
	v5 =	vsub.f32 v5, v7;
	v1 =	vld [tilespmem:s5+$0x50A0]  }
0x78: {  	s7 =	sshra.s32 s16, $0x2;
	[tilespmem:s5+$0x9020] =	vst v2;
	v4 =	vld [tilespmem:s5+$0x70A0]  }
0x79: {  	s16 =	sadd.s32 $0x800, s16;
	v2 =	vld [tilespmem:s7+$0x50B0];
	v6 =	vand.u32 $0x7FFFFFFF, v5;
	v5 =	vsub.f32 v8, v9  }
0x7a: {  	v7 =	vld [tilespmem:s7+$0x70B0];
	[tilespmem:s5+$0x9030] =	vst v6  }
0x7b: {  	v6 =	vld [tilespmem:s7+$0x4F00];
	v5 =	vand.u32 $0x7FFFFFFF, v5;
	v0 =	vsub.f32 v0, v3  }
0x7c: {  	v8 =	vld [tilespmem:s7+$0x6F00];
	[tilespmem:s5+$0x9080] =	vst v5  }
0x7d: {  	v3 =	vld [tilespmem:s7+$0x4F10];
	v0 =	vand.u32 $0x7FFFFFFF, v0;
	v1 =	vsub.f32 v1, v4  }
0x7e: {  	v5 =	vld [tilespmem:s7+$0x6F10];
	[tilespmem:s5+$0x9090] =	vst v0  }
0x7f: {  	v0 =	vld [tilespmem:s7+$0x4F20];
	v1 =	vand.u32 $0x7FFFFFFF, v1  }
0x80: {  	v4 =	vld [tilespmem:s7+$0x6F20];
	v2 =	vsub.f32 v2, v7;
	[tilespmem:s5+$0x90A0] =	vst v1  }
0x81: {  	v6 =	vsub.f32 v6, v8;
	v1 =	vld [tilespmem:s7+$0x4F30]  }
0x82: {  	v2 =	vand.u32 $0x7FFFFFFF, v2;
	v7 =	vld [tilespmem:s7+$0x6F30]  }
0x83: {  	[tilespmem:s7+$0x90B0] =	vst v2;
	v2 =	vand.u32 $0x7FFFFFFF, v6;
	v6 =	vld [tilespmem:s7+$0x4F80]  }
0x84: {  	v3 =	vsub.f32 v3, v5;
	v5 =	vld [tilespmem:s7+$0x4F90]  }
0x85: {  	[tilespmem:s7+$0x8F00] =	vst v2;
	v2 =	vld [tilespmem:s7+$0x6F80];
	v0 =	vsub.f32 v0, v4  }
0x86: {  	v3 =	vand.u32 $0x7FFFFFFF, v3;
	v4 =	vld [tilespmem:s7+$0x4FA0]  }
0x87: {  	[tilespmem:s7+$0x8F10] =	vst v3;
	v3 =	vld [tilespmem:s7+$0x6F90];
	v0 =	vand.u32 $0x7FFFFFFF, v0  }
0x88: {  	v1 =	vsub.f32 v1, v7;
	[tilespmem:s7+$0x8F20] =	vst v0;
	v0 =	vld [tilespmem:s7+$0x6FA0]  }
0x89: {  	v7 =	vld [tilespmem:s7+$0x4FB0]  }
0x8a: {  	v1 =	vand.u32 $0x7FFFFFFF, v1;
	v2 =	vsub.f32 v6, v2;
	v6 =	vld [tilespmem:s7+$0x5000]  }
0x8b: {  	[tilespmem:s7+$0x8F30] =	vst v1;
	v1 =	vld [tilespmem:s7+$0x6FB0]  }
0x8c: {  	v2 =	vand.u32 $0x7FFFFFFF, v2;
	v3 =	vsub.f32 v5, v3;
	v5 =	vld [tilespmem:s7+$0x5010]  }
0x8d: {  	[tilespmem:s7+$0x8F80] =	vst v2;
	v2 =	vld [tilespmem:s7+$0x7000];
	v0 =	vsub.f32 v4, v0  }
0x8e: {  	v3 =	vand.u32 $0x7FFFFFFF, v3;
	v4 =	vld [tilespmem:s7+$0x5020]  }
0x8f: {  	[tilespmem:s7+$0x8F90] =	vst v3;
	v3 =	vld [tilespmem:s7+$0x7010];
	v0 =	vand.u32 $0x7FFFFFFF, v0  }
0x90: {  	v1 =	vsub.f32 v7, v1;
	[tilespmem:s7+$0x8FA0] =	vst v0;
	v0 =	vld [tilespmem:s7+$0x7020]  }
0x91: {  	v7 =	vld [tilespmem:s7+$0x5030]  }
0x92: {  	v1 =	vand.u32 $0x7FFFFFFF, v1;
	v2 =	vsub.f32 v6, v2;
	v6 =	vld [tilespmem:s7+$0x5080]  }
0x93: {  	[tilespmem:s7+$0x8FB0] =	vst v1;
	v1 =	vld [tilespmem:s7+$0x7030]  }
0x94: {  	v2 =	vand.u32 $0x7FFFFFFF, v2;
	v3 =	vsub.f32 v5, v3;
	v5 =	vld [tilespmem:s7+$0x5090]  }
0x95: {  	[tilespmem:s7+$0x9000] =	vst v2;
	v2 =	vld [tilespmem:s7+$0x7080];
	v0 =	vsub.f32 v4, v0  }
0x96: {  	v3 =	vand.u32 $0x7FFFFFFF, v3;
	v4 =	vld [tilespmem:s7+$0x50A0]  }
0x97: {  	[tilespmem:s7+$0x9010] =	vst v3;
	v3 =	vld [tilespmem:s7+$0x7090];
	v0 =	vand.u32 $0x7FFFFFFF, v0  }
0x98: {  	[tilespmem:s7+$0x9020] =	vst v0;
	v0 =	vld [tilespmem:s7+$0x70A0];
	_ =	sdelay $0x1  }
0x99: {  	v1 =	vsub.f32 v7, v1  }
0x9a: {  	v2 =	vsub.f32 v6, v2  }
0x9b: {  	v1 =	vand.u32 $0x7FFFFFFF, v1;
	v3 =	vsub.f32 v5, v3  }
0x9c: {  	s16 =	sshll.u32 s29, $0xD;
	[tilespmem:s7+$0x9030] =	vst v1;
	v1 =	vand.u32 $0x7FFFFFFF, v2;
	v0 =	vsub.f32 v4, v0  }
0x9d: {  	s5 =	sadd.s32 s4, s16;
	[tilespmem:s7+$0x9080] =	vst v1;
	v1 =	vand.u32 $0x7FFFFFFF, v3  }
0x9e: {  	s5 =	sshrl.u32 s5, $0x3;
	[tilespmem:s7+$0x9090] =	vst v1;
	v0 =	vand.u32 $0x7FFFFFFF, v0  }
0x9f: {  	p2 =	seq.s32 s29, $0x9B;
	s5 =	sadd.s32 s3, s5;
	[tilespmem:s7+$0x90A0] =	vst v0  }
0xa0: {  	[hbm4b:s5+s2] =	stream.linear.scatter [tilespmem:s24], [sflag:$0x3], $0x1000, $0x38;
	[tilespmem:$0x1E780] =	vst v63  }
0xa1: {  	s16 =	simm.s32 @!p2 $0x4F00;
	s7 =	simm.s32 @!p2 $0x20;
	s5 =	sadd.s32 @!p2 $0x40, s30  }
0xa2: {  	[tilespmem:s16], [sflag:$0x1] =	stream.indirect.gather @!p2 [spmem:s1], $0x80, s5, s7, $0xb8;
	[tilespmem:$0x1E780] =	vst v63  }
0xa3: {  	s5 =	sadd.s32 @!p2 $0x27C0, s30;
	s16 =	simm.s32 @!p2 $0x6F00  }
0xa4: {  	[tilespmem:s16], [sflag:$0x1] =	stream.indirect.gather @!p2 [spmem:s1], $0x80, s5, s7, $0xb8;
	[tilespmem:$0x1E780] =	vst v63  }
0xa5: {  	_ =	swait.ge [sflag:s25], $0x1000  }
0xa6: {  	[sflag:s25] =	ssyncset.done $0x0  }
0xa7: {  	[sflag:s25] =	ssyncadd.s32 $0xFFFFF000  }
0xa8: {  	_ =	swait.ge [sflag:s25], $0x1000  }
0xa9: {  	[sflag:s25] =	ssyncset.done $0x0  }
0xaa: {  	s5 =	simm.s32 @!p1 $0x4;
	[sflag:s25] =	ssyncadd.s32 $0xFFFFF000  }
0xab: {  	_ =	swait.ge @!p1 [sflag:s5], $0x1000  }
0xac: {  	[sflag:s5] =	ssyncset.done @!p1 $0x0  }
0xad: {  	[sflag:s5] =	ssyncadd.s32 @!p1 $0xFFFFF000;
	s5 =	simm.s32 $0x0  }
0xae: {  	v0 =	vld [tilespmem:s5+$0x60B0]  }
0xaf: {  	v1 =	vld [tilespmem:s5+$0x80B0]  }
0xb0: {  	v2 =	vld [tilespmem:s5+$0x5F00]  }
0xb1: {  	v3 =	vld [tilespmem:s5+$0x7F00]  }
0xb2: {  	v4 =	vld [tilespmem:s5+$0x5F10]  }
0xb3: {  	v5 =	vld [tilespmem:s5+$0x7F10]  }
0xb4: {  	v6 =	vld [tilespmem:s5+$0x5F20]  }
0xb5: {  	v0 =	vsub.f32 v0, v1;
	v1 =	vld [tilespmem:s5+$0x7F20]  }
0xb6: {  	v7 =	vld [tilespmem:s5+$0x5F30]  }
0xb7: {  	v2 =	vsub.f32 v2, v3;
	v3 =	vld [tilespmem:s5+$0x7F30]  }
0xb8: {  	v4 =	vsub.f32 v4, v5;
	v5 =	vld [tilespmem:s5+$0x5F90];
	v0 =	vand.u32 $0x7FFFFFFF, v0  }
0xb9: {  	[tilespmem:s5+$0xA0B0] =	vst v0;
	v0 =	vand.u32 $0x7FFFFFFF, v2;
	v2 =	vld [tilespmem:s5+$0x5F80]  }
0xba: {  	v4 =	vand.u32 $0x7FFFFFFF, v4;
	[tilespmem:s5+$0x9F00] =	vst v0;
	v0 =	vld [tilespmem:s5+$0x7F80];
	v1 =	vsub.f32 v6, v1  }
0xbb: {  	[tilespmem:s5+$0x9F10] =	vst v4;
	v4 =	vld [tilespmem:s5+$0x7F90]  }
0xbc: {  	v6 =	vld [tilespmem:s5+$0x5FA0];
	v1 =	vand.u32 $0x7FFFFFFF, v1  }
0xbd: {  	v3 =	vsub.f32 v7, v3;
	[tilespmem:s5+$0x9F20] =	vst v1;
	v1 =	vld [tilespmem:s5+$0x7FA0]  }
0xbe: {  	v7 =	vld [tilespmem:s5+$0x5FB0]  }
0xbf: {  	v3 =	vand.u32 $0x7FFFFFFF, v3;
	v0 =	vsub.f32 v2, v0;
	v2 =	vld [tilespmem:s5+$0x7FB0]  }
0xc0: {  	[tilespmem:s5+$0x9F30] =	vst v3;
	v3 =	vld [tilespmem:s5+$0x6000];
	v4 =	vsub.f32 v5, v4  }
0xc1: {  	v5 =	vld [tilespmem:s5+$0x6010];
	v0 =	vand.u32 $0x7FFFFFFF, v0  }
0xc2: {  	v4 =	vand.u32 $0x7FFFFFFF, v4;
	[tilespmem:s5+$0x9F80] =	vst v0;
	v0 =	vld [tilespmem:s5+$0x8000];
	v1 =	vsub.f32 v6, v1  }
0xc3: {  	[tilespmem:s5+$0x9F90] =	vst v4;
	v4 =	vld [tilespmem:s5+$0x8010]  }
0xc4: {  	v6 =	vld [tilespmem:s5+$0x6020];
	v2 =	vsub.f32 v7, v2;
	v1 =	vand.u32 $0x7FFFFFFF, v1  }
0xc5: {  	[tilespmem:s5+$0x9FA0] =	vst v1;
	v1 =	vld [tilespmem:s5+$0x8020]  }
0xc6: {  	v7 =	vld [tilespmem:s5+$0x6030];
	v2 =	vand.u32 $0x7FFFFFFF, v2  }
0xc7: {  	v0 =	vsub.f32 v3, v0;
	[tilespmem:s5+$0x9FB0] =	vst v2;
	v2 =	vld [tilespmem:s5+$0x8030]  }
0xc8: {  	v8 =	vld [tilespmem:s5+$0x6080];
	v3 =	vsub.f32 v5, v4  }
0xc9: {  	v5 =	vld [tilespmem:s5+$0x8080];
	v0 =	vand.u32 $0x7FFFFFFF, v0  }
0xca: {  	v3 =	vand.u32 $0x7FFFFFFF, v3;
	[tilespmem:s5+$0xA000] =	vst v0;
	v0 =	vld [tilespmem:s5+$0x6090];
	v1 =	vsub.f32 v6, v1  }
0xcb: {  	[tilespmem:s5+$0xA010] =	vst v3;
	v3 =	vld [tilespmem:s5+$0x8090]  }
0xcc: {  	v6 =	vsub.f32 v7, v2;
	v4 =	vand.u32 $0x7FFFFFFF, v1;
	v1 =	vld [tilespmem:s5+$0x60A0]  }
0xcd: {  	s7 =	simm.s32 $0x200;
	[tilespmem:s5+$0xA020] =	vst v4;
	v4 =	vld [tilespmem:s5+$0x80A0]  }
0xce: {  	s16 =	simm.s32 $0x1000;
	v5 =	vsub.f32 v8, v5;
	v6 =	vand.u32 $0x7FFFFFFF, v6;
	v2 =	vld [tilespmem:s7+$0x60B0]  }
.LBB2_5:
0xcf: {  	p1 =	sne.s32 s16, $0x3800;
	v7 =	vld [tilespmem:s7+$0x80B0];
	[tilespmem:s5+$0xA030] =	vst v6  }
0xd0: {  	v6 =	vld [tilespmem:s7+$0x5F00];
	v5 =	vand.u32 $0x7FFFFFFF, v5;
	v0 =	vsub.f32 v0, v3  }
0xd1: {  	v3 =	vld [tilespmem:s7+$0x7F00];
	[tilespmem:s5+$0xA080] =	vst v5  }
0xd2: {  	v5 =	vld [tilespmem:s7+$0x5F10];
	v0 =	vand.u32 $0x7FFFFFFF, v0;
	v1 =	vsub.f32 v1, v4  }
0xd3: {  	v4 =	vld [tilespmem:s7+$0x7F10];
	[tilespmem:s5+$0xA090] =	vst v0  }
0xd4: {  	v0 =	vld [tilespmem:s7+$0x5F20];
	v2 =	vsub.f32 v2, v7;
	v1 =	vand.u32 $0x7FFFFFFF, v1  }
0xd5: {  	v7 =	vld [tilespmem:s7+$0x7F20];
	[tilespmem:s5+$0xA0A0] =	vst v1;
	s5 =	smov.u32 s7  }
0xd6: {  	v1 =	vsub.f32 v6, v3;
	v3 =	vld [tilespmem:s5+$0x5F30];
	v2 =	vand.u32 $0x7FFFFFFF, v2  }
0xd7: {  	v6 =	vld [tilespmem:s5+$0x7F30];
	[tilespmem:s5+$0xA0B0] =	vst v2  }
0xd8: {  	v1 =	vand.u32 $0x7FFFFFFF, v1;
	v2 =	vsub.f32 v5, v4;
	v4 =	vld [tilespmem:s5+$0x5F80]  }
0xd9: {  	[tilespmem:s5+$0x9F00] =	vst v1;
	v1 =	vld [tilespmem:s5+$0x7F80]  }
0xda: {  	v2 =	vand.u32 $0x7FFFFFFF, v2;
	v0 =	vsub.f32 v0, v7;
	v5 =	vld [tilespmem:s5+$0x5F90]  }
0xdb: {  	[tilespmem:s5+$0x9F10] =	vst v2;
	v2 =	vld [tilespmem:s5+$0x7F90]  }
0xdc: {  	v0 =	vand.u32 $0x7FFFFFFF, v0;
	v3 =	vsub.f32 v3, v6;
	v6 =	vld [tilespmem:s5+$0x5FA0]  }
0xdd: {  	[tilespmem:s5+$0x9F20] =	vst v0;
	v0 =	vld [tilespmem:s5+$0x7FA0]  }
0xde: {  	v3 =	vand.u32 $0x7FFFFFFF, v3;
	v1 =	vsub.f32 v4, v1;
	v4 =	vld [tilespmem:s5+$0x5FB0]  }
0xdf: {  	[tilespmem:s5+$0x9F30] =	vst v3;
	v3 =	vld [tilespmem:s5+$0x7FB0]  }
0xe0: {  	v1 =	vand.u32 $0x7FFFFFFF, v1;
	v2 =	vsub.f32 v5, v2;
	v5 =	vld [tilespmem:s5+$0x6000]  }
0xe1: {  	[tilespmem:s5+$0x9F80] =	vst v1;
	v1 =	vld [tilespmem:s5+$0x8000]  }
0xe2: {  	v2 =	vand.u32 $0x7FFFFFFF, v2;
	v0 =	vsub.f32 v6, v0;
	v6 =	vld [tilespmem:s5+$0x6010]  }
0xe3: {  	[tilespmem:s5+$0x9F90] =	vst v2;
	v2 =	vld [tilespmem:s5+$0x8010]  }
0xe4: {  	v0 =	vand.u32 $0x7FFFFFFF, v0;
	v3 =	vsub.f32 v4, v3;
	v4 =	vld [tilespmem:s5+$0x6020]  }
0xe5: {  	[tilespmem:s5+$0x9FA0] =	vst v0;
	v0 =	vld [tilespmem:s5+$0x8020]  }
0xe6: {  	v3 =	vand.u32 $0x7FFFFFFF, v3;
	v1 =	vsub.f32 v5, v1;
	v5 =	vld [tilespmem:s5+$0x6030]  }
0xe7: {  	[tilespmem:s5+$0x9FB0] =	vst v3;
	v7 =	vld [tilespmem:s5+$0x8030]  }
0xe8: {  	v1 =	vand.u32 $0x7FFFFFFF, v1;
	v2 =	vsub.f32 v6, v2;
	v8 =	vld [tilespmem:s5+$0x6080]  }
0xe9: {  	[tilespmem:s5+$0xA000] =	vst v1;
	v9 =	vld [tilespmem:s5+$0x8080]  }
.Ltmp1:
0xea: {  	v1 =	vand.u32 $0x7FFFFFFF, v2;
	v2 =	vsub.f32 v4, v0;
	v0 =	vld [tilespmem:s5+$0x6090];
	(pc) =	sbr.rel @p1 .LBB2_5-.Ltmp1, $4  }
0xeb: {  	[tilespmem:s5+$0xA010] =	vst v1;
	v3 =	vld [tilespmem:s5+$0x8090]  }
0xec: {  	v2 =	vand.u32 $0x7FFFFFFF, v2;
	v5 =	vsub.f32 v5, v7;
	v1 =	vld [tilespmem:s5+$0x60A0]  }
0xed: {  	s7 =	sshra.s32 s16, $0x2;
	[tilespmem:s5+$0xA020] =	vst v2;
	v4 =	vld [tilespmem:s5+$0x80A0]  }
0xee: {  	s16 =	sadd.s32 $0x800, s16;
	v2 =	vld [tilespmem:s7+$0x60B0];
	v6 =	vand.u32 $0x7FFFFFFF, v5;
	v5 =	vsub.f32 v8, v9  }
0xef: {  	v7 =	vld [tilespmem:s7+$0x80B0];
	[tilespmem:s5+$0xA030] =	vst v6  }
0xf0: {  	v6 =	vld [tilespmem:s7+$0x5F00];
	v5 =	vand.u32 $0x7FFFFFFF, v5;
	v0 =	vsub.f32 v0, v3  }
0xf1: {  	v8 =	vld [tilespmem:s7+$0x7F00];
	[tilespmem:s5+$0xA080] =	vst v5  }
0xf2: {  	v36 =	vld [tilespmem:s7+$0x5F10];
	v0 =	vand.u32 $0x7FFFFFFF, v0;
	v1 =	vsub.f32 v1, v4  }
0xf3: {  	v5 =	vld [tilespmem:s7+$0x7F10];
	[tilespmem:s5+$0xA090] =	vst v0  }
0xf4: {  	v0 =	vld [tilespmem:s7+$0x5F20];
	v1 =	vand.u32 $0x7FFFFFFF, v1  }
0xf5: {  	v37 =	vld [tilespmem:s7+$0x7F20];
	[tilespmem:s5+$0xA0A0] =	vst v1  }
0xf6: {  	v1 =	vld [tilespmem:s7+$0x5F30]  }
0xf7: {  	v38 =	vld [tilespmem:s7+$0x7F30]  }
0xf8: {  	v40 =	vld [tilespmem:s7+$0x5F80]  }
0xf9: {  	v41 =	vld [tilespmem:s7+$0x7F80]  }
0xfa: {  	v42 =	vld [tilespmem:s7+$0x5F90]  }
0xfb: {  	v43 =	vld [tilespmem:s7+$0x7F90]  }
0xfc: {  	v44 =	vld [tilespmem:s7+$0x5FA0]  }
0xfd: {  	v45 =	vld [tilespmem:s7+$0x7FA0]  }
0xfe: {  	v46 =	vld [tilespmem:s7+$0x5FB0]  }
0xff: {  	v47 =	vld [tilespmem:s7+$0x7FB0]  }
0x100: {  	v48 =	vld [tilespmem:s7+$0x6000]  }
0x101: {  	v49 =	vld [tilespmem:s7+$0x8000]  }
0x102: {  	v50 =	vld [tilespmem:s7+$0x6010]  }
0x103: {  	v2 =	vsub.f32 v2, v7;
	v51 =	vld [tilespmem:s7+$0x8010]  }
0x104: {  	v6 =	vsub.f32 v6, v8;
	v52 =	vld [tilespmem:s7+$0x6020]  }
0x105: {  	v2 =	vand.u32 $0x7FFFFFFF, v2;
	v53 =	vld [tilespmem:s7+$0x8020];
	v3 =	vsub.f32 v36, v5  }
0x106: {  	v54 =	vld [tilespmem:s7+$0x6030];
	[tilespmem:s7+$0xA0B0] =	vst v2;
	v39 =	vand.u32 $0x7FFFFFFF, v6;
	v0 =	vsub.f32 v0, v37  }
0x107: {  	v55 =	vld [tilespmem:s7+$0x8030];
	[tilespmem:s7+$0x9F00] =	vst v39;
	v3 =	vand.u32 $0x7FFFFFFF, v3;
	v1 =	vsub.f32 v1, v38  }
0x108: {  	v56 =	vld [tilespmem:s7+$0x6080];
	[tilespmem:s7+$0x9F10] =	vst v3;
	v0 =	vand.u32 $0x7FFFFFFF, v0;
	v2 =	vsub.f32 v40, v41  }
0x109: {  	v57 =	vld [tilespmem:s7+$0x8080];
	v3 =	vsub.f32 v42, v43;
	[tilespmem:s7+$0x9F20] =	vst v0;
	v1 =	vand.u32 $0x7FFFFFFF, v1  }
0x10a: {  	v58 =	vld [tilespmem:s7+$0x6090];
	v0 =	vsub.f32 v44, v45;
	v2 =	vand.u32 $0x7FFFFFFF, v2;
	[tilespmem:s7+$0x9F30] =	vst v1  }
0x10b: {  	v59 =	vld [tilespmem:s7+$0x8090];
	v3 =	vand.u32 $0x7FFFFFFF, v3;
	[tilespmem:s7+$0x9F80] =	vst v2;
	v1 =	vsub.f32 v46, v47  }
0x10c: {  	v60 =	vld [tilespmem:s7+$0x60A0];
	[tilespmem:s7+$0x9F90] =	vst v3;
	v0 =	vand.u32 $0x7FFFFFFF, v0;
	v2 =	vsub.f32 v48, v49  }
0x10d: {  	v61 =	vld [tilespmem:s7+$0x80A0];
	v3 =	vsub.f32 v50, v51;
	[tilespmem:s7+$0x9FA0] =	vst v0;
	v1 =	vand.u32 $0x7FFFFFFF, v1  }
0x10e: {  	v0 =	vsub.f32 v52, v53;
	v2 =	vand.u32 $0x7FFFFFFF, v2;
	[tilespmem:s7+$0x9FB0] =	vst v1  }
0x10f: {  	v3 =	vand.u32 $0x7FFFFFFF, v3;
	[tilespmem:s7+$0xA000] =	vst v2;
	v1 =	vsub.f32 v54, v55  }
0x110: {  	[tilespmem:s7+$0xA010] =	vst v3;
	v0 =	vand.u32 $0x7FFFFFFF, v0;
	v2 =	vsub.f32 v56, v57  }
0x111: {  	v3 =	vsub.f32 v58, v59;
	[tilespmem:s7+$0xA020] =	vst v0;
	v1 =	vand.u32 $0x7FFFFFFF, v1  }
.Ltmp2:
0x112: {  	v0 =	vsub.f32 v60, v61;
	v62 =	vand.u32 $0x7FFFFFFF, v2;
	[tilespmem:s7+$0xA030] =	vst v1;
	(pc) =	sbr.rel @p2 .LBB2_8-.Ltmp2, $4  }
0x113: {  	s16 =	sadd.s32 s30, s10;
	v63 =	vand.u32 $0x7FFFFFFF, v3;
	[tilespmem:s7+$0xA080] =	vst v62  }
0x114: {  	s5 =	sshll.u32 s16, $0x4;
	[tilespmem:s7+$0xA090] =	vst v63;
	v0 =	vand.u32 $0x7FFFFFFF, v0  }
0x115: {  	s5 =	sadd.s32 s3, s5;
	[tilespmem:s7+$0xA0A0] =	vst v0  }
0x116: {  	[hbm4b:s5+s2] =	stream.linear.scatter [tilespmem:s26], [sflag:$0x4], $0x1000, $0x38;
	[tilespmem:$0x1E780] =	vst v63  }
.Ltmp3:
0x117: {  	(pc) =	sbr.rel .LBB2_2-.Ltmp3, $4  }
0x118: {  	s5 =	sadd.s32 $0x60, s30  }
0x119: {  	[tilespmem:s20], [sflag:$0x2] =	stream.indirect.gather [spmem:s1], $0x80, s5, s17, $0xb8;
	[tilespmem:$0x1E780] =	vst v63  }
0x11a: {  	s30 =	sadd.s32 $0x27E0, s30;
	s29 =	sadd.s32 $0x1, s29  }
0x11b: {  	[tilespmem:s22], [sflag:$0x2] =	stream.indirect.gather [spmem:s1], $0x80, s30, s17, $0xb8;
	[tilespmem:$0x1E780] =	vst v63  }
.LBB2_8:
0x11c: {  	s5 =	simm.s32 $0x2700  }
0x11d: {  	[tilespmem:s18], [sflag:$0x1] =	stream.indirect.gather [spmem:s1], $0x80, s5, s28, $0xb8;
	[tilespmem:$0x1E780] =	vst v63  }
0x11e: {  	s30 =	simm.s32 $0x4E80  }
0x11f: {  	[tilespmem:s19], [sflag:$0x1] =	stream.indirect.gather [spmem:s1], $0x80, s30, s28, $0xb8;
	[tilespmem:$0x1E780] =	vst v63  }
0x120: {  	_ =	swait.ge [sflag:s23], $0x800  }
0x121: {  	[sflag:s23] =	ssyncset.done $0x0  }
0x122: {  	[sflag:s23] =	ssyncadd.s32 $0xFFFFF800  }
0x123: {  	_ =	swait.ge [sflag:s23], $0x800  }
0x124: {  	[sflag:s23] =	ssyncset.done $0x0  }
0x125: {  	[sflag:s23] =	ssyncadd.s32 $0xFFFFF800  }
0x126: {  	_ =	swait.ge [sflag:s31], $0x1000  }
0x127: {  	[sflag:s31] =	ssyncset.done $0x0  }
0x128: {  	s7 =	simm.s32 $0x0;
	[sflag:s31] =	ssyncadd.s32 $0xFFFFF000  }
0x129: {  	v2 =	vld [tilespmem:s7+$0x4F30]  }
0x12a: {  	v3 =	vld [tilespmem:s7+$0x6F30]  }
0x12b: {  	v5 =	vld [tilespmem:s7+$0x4F00]  }
0x12c: {  	v6 =	vld [tilespmem:s7+$0x6F00]  }
0x12d: {  	v1 =	vld [tilespmem:s7+$0x4F10]  }
0x12e: {  	v4 =	vld [tilespmem:s7+$0x6F10]  }
0x12f: {  	v0 =	vld [tilespmem:s7+$0x4F20];
	v7 =	vsub.f32 v2, v3  }
0x130: {  	s5 =	simm.s32 $0x80;
	v3 =	vld [tilespmem:s7+$0x6F20]  }
0x131: {  	s16 =	simm.s32 $0x400;
	v2 =	vld [tilespmem:s5+$0x4F30];
	v5 =	vsub.f32 v5, v6;
	v6 =	vand.u32 $0x7FFFFFFF, v7  }
.LBB2_9:
0x132: {  	p1 =	sne.s32 s16, $0x1E00;
	v7 =	vld [tilespmem:s5+$0x6F30];
	[tilespmem:s7+$0x8F30] =	vst v6  }
0x133: {  	v6 =	vld [tilespmem:s5+$0x4F00];
	v5 =	vand.u32 $0x7FFFFFFF, v5;
	v4 =	vsub.f32 v1, v4  }
0x134: {  	v8 =	vld [tilespmem:s5+$0x6F00];
	[tilespmem:s7+$0x8F00] =	vst v5  }
.Ltmp4:
0x135: {  	v1 =	vld [tilespmem:s5+$0x4F10];
	v5 =	vand.u32 $0x7FFFFFFF, v4;
	v3 =	vsub.f32 v0, v3;
	(pc) =	sbr.rel @p1 .LBB2_9-.Ltmp4, $4  }
0x136: {  	v4 =	vld [tilespmem:s5+$0x6F10];
	[tilespmem:s7+$0x8F10] =	vst v5  }
0x137: {  	v0 =	vld [tilespmem:s5+$0x4F20];
	v7 =	vsub.f32 v2, v7;
	v2 =	vand.u32 $0x7FFFFFFF, v3  }
0x138: {  	v3 =	vld [tilespmem:s5+$0x6F20];
	[tilespmem:s7+$0x8F20] =	vst v2;
	s7 =	smov.u32 s5;
	s5 =	sshra.s32 s16, $0x2  }
0x139: {  	s16 =	sadd.s32 $0x200, s16;
	v2 =	vld [tilespmem:s5+$0x4F30];
	v5 =	vsub.f32 v6, v8;
	v6 =	vand.u32 $0x7FFFFFFF, v7  }
0x13a: {  	v7 =	vld [tilespmem:s5+$0x6F30];
	[tilespmem:s7+$0x8F30] =	vst v6  }
0x13b: {  	v6 =	vld [tilespmem:s5+$0x4F00];
	v5 =	vand.u32 $0x7FFFFFFF, v5;
	v1 =	vsub.f32 v1, v4  }
0x13c: {  	v8 =	vld [tilespmem:s5+$0x6F00];
	[tilespmem:s7+$0x8F00] =	vst v5  }
0x13d: {  	v57 =	vld [tilespmem:s5+$0x4F10];
	v1 =	vand.u32 $0x7FFFFFFF, v1  }
0x13e: {  	v5 =	vld [tilespmem:s5+$0x6F10];
	[tilespmem:s7+$0x8F10] =	vst v1  }
0x13f: {  	v1 =	vld [tilespmem:s5+$0x4F20]  }
0x140: {  	v9 =	vld [tilespmem:s5+$0x6F20]  }
0x141: {  	v0 =	vsub.f32 v0, v3  }
0x142: {  	v2 =	vsub.f32 v2, v7  }
0x143: {  	v0 =	vand.u32 $0x7FFFFFFF, v0;
	v58 =	vsub.f32 v6, v8  }
0x144: {  	[tilespmem:s7+$0x8F20] =	vst v0;
	v59 =	vand.u32 $0x7FFFFFFF, v2;
	v60 =	vsub.f32 v57, v5  }
0x145: {  	[tilespmem:s5+$0x8F30] =	vst v59;
	v61 =	vand.u32 $0x7FFFFFFF, v58;
	v1 =	vsub.f32 v1, v9  }
0x146: {  	[tilespmem:s5+$0x8F00] =	vst v61;
	v62 =	vand.u32 $0x7FFFFFFF, v60  }
0x147: {  	[tilespmem:s5+$0x8F10] =	vst v62;
	v63 =	vand.u32 $0x7FFFFFFF, v1  }
0x148: {  	s21 =	sadd.s32 $0x1, s21;
	[tilespmem:s5+$0x8F20] =	vst v63  }
0x149: {  	[hbm4b:s11+s2] =	stream.linear.scatter [tilespmem:s24], [sflag:$0x3], $0x800, $0x38;
	[tilespmem:$0x1E780] =	vst v63  }
0x14a: {  	p1 =	sne.s32 s21, s12;
	_ =	swait.ge [sflag:s31], $0x800  }
.Ltmp5:
0x14b: {  	[sflag:s31] =	ssyncset.done $0x0;
	(pc) =	sbr.rel @p1 .LBB2_1-.Ltmp5, $4  }
0x14c: {  	[sflag:s31] =	ssyncadd.s32 $0xFFFFF800  }
0x14d: {  	_ =	swait.ge [sflag:s0], $0x1000  }
0x14e: {  	[sflag:s0] =	ssyncset.done $0x0  }
0x14f: {  	[sflag:s0] =	ssyncadd.s32 $0xFFFFF000  }
0x150: {  	_ =	sfence.sel $0x180000  }
0x151: {  	[bflag:$0x0] =	sbarrier.arrive $0xFFFF  }
0x152: {  	_ =	strace $0x9000004A  }
0x153: {  	[bflag:$0x2] =	sbarrier.arrive $0xFFFF  }
0x154: {  	s0 =	rddreg [dreg:$0x5]  }
0x155: {  	s0 =	sadd.s32 @!p0 $0x100000, s0  }
0x156: {  	[sflag:s0] =	ssyncadd.tile.s32 @!p0 $0x1;
	_ =	shalt  }
.Lfunc_end2:
_tile_overlayer_lowered:
.L_overlay_start_2:
0x157: {  	(tag) =	ssettag $0x2  }
0x158: {  	s0 =	rddreg [dreg:$0x0];
	s2 =	stileid.u32  }
0x159: {  	s1 =	rddreg [dreg:$0x1];
	p0 =	sne.s32 s2, $0x0  }
0x15a: {  	s3 =	rddreg [dreg:$0x2];
	[bflag:$0x3] =	sbarrier.arrive $0xFFFF;
	s2 =	simm.s32 @!p0 $0x1C05  }
0x15b: {  	[timem:s3], [sflag:s2] =	dma.local @!p0 [hbm:s0], s1  }
0x15c: {  	s0 =	simm.s32 @!p0 $0x5  }
0x15d: {  	_ =	swait.ge @!p0 [sflag:s0], s1  }
0x15e: {  	s1 =	ssub.s32 @!p0 $0x0, s1;
	[sflag:s0] =	ssyncset.done @!p0 $0x0  }
0x15f: {  	[sflag:s0] =	ssyncadd.s32 @!p0 s1  }
0x160: {  	[bflag:$0x3] =	sbarrier.arrive $0xFFFF  }
0x161: {  	_ =	shalt  }

</sc_bundles>
